<compile_context>
chip_gen: v7x
topology: tpu7x:2x2x1
jax: 0.10.2.dev20260603
libtpu: 0.0.44.dev20260713+nightly
codegen_flags: <defaults>
</compile_context>

<pallas_src>
import functools

import jax
import jax.numpy as jnp
from jax import lax
from jax.experimental import pallas as pl
from jax.experimental.pallas import tpu as pltpu
from jax.experimental.pallas import tpu_sc as plsc

N = 10000
E = 320000
D = 192
DP = 256

NC = 2
NS = 16
L = 16
NW = NC * NS
EPW = E // NW
CHUNK = 80
NCHUNK = EPW // CHUNK
RBLK = 80
NBLK = N // RBLK
BPT = (NBLK + NS - 1) // NS

_SC_MESH = plsc.VectorSubcoreMesh(
    core_axis_name="c", subcore_axis_name="s", num_cores=NC, num_subcores=NS
)


@functools.partial(
    pl.kernel,
    out_type=jax.ShapeDtypeStruct((E, D), jnp.float32),
    mesh=_SC_MESH,
    scratch_types=[
        pltpu.VMEM((CHUNK,), jnp.int32),
        pltpu.VMEM((CHUNK,), jnp.int32),
        pltpu.VMEM((CHUNK,), jnp.int32),
        pltpu.VMEM((CHUNK,), jnp.int32),
        pltpu.VMEM((CHUNK, DP), jnp.float32),
        pltpu.VMEM((CHUNK, DP), jnp.float32),
        pltpu.VMEM((CHUNK, DP), jnp.float32),
        pltpu.VMEM((CHUNK, DP), jnp.float32),
        pltpu.VMEM((CHUNK, D), jnp.float32),
        pltpu.VMEM((CHUNK, D), jnp.float32),
        pltpu.SemaphoreType.DMA,
        pltpu.SemaphoreType.DMA,
        pltpu.SemaphoreType.DMA,
        pltpu.SemaphoreType.DMA,
    ],
)
def _gather_mul(src_hbm, dst_hbm, h_hbm, h2_hbm,
                ixs0, ixd0, ixs1, ixd1, rs0, rd0, rs1, rd1, pr0, pr1,
                gs0, gs1, ws0, ws1):
    cid = lax.axis_index("c")
    sid = lax.axis_index("s")
    wid = sid * NC + cid
    base0 = wid * EPW

    sets = ((ixs0, ixd0, rs0, rd0, pr0, gs0, ws0),
            (ixs1, ixd1, rs1, rd1, pr1, gs1, ws1))

    def issue(c, b):
        ixs, ixd, rs, rd, _, gs, _ = sets[b]
        base = base0 + c * CHUNK
        pltpu.sync_copy(src_hbm.at[pl.ds(base, CHUNK)], ixs)
        pltpu.sync_copy(dst_hbm.at[pl.ds(base, CHUNK)], ixd)
        pltpu.async_copy(h_hbm.at[ixs], rs, gs)
        pltpu.async_copy(h_hbm.at[ixd], rd, gs)

    def step(c, b, last):
        ixs, ixd, rs, rd, pr, gs, ws = sets[b]
        if not last:
            issue(c + 1, 1 - b)
        pltpu.make_async_copy(h_hbm.at[ixs], rs, gs).wait()
        pltpu.make_async_copy(h_hbm.at[ixd], rd, gs).wait()

        @pl.when(c >= 2)
        def _():
            pltpu.make_async_copy(
                pr, h2_hbm.at[pl.ds(base0, CHUNK)], ws).wait()

        def edge_body(i, carry2):
            for j in range(D // L):
                sl = pl.ds(j * L, L)
                pr[i, sl] = rs[i, sl] * rd[i, sl]
            return carry2

        lax.fori_loop(0, CHUNK, edge_body, 0, unroll=False)
        pltpu.async_copy(pr, h2_hbm.at[pl.ds(base0 + c * CHUNK, CHUNK)], ws)

    issue(0, 0)

    def pair_body(k, carry):
        step(2 * k, 0, False)
        step(2 * k + 1, 1, False)
        return carry

    lax.fori_loop(0, NCHUNK // 2, pair_body, 0, unroll=False)
    step(NCHUNK - 1, 0, True)

    pltpu.make_async_copy(pr1, h2_hbm.at[pl.ds(base0, CHUNK)], ws1).wait()
    pltpu.make_async_copy(pr0, h2_hbm.at[pl.ds(base0, CHUNK)], ws0).wait()


_BE = 512


def _gate_body(h2_ref, w1t_ref, b1_ref, a_ref, w2_ref, b2_ref, e_ref,
               erep_ref):
    t = jnp.dot(h2_ref[...], w1t_ref[...], preferred_element_type=jnp.float32)
    t = t + b1_ref[...]
    a = a_ref[0, 0]
    t = jnp.where(t >= 0, t, a * t)
    g = lax.dot_general(w2_ref[...], t, (((1,), (1,)), ((), ())),
                        preferred_element_type=jnp.float32)
    e = jnp.tanh(g + b2_ref[0, 0])
    e_ref[...] = e
    erep_ref[...] = jnp.broadcast_to(e.reshape(_BE, 1), (_BE, L))


_gate = pl.pallas_call(
    _gate_body,
    grid=(E // _BE,),
    in_specs=[
        pl.BlockSpec((_BE, D), lambda i: (i, 0)),
        pl.BlockSpec((D, D), lambda i: (0, 0)),
        pl.BlockSpec((1, D), lambda i: (0, 0)),
        pl.BlockSpec((1, 1), lambda i: (0, 0)),
        pl.BlockSpec((1, D), lambda i: (0, 0)),
        pl.BlockSpec((1, 1), lambda i: (0, 0)),
    ],
    out_specs=[
        pl.BlockSpec((1, _BE), lambda i: (0, i)),
        pl.BlockSpec((_BE, L), lambda i: (i, 0)),
    ],
    out_shape=[
        jax.ShapeDtypeStruct((1, E), jnp.float32),
        jax.ShapeDtypeStruct((E, L), jnp.float32),
    ],
)


HP = 128
CH_C = 40
EPT = E // NS
NCH_C = EPT // CH_C


@functools.partial(
    pl.kernel,
    out_type=jax.ShapeDtypeStruct((NC, N, HP), jnp.float32),
    mesh=_SC_MESH,
    scratch_types=[
        pltpu.VMEM((CH_C,), jnp.int32),
        pltpu.VMEM((CH_C,), jnp.int32),
        pltpu.VMEM((CH_C,), jnp.int32),
        pltpu.VMEM((CH_C,), jnp.int32),
        pltpu.VMEM((CH_C, L), jnp.float32),
        pltpu.VMEM((CH_C, L), jnp.float32),
        pltpu.VMEM((CH_C, HP), jnp.float32),
        pltpu.VMEM((CH_C, HP), jnp.float32),
        pltpu.VMEM((CH_C, HP), jnp.float32),
        pltpu.VMEM((CH_C, HP), jnp.float32),
        pltpu.VMEM_SHARED((N, HP), jnp.float32),
        pltpu.SemaphoreType.DMA,
        pltpu.SemaphoreType.DMA,
        pltpu.SemaphoreType.DMA,
        pltpu.SemaphoreType.DMA,
    ],
)
def _scatter_sum(srclo_hbm, srchi_hbm, dst_hbm, erep_hbm, tbl_hbm, zeros_hbm,
                 zp_hbm,
                 ixs0, ixs1, ixd0, ixd1, em0, em1,
                 rg0, rg1, rw0, rw1, z_sh,
                 gs0, gs1, ss0, ss1):
    cid = lax.axis_index("c")
    sid = lax.axis_index("s")
    base0 = sid * EPT

    def load_src(base, ixs):
        @pl.when(cid == 0)
        def _():
            pltpu.sync_copy(srclo_hbm.at[pl.ds(base, CH_C)], ixs)

        @pl.when(cid != 0)
        def _():
            pltpu.sync_copy(srchi_hbm.at[pl.ds(base, CH_C)], ixs)

    sets = ((ixs0, ixd0, em0, rg0, rw0, gs0, ss0),
            (ixs1, ixd1, em1, rg1, rw1, gs1, ss1))

    for j in range(BPT):
        b = sid + j * NS

        @pl.when(b < NBLK)
        def _():
            pltpu.sync_copy(zeros_hbm, z_sh.at[pl.ds(b * RBLK, RBLK)])

    plsc.subcore_barrier()

    def drain_scatter(b):
        _, ixd, _, _, rw, _, ss = sets[b]
        pltpu.make_async_copy(rw, z_sh.at[ixd], ss).wait()

    def step(c, b, last):
        ixs, ixd, em, rg, rw, gs, ss = sets[b]
        nb = 1 - b
        ixs_n, ixd_n, em_n, rg_n, _, gs_n, _ = sets[nb]
        if not last:
            nbase = base0 + (c + 1) * CH_C
            load_src(nbase, ixs_n)
            pltpu.sync_copy(erep_hbm.at[pl.ds(nbase, CH_C)], em_n)
            pltpu.async_copy(tbl_hbm.at[ixs_n], rg_n, gs_n)
        pltpu.make_async_copy(tbl_hbm.at[ixs], rg, gs).wait()

        def edge_body(i, carry2):
            eb = em[i, :]
            for j in range(HP // L):
                sl = pl.ds(j * L, L)
                rw[i, sl] = rg[i, sl] * eb
            return carry2

        lax.fori_loop(0, CH_C, edge_body, 0, unroll=False)

        @pl.when(c >= 1)
        def _():
            drain_scatter(nb)

        if not last:
            pltpu.sync_copy(dst_hbm.at[pl.ds(base0 + (c + 1) * CH_C, CH_C)],
                            ixd_n)
        pltpu.async_copy(rw, z_sh.at[ixd], ss, add=True)

    load_src(base0, ixs0)
    pltpu.sync_copy(erep_hbm.at[pl.ds(base0, CH_C)], em0)
    pltpu.async_copy(tbl_hbm.at[ixs0], rg0, gs0)
    pltpu.sync_copy(dst_hbm.at[pl.ds(base0, CH_C)], ixd0)

    def pair_body(k, carry):
        step(2 * k, 0, False)
        step(2 * k + 1, 1, False)
        return carry

    lax.fori_loop(0, NCH_C // 2 - 1, pair_body, 0, unroll=False)
    step(NCH_C - 2, 0, False)
    step(NCH_C - 1, 1, True)
    drain_scatter(1)
    plsc.subcore_barrier()

    for j in range(BPT):
        b = sid + j * NS

        @pl.when(b < NBLK)
        def _():
            pltpu.sync_copy(z_sh.at[pl.ds(b * RBLK, RBLK)],
                            zp_hbm.at[cid, pl.ds(b * RBLK, RBLK)])


def kernel(h, edge_index, W1, b1, a, W2, b2):
    src = edge_index[0]
    dst = edge_index[1]
    h_pad = jnp.pad(h, ((0, 0), (0, DP - D)))
    h2 = _gather_mul(src, dst, h_pad)
    e_row, e_rep = _gate(
        h2,
        W1.T,
        b1.reshape(1, D),
        jnp.asarray(a, jnp.float32).reshape(1, 1),
        W2,
        b2.reshape(1, 1),
    )
    e = e_row.reshape(E)
    zeros = jnp.zeros((RBLK, HP), jnp.float32)
    tbl2 = h_pad.reshape(2 * N, HP)
    src2 = src * 2
    zp = _scatter_sum(src2, src2 + 1, dst, e_rep, tbl2, zeros)
    z = jnp.concatenate([zp[0], zp[1, :, : D - HP]], axis=1)
    return (z, e.reshape(E, 1))

# --- scband reference (transcript-rebuilt; emitter-appended) ---
"""Pipeline reference for scband-falayer-8710193676510 (READ-ONLY COPY).

The authoritative reference and input builder live on the scoring server;
editing this copy changes nothing except your own understanding.
"""

import jax, jax.numpy as jnp
import numpy as np

N = 10000
E = 320000
IN_DIM = 128
D = 3 * IN_DIM // 2  # 192; the gate MLP forces h's feature dim to 3*in_dim//2


def setup_inputs(seed: int = 0) -> dict:
    key = jax.random.key(seed)
    k1, k2, k3, k4, k5, k6 = jax.random.split(key, 6)
    h = jax.random.normal(k1, (N, D), dtype=jnp.float32)
    edge_index = jax.random.randint(k2, (2, E), 0, N, dtype=jnp.int32)
    # gate = Sequential(Linear(D, D), PReLU(), Linear(D, 1), Tanh())
    W1 = jax.random.normal(k3, (D, D), dtype=jnp.float32) * (1.0 / np.sqrt(D))
    b1 = jnp.zeros((D,), dtype=jnp.float32)
    a = jnp.asarray(0.25, dtype=jnp.float32)  # PReLU slope (torch default)
    W2 = jax.random.normal(k4, (1, D), dtype=jnp.float32) * (1.0 / np.sqrt(D))
    b2 = jnp.zeros((1,), dtype=jnp.float32)
    return {"h": h, "edge_index": edge_index, "W1": W1, "b1": b1, "a": a, "W2": W2, "b2": b2}


def reference(h, edge_index, W1, b1, a, W2, b2):
    src = edge_index[0]
    dst = edge_index[1]
    # edge_applying: h2 = dst_h * src_h ; g = gate(h2) ; e = dropout(g) (identity at eval)
    h2 = h[dst] * h[src]                      # [E, D] gather
    t = h2 @ W1.T + b1                        # Linear(D, D)
    t = jnp.where(t >= 0, t, a * t)           # PReLU
    g = jnp.tanh(t @ W2.T + b2)               # Linear(D, 1) + Tanh -> [E, 1]
    e = g                                     # dropout = identity (eval mode)
    # update_all(u_mul_e('h','e'), sum): z[v] = sum_{(u,v) in E} h[u] * e[uv]
    m = h[src] * e                            # [E, D]
    z = jax.ops.segment_sum(m, dst, num_segments=N)  # scatter-add over dst
    return (z, e)

if __name__ == "__main__":
    import jax
    _d = setup_inputs()
    print(jax.jit(kernel)(*tuple(_d.values())))

</pallas_src>

<mosaic_0001>
#map = affine_map<(d0, d1) -> (0)>
#map1 = affine_map<(d0, d1) -> (0, 0)>
#map2 = affine_map<(d0, d1) -> (0, 0, 0)>
module attributes {stable_mosaic.version = 14 : i64} {
  func.func @_scatter_sum(%arg0: i32, %arg1: i32, %arg2: memref<320000xi32, #tpu.memory_space<hbm>>, %arg3: memref<320000xi32, #tpu.memory_space<hbm>>, %arg4: memref<320000xi32, #tpu.memory_space<hbm>>, %arg5: memref<320000x16xf32, #tpu.memory_space<hbm>>, %arg6: memref<20000x128xf32, #tpu.memory_space<hbm>>, %arg7: memref<80x128xf32, #tpu.memory_space<hbm>>, %arg8: memref<2x10000x128xf32, #tpu.memory_space<hbm>>, %arg9: memref<40xi32, #tpu.memory_space<vmem>>, %arg10: memref<40xi32, #tpu.memory_space<vmem>>, %arg11: memref<40xi32, #tpu.memory_space<vmem>>, %arg12: memref<40xi32, #tpu.memory_space<vmem>>, %arg13: memref<40x16xf32, #tpu.memory_space<vmem>>, %arg14: memref<40x16xf32, #tpu.memory_space<vmem>>, %arg15: memref<40x128xf32, #tpu.memory_space<vmem>>, %arg16: memref<40x128xf32, #tpu.memory_space<vmem>>, %arg17: memref<40x128xf32, #tpu.memory_space<vmem>>, %arg18: memref<40x128xf32, #tpu.memory_space<vmem>>, %arg19: memref<10000x128xf32, #tpu.memory_space<vmem_shared>>, %arg20: memref<!tpu.dma_semaphore, #tpu.memory_space<semaphore_mem>>, %arg21: memref<!tpu.dma_semaphore, #tpu.memory_space<semaphore_mem>>, %arg22: memref<!tpu.dma_semaphore, #tpu.memory_space<semaphore_mem>>, %arg23: memref<!tpu.dma_semaphore, #tpu.memory_space<semaphore_mem>>) attributes {dimension_semantics = [#tpu.dimension_semantics<core_parallel>, #tpu.dimension_semantics<subcore_parallel>], iteration_bounds = array<i64: 2, 16>, scalar_prefetch = 0 : i64, scratch_operands = 15 : i64, tpu.core_type = #tpu.core_type<sc_vector_subcore>, window_params = [{transform_indices = #map}, {transform_indices = #map}, {transform_indices = #map}, {transform_indices = #map1}, {transform_indices = #map1}, {transform_indices = #map1}, {transform_indices = #map2}]} {
    %mul3A = arith.constant 20000 : i32
    %mul3A_0 = arith.muli %arg1, %mul3A : i32
    %add3A = arith.constant 0 : i32
    %add3A_1 = arith.addi %arg1, %add3A : i32
    %lt3A = arith.constant 125 : i32
    %lt3A_2 = arith.cmpi slt, %add3A_1, %lt3A : i32
    %convert_element_type3A = arith.extui %lt3A_2 : i1 to i32
    %cond3A = arith.constant 0 : i32
    %cond3A_3 = arith.cmpi ne, %convert_element_type3A, %cond3A : i32
    scf.if %cond3A_3 {
      %mul3A_174 = arith.constant 80 : i32
      %mul3A_175 = arith.muli %add3A_1, %mul3A_174 : i32
      "tpu.region"() ({
        %run_scoped3A = tpu.sem_alloc : memref<!tpu.dma_semaphore, #tpu.memory_space<semaphore_mem>>
        %dma_start3A_176 = arith.constant 0 : i32
        %dma_start3A_177 = tpu.memref_slice %arg19[%mul3A_175, %dma_start3A_176] : memref<10000x128xf32, #tpu.memory_space<vmem_shared>> -> memref<80x128xf32, #tpu.memory_space<vmem_shared>>
        tpu.enqueue_dma source(%arg7 : memref<80x128xf32, #tpu.memory_space<hbm>>) target(%dma_start3A_177 : memref<80x128xf32, #tpu.memory_space<vmem_shared>>) target_semaphore(%run_scoped3A : memref<!tpu.dma_semaphore, #tpu.memory_space<semaphore_mem>>)
        %dma_wait3A_178 = arith.constant 0 : i32
        %dma_wait3A_179 = tpu.memref_slice %arg19[%mul3A_175, %dma_wait3A_178] : memref<10000x128xf32, #tpu.memory_space<vmem_shared>> -> memref<80x128xf32, #tpu.memory_space<vmem_shared>>
        tpu.wait_dma2 semaphore(%run_scoped3A : memref<!tpu.dma_semaphore, #tpu.memory_space<semaphore_mem>>) src(%arg7 : memref<80x128xf32, #tpu.memory_space<hbm>>) dst(%dma_wait3A_179 : memref<80x128xf32, #tpu.memory_space<vmem_shared>>)
        tpu.yield
      }) : () -> ()
    } else {
    }
    %add3A_4 = arith.constant 16 : i32
    %add3A_5 = arith.addi %arg1, %add3A_4 : i32
    %lt3A_6 = arith.constant 125 : i32
    %lt3A_7 = arith.cmpi slt, %add3A_5, %lt3A_6 : i32
    %convert_element_type3A_8 = arith.extui %lt3A_7 : i1 to i32
    %cond3A_9 = arith.constant 0 : i32
    %cond3A_10 = arith.cmpi ne, %convert_element_type3A_8, %cond3A_9 : i32
    scf.if %cond3A_10 {
      %mul3A_174 = arith.constant 80 : i32
      %mul3A_175 = arith.muli %add3A_5, %mul3A_174 : i32
      "tpu.region"() ({
        %run_scoped3A = tpu.sem_alloc : memref<!tpu.dma_semaphore, #tpu.memory_space<semaphore_mem>>
        %dma_start3A_176 = arith.constant 0 : i32
        %dma_start3A_177 = tpu.memref_slice %arg19[%mul3A_175, %dma_start3A_176] : memref<10000x128xf32, #tpu.memory_space<vmem_shared>> -> memref<80x128xf32, #tpu.memory_space<vmem_shared>>
        tpu.enqueue_dma source(%arg7 : memref<80x128xf32, #tpu.memory_space<hbm>>) target(%dma_start3A_177 : memref<80x128xf32, #tpu.memory_space<vmem_shared>>) target_semaphore(%run_scoped3A : memref<!tpu.dma_semaphore, #tpu.memory_space<semaphore_mem>>)
        %dma_wait3A_178 = arith.constant 0 : i32
        %dma_wait3A_179 = tpu.memref_slice %arg19[%mul3A_175, %dma_wait3A_178] : memref<10000x128xf32, #tpu.memory_space<vmem_shared>> -> memref<80x128xf32, #tpu.memory_space<vmem_shared>>
        tpu.wait_dma2 semaphore(%run_scoped3A : memref<!tpu.dma_semaphore, #tpu.memory_space<semaphore_mem>>) src(%arg7 : memref<80x128xf32, #tpu.memory_space<hbm>>) dst(%dma_wait3A_179 : memref<80x128xf32, #tpu.memory_space<vmem_shared>>)
        tpu.yield
      }) : () -> ()
    } else {
    }
    %add3A_11 = arith.constant 32 : i32
    %add3A_12 = arith.addi %arg1, %add3A_11 : i32
    %lt3A_13 = arith.constant 125 : i32
    %lt3A_14 = arith.cmpi slt, %add3A_12, %lt3A_13 : i32
    %convert_element_type3A_15 = arith.extui %lt3A_14 : i1 to i32
    %cond3A_16 = arith.constant 0 : i32
    %cond3A_17 = arith.cmpi ne, %convert_element_type3A_15, %cond3A_16 : i32
    scf.if %cond3A_17 {
      %mul3A_174 = arith.constant 80 : i32
      %mul3A_175 = arith.muli %add3A_12, %mul3A_174 : i32
      "tpu.region"() ({
        %run_scoped3A = tpu.sem_alloc : memref<!tpu.dma_semaphore, #tpu.memory_space<semaphore_mem>>
        %dma_start3A_176 = arith.constant 0 : i32
        %dma_start3A_177 = tpu.memref_slice %arg19[%mul3A_175, %dma_start3A_176] : memref<10000x128xf32, #tpu.memory_space<vmem_shared>> -> memref<80x128xf32, #tpu.memory_space<vmem_shared>>
        tpu.enqueue_dma source(%arg7 : memref<80x128xf32, #tpu.memory_space<hbm>>) target(%dma_start3A_177 : memref<80x128xf32, #tpu.memory_space<vmem_shared>>) target_semaphore(%run_scoped3A : memref<!tpu.dma_semaphore, #tpu.memory_space<semaphore_mem>>)
        %dma_wait3A_178 = arith.constant 0 : i32
        %dma_wait3A_179 = tpu.memref_slice %arg19[%mul3A_175, %dma_wait3A_178] : memref<10000x128xf32, #tpu.memory_space<vmem_shared>> -> memref<80x128xf32, #tpu.memory_space<vmem_shared>>
        tpu.wait_dma2 semaphore(%run_scoped3A : memref<!tpu.dma_semaphore, #tpu.memory_space<semaphore_mem>>) src(%arg7 : memref<80x128xf32, #tpu.memory_space<hbm>>) dst(%dma_wait3A_179 : memref<80x128xf32, #tpu.memory_space<vmem_shared>>)
        tpu.yield
      }) : () -> ()
    } else {
    }
    %add3A_18 = arith.constant 48 : i32
    %add3A_19 = arith.addi %arg1, %add3A_18 : i32
    %lt3A_20 = arith.constant 125 : i32
    %lt3A_21 = arith.cmpi slt, %add3A_19, %lt3A_20 : i32
    %convert_element_type3A_22 = arith.extui %lt3A_21 : i1 to i32
    %cond3A_23 = arith.constant 0 : i32
    %cond3A_24 = arith.cmpi ne, %convert_element_type3A_22, %cond3A_23 : i32
    scf.if %cond3A_24 {
      %mul3A_174 = arith.constant 80 : i32
      %mul3A_175 = arith.muli %add3A_19, %mul3A_174 : i32
      "tpu.region"() ({
        %run_scoped3A = tpu.sem_alloc : memref<!tpu.dma_semaphore, #tpu.memory_space<semaphore_mem>>
        %dma_start3A_176 = arith.constant 0 : i32
        %dma_start3A_177 = tpu.memref_slice %arg19[%mul3A_175, %dma_start3A_176] : memref<10000x128xf32, #tpu.memory_space<vmem_shared>> -> memref<80x128xf32, #tpu.memory_space<vmem_shared>>
        tpu.enqueue_dma source(%arg7 : memref<80x128xf32, #tpu.memory_space<hbm>>) target(%dma_start3A_177 : memref<80x128xf32, #tpu.memory_space<vmem_shared>>) target_semaphore(%run_scoped3A : memref<!tpu.dma_semaphore, #tpu.memory_space<semaphore_mem>>)
        %dma_wait3A_178 = arith.constant 0 : i32
        %dma_wait3A_179 = tpu.memref_slice %arg19[%mul3A_175, %dma_wait3A_178] : memref<10000x128xf32, #tpu.memory_space<vmem_shared>> -> memref<80x128xf32, #tpu.memory_space<vmem_shared>>
        tpu.wait_dma2 semaphore(%run_scoped3A : memref<!tpu.dma_semaphore, #tpu.memory_space<semaphore_mem>>) src(%arg7 : memref<80x128xf32, #tpu.memory_space<hbm>>) dst(%dma_wait3A_179 : memref<80x128xf32, #tpu.memory_space<vmem_shared>>)
        tpu.yield
      }) : () -> ()
    } else {
    }
    %add3A_25 = arith.constant 64 : i32
    %add3A_26 = arith.addi %arg1, %add3A_25 : i32
    %lt3A_27 = arith.constant 125 : i32
    %lt3A_28 = arith.cmpi slt, %add3A_26, %lt3A_27 : i32
    %convert_element_type3A_29 = arith.extui %lt3A_28 : i1 to i32
    %cond3A_30 = arith.constant 0 : i32
    %cond3A_31 = arith.cmpi ne, %convert_element_type3A_29, %cond3A_30 : i32
    scf.if %cond3A_31 {
      %mul3A_174 = arith.constant 80 : i32
      %mul3A_175 = arith.muli %add3A_26, %mul3A_174 : i32
      "tpu.region"() ({
        %run_scoped3A = tpu.sem_alloc : memref<!tpu.dma_semaphore, #tpu.memory_space<semaphore_mem>>
        %dma_start3A_176 = arith.constant 0 : i32
        %dma_start3A_177 = tpu.memref_slice %arg19[%mul3A_175, %dma_start3A_176] : memref<10000x128xf32, #tpu.memory_space<vmem_shared>> -> memref<80x128xf32, #tpu.memory_space<vmem_shared>>
        tpu.enqueue_dma source(%arg7 : memref<80x128xf32, #tpu.memory_space<hbm>>) target(%dma_start3A_177 : memref<80x128xf32, #tpu.memory_space<vmem_shared>>) target_semaphore(%run_scoped3A : memref<!tpu.dma_semaphore, #tpu.memory_space<semaphore_mem>>)
        %dma_wait3A_178 = arith.constant 0 : i32
        %dma_wait3A_179 = tpu.memref_slice %arg19[%mul3A_175, %dma_wait3A_178] : memref<10000x128xf32, #tpu.memory_space<vmem_shared>> -> memref<80x128xf32, #tpu.memory_space<vmem_shared>>
        tpu.wait_dma2 semaphore(%run_scoped3A : memref<!tpu.dma_semaphore, #tpu.memory_space<semaphore_mem>>) src(%arg7 : memref<80x128xf32, #tpu.memory_space<hbm>>) dst(%dma_wait3A_179 : memref<80x128xf32, #tpu.memory_space<vmem_shared>>)
        tpu.yield
      }) : () -> ()
    } else {
    }
    %add3A_32 = arith.constant 80 : i32
    %add3A_33 = arith.addi %arg1, %add3A_32 : i32
    %lt3A_34 = arith.constant 125 : i32
    %lt3A_35 = arith.cmpi slt, %add3A_33, %lt3A_34 : i32
    %convert_element_type3A_36 = arith.extui %lt3A_35 : i1 to i32
    %cond3A_37 = arith.constant 0 : i32
    %cond3A_38 = arith.cmpi ne, %convert_element_type3A_36, %cond3A_37 : i32
    scf.if %cond3A_38 {
      %mul3A_174 = arith.constant 80 : i32
      %mul3A_175 = arith.muli %add3A_33, %mul3A_174 : i32
      "tpu.region"() ({
        %run_scoped3A = tpu.sem_alloc : memref<!tpu.dma_semaphore, #tpu.memory_space<semaphore_mem>>
        %dma_start3A_176 = arith.constant 0 : i32
        %dma_start3A_177 = tpu.memref_slice %arg19[%mul3A_175, %dma_start3A_176] : memref<10000x128xf32, #tpu.memory_space<vmem_shared>> -> memref<80x128xf32, #tpu.memory_space<vmem_shared>>
        tpu.enqueue_dma source(%arg7 : memref<80x128xf32, #tpu.memory_space<hbm>>) target(%dma_start3A_177 : memref<80x128xf32, #tpu.memory_space<vmem_shared>>) target_semaphore(%run_scoped3A : memref<!tpu.dma_semaphore, #tpu.memory_space<semaphore_mem>>)
        %dma_wait3A_178 = arith.constant 0 : i32
        %dma_wait3A_179 = tpu.memref_slice %arg19[%mul3A_175, %dma_wait3A_178] : memref<10000x128xf32, #tpu.memory_space<vmem_shared>> -> memref<80x128xf32, #tpu.memory_space<vmem_shared>>
        tpu.wait_dma2 semaphore(%run_scoped3A : memref<!tpu.dma_semaphore, #tpu.memory_space<semaphore_mem>>) src(%arg7 : memref<80x128xf32, #tpu.memory_space<hbm>>) dst(%dma_wait3A_179 : memref<80x128xf32, #tpu.memory_space<vmem_shared>>)
        tpu.yield
      }) : () -> ()
    } else {
    }
    %add3A_39 = arith.constant 96 : i32
    %add3A_40 = arith.addi %arg1, %add3A_39 : i32
    %lt3A_41 = arith.constant 125 : i32
    %lt3A_42 = arith.cmpi slt, %add3A_40, %lt3A_41 : i32
    %convert_element_type3A_43 = arith.extui %lt3A_42 : i1 to i32
    %cond3A_44 = arith.constant 0 : i32
    %cond3A_45 = arith.cmpi ne, %convert_element_type3A_43, %cond3A_44 : i32
    scf.if %cond3A_45 {
      %mul3A_174 = arith.constant 80 : i32
      %mul3A_175 = arith.muli %add3A_40, %mul3A_174 : i32
      "tpu.region"() ({
        %run_scoped3A = tpu.sem_alloc : memref<!tpu.dma_semaphore, #tpu.memory_space<semaphore_mem>>
        %dma_start3A_176 = arith.constant 0 : i32
        %dma_start3A_177 = tpu.memref_slice %arg19[%mul3A_175, %dma_start3A_176] : memref<10000x128xf32, #tpu.memory_space<vmem_shared>> -> memref<80x128xf32, #tpu.memory_space<vmem_shared>>
        tpu.enqueue_dma source(%arg7 : memref<80x128xf32, #tpu.memory_space<hbm>>) target(%dma_start3A_177 : memref<80x128xf32, #tpu.memory_space<vmem_shared>>) target_semaphore(%run_scoped3A : memref<!tpu.dma_semaphore, #tpu.memory_space<semaphore_mem>>)
        %dma_wait3A_178 = arith.constant 0 : i32
        %dma_wait3A_179 = tpu.memref_slice %arg19[%mul3A_175, %dma_wait3A_178] : memref<10000x128xf32, #tpu.memory_space<vmem_shared>> -> memref<80x128xf32, #tpu.memory_space<vmem_shared>>
        tpu.wait_dma2 semaphore(%run_scoped3A : memref<!tpu.dma_semaphore, #tpu.memory_space<semaphore_mem>>) src(%arg7 : memref<80x128xf32, #tpu.memory_space<hbm>>) dst(%dma_wait3A_179 : memref<80x128xf32, #tpu.memory_space<vmem_shared>>)
        tpu.yield
      }) : () -> ()
    } else {
    }
    %add3A_46 = arith.constant 112 : i32
    %add3A_47 = arith.addi %arg1, %add3A_46 : i32
    %lt3A_48 = arith.constant 125 : i32
    %lt3A_49 = arith.cmpi slt, %add3A_47, %lt3A_48 : i32
    %convert_element_type3A_50 = arith.extui %lt3A_49 : i1 to i32
    %cond3A_51 = arith.constant 0 : i32
    %cond3A_52 = arith.cmpi ne, %convert_element_type3A_50, %cond3A_51 : i32
    scf.if %cond3A_52 {
      %mul3A_174 = arith.constant 80 : i32
      %mul3A_175 = arith.muli %add3A_47, %mul3A_174 : i32
      "tpu.region"() ({
        %run_scoped3A = tpu.sem_alloc : memref<!tpu.dma_semaphore, #tpu.memory_space<semaphore_mem>>
        %dma_start3A_176 = arith.constant 0 : i32
        %dma_start3A_177 = tpu.memref_slice %arg19[%mul3A_175, %dma_start3A_176] : memref<10000x128xf32, #tpu.memory_space<vmem_shared>> -> memref<80x128xf32, #tpu.memory_space<vmem_shared>>
        tpu.enqueue_dma source(%arg7 : memref<80x128xf32, #tpu.memory_space<hbm>>) target(%dma_start3A_177 : memref<80x128xf32, #tpu.memory_space<vmem_shared>>) target_semaphore(%run_scoped3A : memref<!tpu.dma_semaphore, #tpu.memory_space<semaphore_mem>>)
        %dma_wait3A_178 = arith.constant 0 : i32
        %dma_wait3A_179 = tpu.memref_slice %arg19[%mul3A_175, %dma_wait3A_178] : memref<10000x128xf32, #tpu.memory_space<vmem_shared>> -> memref<80x128xf32, #tpu.memory_space<vmem_shared>>
        tpu.wait_dma2 semaphore(%run_scoped3A : memref<!tpu.dma_semaphore, #tpu.memory_space<semaphore_mem>>) src(%arg7 : memref<80x128xf32, #tpu.memory_space<hbm>>) dst(%dma_wait3A_179 : memref<80x128xf32, #tpu.memory_space<vmem_shared>>)
        tpu.yield
      }) : () -> ()
    } else {
    }
    %barrier3A = arith.constant 0 : index
    tpu.barrier barrier_id(%barrier3A)
    %eq3A = arith.constant 0 : i32
    %eq3A_53 = arith.cmpi eq, %arg0, %eq3A : i32
    %convert_element_type3A_54 = arith.extui %eq3A_53 : i1 to i32
    %cond3A_55 = arith.constant 0 : i32
    %cond3A_56 = arith.cmpi ne, %convert_element_type3A_54, %cond3A_55 : i32
    scf.if %cond3A_56 {
      "tpu.region"() ({
        %run_scoped3A = tpu.sem_alloc : memref<!tpu.dma_semaphore, #tpu.memory_space<semaphore_mem>>
        %dma_start3A_174 = tpu.memref_slice %arg2[%mul3A_0] : memref<320000xi32, #tpu.memory_space<hbm>> -> memref<40xi32, #tpu.memory_space<hbm>>
        %dma_start3A_175 = tpu.memref_slice %arg2[%mul3A_0] : memref<320000xi32, #tpu.memory_space<hbm>> -> memref<40xi32, #tpu.memory_space<hbm>>
        tpu.enqueue_dma source(%dma_start3A_175 : memref<40xi32, #tpu.memory_space<hbm>>) target(%arg9 : memref<40xi32, #tpu.memory_space<vmem>>) target_semaphore(%run_scoped3A : memref<!tpu.dma_semaphore, #tpu.memory_space<semaphore_mem>>)
        %dma_wait3A_176 = tpu.memref_slice %arg2[%mul3A_0] : memref<320000xi32, #tpu.memory_space<hbm>> -> memref<40xi32, #tpu.memory_space<hbm>>
        %dma_wait3A_177 = tpu.memref_slice %arg2[%mul3A_0] : memref<320000xi32, #tpu.memory_space<hbm>> -> memref<40xi32, #tpu.memory_space<hbm>>
        tpu.wait_dma2 semaphore(%run_scoped3A : memref<!tpu.dma_semaphore, #tpu.memory_space<semaphore_mem>>) src(%dma_wait3A_177 : memref<40xi32, #tpu.memory_space<hbm>>) dst(%arg9 : memref<40xi32, #tpu.memory_space<vmem>>)
        tpu.yield
      }) : () -> ()
    } else {
    }
    %ne3A = arith.constant 0 : i32
    %ne3A_57 = arith.cmpi ne, %arg0, %ne3A : i32
    %convert_element_type3A_58 = arith.extui %ne3A_57 : i1 to i32
    %cond3A_59 = arith.constant 0 : i32
    %cond3A_60 = arith.cmpi ne, %convert_element_type3A_58, %cond3A_59 : i32
    scf.if %cond3A_60 {
      "tpu.region"() ({
        %run_scoped3A = tpu.sem_alloc : memref<!tpu.dma_semaphore, #tpu.memory_space<semaphore_mem>>
        %dma_start3A_174 = tpu.memref_slice %arg3[%mul3A_0] : memref<320000xi32, #tpu.memory_space<hbm>> -> memref<40xi32, #tpu.memory_space<hbm>>
        %dma_start3A_175 = tpu.memref_slice %arg3[%mul3A_0] : memref<320000xi32, #tpu.memory_space<hbm>> -> memref<40xi32, #tpu.memory_space<hbm>>
        tpu.enqueue_dma source(%dma_start3A_175 : memref<40xi32, #tpu.memory_space<hbm>>) target(%arg9 : memref<40xi32, #tpu.memory_space<vmem>>) target_semaphore(%run_scoped3A : memref<!tpu.dma_semaphore, #tpu.memory_space<semaphore_mem>>)
        %dma_wait3A_176 = tpu.memref_slice %arg3[%mul3A_0] : memref<320000xi32, #tpu.memory_space<hbm>> -> memref<40xi32, #tpu.memory_space<hbm>>
        %dma_wait3A_177 = tpu.memref_slice %arg3[%mul3A_0] : memref<320000xi32, #tpu.memory_space<hbm>> -> memref<40xi32, #tpu.memory_space<hbm>>
        tpu.wait_dma2 semaphore(%run_scoped3A : memref<!tpu.dma_semaphore, #tpu.memory_space<semaphore_mem>>) src(%dma_wait3A_177 : memref<40xi32, #tpu.memory_space<hbm>>) dst(%arg9 : memref<40xi32, #tpu.memory_space<vmem>>)
        tpu.yield
      }) : () -> ()
    } else {
    }
    "tpu.region"() ({
      %run_scoped3A = tpu.sem_alloc : memref<!tpu.dma_semaphore, #tpu.memory_space<semaphore_mem>>
      %dma_start3A_174 = arith.constant 0 : i32
      %dma_start3A_175 = tpu.memref_slice %arg5[%mul3A_0, %dma_start3A_174] : memref<320000x16xf32, #tpu.memory_space<hbm>> -> memref<40x16xf32, #tpu.memory_space<hbm>>
      %dma_start3A_176 = arith.constant 0 : i32
      %dma_start3A_177 = tpu.memref_slice %arg5[%mul3A_0, %dma_start3A_176] : memref<320000x16xf32, #tpu.memory_space<hbm>> -> memref<40x16xf32, #tpu.memory_space<hbm>>
      tpu.enqueue_dma source(%dma_start3A_177 : memref<40x16xf32, #tpu.memory_space<hbm>>) target(%arg13 : memref<40x16xf32, #tpu.memory_space<vmem>>) target_semaphore(%run_scoped3A : memref<!tpu.dma_semaphore, #tpu.memory_space<semaphore_mem>>)
      %dma_wait3A_178 = arith.constant 0 : i32
      %dma_wait3A_179 = tpu.memref_slice %arg5[%mul3A_0, %dma_wait3A_178] : memref<320000x16xf32, #tpu.memory_space<hbm>> -> memref<40x16xf32, #tpu.memory_space<hbm>>
      %dma_wait3A_180 = arith.constant 0 : i32
      %dma_wait3A_181 = tpu.memref_slice %arg5[%mul3A_0, %dma_wait3A_180] : memref<320000x16xf32, #tpu.memory_space<hbm>> -> memref<40x16xf32, #tpu.memory_space<hbm>>
      tpu.wait_dma2 semaphore(%run_scoped3A : memref<!tpu.dma_semaphore, #tpu.memory_space<semaphore_mem>>) src(%dma_wait3A_181 : memref<40x16xf32, #tpu.memory_space<hbm>>) dst(%arg13 : memref<40x16xf32, #tpu.memory_space<vmem>>)
      tpu.yield
    }) : () -> ()
    %dma_start3A = arith.constant 0 : i32
    %dma_start3A_61 = arith.constant 0 : i32
    %dma_start3A_62 = tpu.memref_slice %arg6[%dma_start3A, %dma_start3A_61] : memref<20000x128xf32, #tpu.memory_space<hbm>> -> memref<20000x128xf32, #tpu.memory_space<hbm>>
    tpu.enqueue_indirect_dma source(%dma_start3A_62 : memref<20000x128xf32, #tpu.memory_space<hbm>>) target(%arg15 : memref<40x128xf32, #tpu.memory_space<vmem>>) offsets(%arg9 : memref<40xi32, #tpu.memory_space<vmem>>) semaphore(%arg20 : memref<!tpu.dma_semaphore, #tpu.memory_space<semaphore_mem>>)
    "tpu.region"() ({
      %run_scoped3A = tpu.sem_alloc : memref<!tpu.dma_semaphore, #tpu.memory_space<semaphore_mem>>
      %dma_start3A_174 = tpu.memref_slice %arg4[%mul3A_0] : memref<320000xi32, #tpu.memory_space<hbm>> -> memref<40xi32, #tpu.memory_space<hbm>>
      %dma_start3A_175 = tpu.memref_slice %arg4[%mul3A_0] : memref<320000xi32, #tpu.memory_space<hbm>> -> memref<40xi32, #tpu.memory_space<hbm>>
      tpu.enqueue_dma source(%dma_start3A_175 : memref<40xi32, #tpu.memory_space<hbm>>) target(%arg11 : memref<40xi32, #tpu.memory_space<vmem>>) target_semaphore(%run_scoped3A : memref<!tpu.dma_semaphore, #tpu.memory_space<semaphore_mem>>)
      %dma_wait3A_176 = tpu.memref_slice %arg4[%mul3A_0] : memref<320000xi32, #tpu.memory_space<hbm>> -> memref<40xi32, #tpu.memory_space<hbm>>
      %dma_wait3A_177 = tpu.memref_slice %arg4[%mul3A_0] : memref<320000xi32, #tpu.memory_space<hbm>> -> memref<40xi32, #tpu.memory_space<hbm>>
      tpu.wait_dma2 semaphore(%run_scoped3A : memref<!tpu.dma_semaphore, #tpu.memory_space<semaphore_mem>>) src(%dma_wait3A_177 : memref<40xi32, #tpu.memory_space<hbm>>) dst(%arg11 : memref<40xi32, #tpu.memory_space<vmem>>)
      tpu.yield
    }) : () -> ()
    %scan3A = arith.constant 0 : i32
    %scan3A_63 = arith.constant 0 : i32
    %scan3A_64 = arith.constant 249 : i32
    %scan3A_65 = arith.addi %scan3A_63, %scan3A_64 : i32
    %scan3A_66 = arith.constant 1 : i32
    scf.for %scan3A_174 = %scan3A_63 to %scan3A_65 step %scan3A_66  : i32 {
      %mul3A_175 = arith.constant 2 : i32
      %mul3A_176 = arith.muli %mul3A_175, %scan3A_174 : i32
      %add3A_177 = arith.constant 1 : i32
      %add3A_178 = arith.addi %mul3A_176, %add3A_177 : i32
      %mul3A_179 = arith.constant 40 : i32
      %mul3A_180 = arith.muli %add3A_178, %mul3A_179 : i32
      %add3A_181 = arith.addi %mul3A_0, %mul3A_180 : i32
      %eq3A_182 = arith.constant 0 : i32
      %eq3A_183 = arith.cmpi eq, %arg0, %eq3A_182 : i32
      %convert_element_type3A_184 = arith.extui %eq3A_183 : i1 to i32
      %cond3A_185 = arith.constant 0 : i32
      %cond3A_186 = arith.cmpi ne, %convert_element_type3A_184, %cond3A_185 : i32
      scf.if %cond3A_186 {
        "tpu.region"() ({
          %run_scoped3A = tpu.sem_alloc : memref<!tpu.dma_semaphore, #tpu.memory_space<semaphore_mem>>
          %dma_start3A_260 = tpu.memref_slice %arg2[%add3A_181] : memref<320000xi32, #tpu.memory_space<hbm>> -> memref<40xi32, #tpu.memory_space<hbm>>
          %dma_start3A_261 = tpu.memref_slice %arg2[%add3A_181] : memref<320000xi32, #tpu.memory_space<hbm>> -> memref<40xi32, #tpu.memory_space<hbm>>
          tpu.enqueue_dma source(%dma_start3A_261 : memref<40xi32, #tpu.memory_space<hbm>>) target(%arg10 : memref<40xi32, #tpu.memory_space<vmem>>) target_semaphore(%run_scoped3A : memref<!tpu.dma_semaphore, #tpu.memory_space<semaphore_mem>>)
          %dma_wait3A_262 = tpu.memref_slice %arg2[%add3A_181] : memref<320000xi32, #tpu.memory_space<hbm>> -> memref<40xi32, #tpu.memory_space<hbm>>
          %dma_wait3A_263 = tpu.memref_slice %arg2[%add3A_181] : memref<320000xi32, #tpu.memory_space<hbm>> -> memref<40xi32, #tpu.memory_space<hbm>>
          tpu.wait_dma2 semaphore(%run_scoped3A : memref<!tpu.dma_semaphore, #tpu.memory_space<semaphore_mem>>) src(%dma_wait3A_263 : memref<40xi32, #tpu.memory_space<hbm>>) dst(%arg10 : memref<40xi32, #tpu.memory_space<vmem>>)
          tpu.yield
        }) : () -> ()
      } else {
      }
      %ne3A_187 = arith.constant 0 : i32
      %ne3A_188 = arith.cmpi ne, %arg0, %ne3A_187 : i32
      %convert_element_type3A_189 = arith.extui %ne3A_188 : i1 to i32
      %cond3A_190 = arith.constant 0 : i32
      %cond3A_191 = arith.cmpi ne, %convert_element_type3A_189, %cond3A_190 : i32
      scf.if %cond3A_191 {
        "tpu.region"() ({
          %run_scoped3A = tpu.sem_alloc : memref<!tpu.dma_semaphore, #tpu.memory_space<semaphore_mem>>
          %dma_start3A_260 = tpu.memref_slice %arg3[%add3A_181] : memref<320000xi32, #tpu.memory_space<hbm>> -> memref<40xi32, #tpu.memory_space<hbm>>
          %dma_start3A_261 = tpu.memref_slice %arg3[%add3A_181] : memref<320000xi32, #tpu.memory_space<hbm>> -> memref<40xi32, #tpu.memory_space<hbm>>
          tpu.enqueue_dma source(%dma_start3A_261 : memref<40xi32, #tpu.memory_space<hbm>>) target(%arg10 : memref<40xi32, #tpu.memory_space<vmem>>) target_semaphore(%run_scoped3A : memref<!tpu.dma_semaphore, #tpu.memory_space<semaphore_mem>>)
          %dma_wait3A_262 = tpu.memref_slice %arg3[%add3A_181] : memref<320000xi32, #tpu.memory_space<hbm>> -> memref<40xi32, #tpu.memory_space<hbm>>
          %dma_wait3A_263 = tpu.memref_slice %arg3[%add3A_181] : memref<320000xi32, #tpu.memory_space<hbm>> -> memref<40xi32, #tpu.memory_space<hbm>>
          tpu.wait_dma2 semaphore(%run_scoped3A : memref<!tpu.dma_semaphore, #tpu.memory_space<semaphore_mem>>) src(%dma_wait3A_263 : memref<40xi32, #tpu.memory_space<hbm>>) dst(%arg10 : memref<40xi32, #tpu.memory_space<vmem>>)
          tpu.yield
        }) : () -> ()
      } else {
      }
      "tpu.region"() ({
        %run_scoped3A = tpu.sem_alloc : memref<!tpu.dma_semaphore, #tpu.memory_space<semaphore_mem>>
        %dma_start3A_260 = arith.constant 0 : i32
        %dma_start3A_261 = tpu.memref_slice %arg5[%add3A_181, %dma_start3A_260] : memref<320000x16xf32, #tpu.memory_space<hbm>> -> memref<40x16xf32, #tpu.memory_space<hbm>>
        %dma_start3A_262 = arith.constant 0 : i32
        %dma_start3A_263 = tpu.memref_slice %arg5[%add3A_181, %dma_start3A_262] : memref<320000x16xf32, #tpu.memory_space<hbm>> -> memref<40x16xf32, #tpu.memory_space<hbm>>
        tpu.enqueue_dma source(%dma_start3A_263 : memref<40x16xf32, #tpu.memory_space<hbm>>) target(%arg14 : memref<40x16xf32, #tpu.memory_space<vmem>>) target_semaphore(%run_scoped3A : memref<!tpu.dma_semaphore, #tpu.memory_space<semaphore_mem>>)
        %dma_wait3A_264 = arith.constant 0 : i32
        %dma_wait3A_265 = tpu.memref_slice %arg5[%add3A_181, %dma_wait3A_264] : memref<320000x16xf32, #tpu.memory_space<hbm>> -> memref<40x16xf32, #tpu.memory_space<hbm>>
        %dma_wait3A_266 = arith.constant 0 : i32
        %dma_wait3A_267 = tpu.memref_slice %arg5[%add3A_181, %dma_wait3A_266] : memref<320000x16xf32, #tpu.memory_space<hbm>> -> memref<40x16xf32, #tpu.memory_space<hbm>>
        tpu.wait_dma2 semaphore(%run_scoped3A : memref<!tpu.dma_semaphore, #tpu.memory_space<semaphore_mem>>) src(%dma_wait3A_267 : memref<40x16xf32, #tpu.memory_space<hbm>>) dst(%arg14 : memref<40x16xf32, #tpu.memory_space<vmem>>)
        tpu.yield
      }) : () -> ()
      %dma_start3A_192 = arith.constant 0 : i32
      %dma_start3A_193 = arith.constant 0 : i32
      %dma_start3A_194 = tpu.memref_slice %arg6[%dma_start3A_192, %dma_start3A_193] : memref<20000x128xf32, #tpu.memory_space<hbm>> -> memref<20000x128xf32, #tpu.memory_space<hbm>>
      tpu.enqueue_indirect_dma source(%dma_start3A_194 : memref<20000x128xf32, #tpu.memory_space<hbm>>) target(%arg16 : memref<40x128xf32, #tpu.memory_space<vmem>>) offsets(%arg10 : memref<40xi32, #tpu.memory_space<vmem>>) semaphore(%arg21 : memref<!tpu.dma_semaphore, #tpu.memory_space<semaphore_mem>>)
      %dma_wait3A_195 = arith.constant 0 : i32
      %dma_wait3A_196 = arith.constant 0 : i32
      %dma_wait3A_197 = tpu.memref_slice %arg6[%dma_wait3A_195, %dma_wait3A_196] : memref<20000x128xf32, #tpu.memory_space<hbm>> -> memref<20000x128xf32, #tpu.memory_space<hbm>>
      tpu.wait_indirect_dma semaphore(%arg20 : memref<!tpu.dma_semaphore, #tpu.memory_space<semaphore_mem>>) src(%dma_wait3A_197 : memref<20000x128xf32, #tpu.memory_space<hbm>>) dst(%arg15 : memref<40x128xf32, #tpu.memory_space<vmem>>)
      %scan3A_198 = arith.constant 0 : i32
      %scan3A_199 = arith.constant 0 : i32
      %scan3A_200 = arith.constant 40 : i32
      %scan3A_201 = arith.addi %scan3A_199, %scan3A_200 : i32
      %scan3A_202 = arith.constant 1 : i32
      scf.for %scan3A_260 = %scan3A_199 to %scan3A_201 step %scan3A_202  : i32 {
        %get3A = arith.index_cast %scan3A_260 : i32 to index
        %get3A_261 = arith.constant 0 : index
        %get3A_262 = tpu.vector_load %arg13[%get3A, %get3A_261] {strides = array<i32>} : memref<40x16xf32, #tpu.memory_space<vmem>>, vector<1x16xf32>,
        %get3A_263 = vector.shape_cast %get3A_262 : vector<1x16xf32> to vector<16xf32>
        %get3A_264 = arith.index_cast %scan3A_260 : i32 to index
        %get3A_265 = arith.constant 0 : index
        %get3A_266 = tpu.vector_load %arg15[%get3A_264, %get3A_265] {strides = array<i32>} : memref<40x128xf32, #tpu.memory_space<vmem>>, vector<1x16xf32>,
        %get3A_267 = vector.shape_cast %get3A_266 : vector<1x16xf32> to vector<16xf32>
        %mul3A_268 = arith.mulf %get3A_267, %get3A_263 : vector<16xf32>
        %swap3A = arith.index_cast %scan3A_260 : i32 to index
        %swap3A_269 = arith.constant 0 : index
        %swap3A_270 = tpu.vector_load %arg17[%swap3A, %swap3A_269] {strides = array<i32>} : memref<40x128xf32, #tpu.memory_space<vmem>>, vector<1x16xf32>,
        %swap3A_271 = vector.shape_cast %swap3A_270 : vector<1x16xf32> to vector<16xf32>
        %swap3A_272 = vector.shape_cast %mul3A_268 : vector<16xf32> to vector<1x16xf32>
        tpu.vector_store %arg17[%swap3A, %swap3A_269], %swap3A_272 {strides = array<i32>} : memref<40x128xf32, #tpu.memory_space<vmem>>, vector<1x16xf32>,
        %get3A_273 = arith.index_cast %scan3A_260 : i32 to index
        %get3A_274 = arith.constant 16 : index
        %get3A_275 = tpu.vector_load %arg15[%get3A_273, %get3A_274] {strides = array<i32>} : memref<40x128xf32, #tpu.memory_space<vmem>>, vector<1x16xf32>,
        %get3A_276 = vector.shape_cast %get3A_275 : vector<1x16xf32> to vector<16xf32>
        %mul3A_277 = arith.mulf %get3A_276, %get3A_263 : vector<16xf32>
        %swap3A_278 = arith.index_cast %scan3A_260 : i32 to index
        %swap3A_279 = arith.constant 16 : index
        %swap3A_280 = tpu.vector_load %arg17[%swap3A_278, %swap3A_279] {strides = array<i32>} : memref<40x128xf32, #tpu.memory_space<vmem>>, vector<1x16xf32>,
        %swap3A_281 = vector.shape_cast %swap3A_280 : vector<1x16xf32> to vector<16xf32>
        %swap3A_282 = vector.shape_cast %mul3A_277 : vector<16xf32> to vector<1x16xf32>
        tpu.vector_store %arg17[%swap3A_278, %swap3A_279], %swap3A_282 {strides = array<i32>} : memref<40x128xf32, #tpu.memory_space<vmem>>, vector<1x16xf32>,
        %get3A_283 = arith.index_cast %scan3A_260 : i32 to index
        %get3A_284 = arith.constant 32 : index
        %get3A_285 = tpu.vector_load %arg15[%get3A_283, %get3A_284] {strides = array<i32>} : memref<40x128xf32, #tpu.memory_space<vmem>>, vector<1x16xf32>,
        %get3A_286 = vector.shape_cast %get3A_285 : vector<1x16xf32> to vector<16xf32>
        %mul3A_287 = arith.mulf %get3A_286, %get3A_263 : vector<16xf32>
        %swap3A_288 = arith.index_cast %scan3A_260 : i32 to index
        %swap3A_289 = arith.constant 32 : index
        %swap3A_290 = tpu.vector_load %arg17[%swap3A_288, %swap3A_289] {strides = array<i32>} : memref<40x128xf32, #tpu.memory_space<vmem>>, vector<1x16xf32>,
        %swap3A_291 = vector.shape_cast %swap3A_290 : vector<1x16xf32> to vector<16xf32>
        %swap3A_292 = vector.shape_cast %mul3A_287 : vector<16xf32> to vector<1x16xf32>
        tpu.vector_store %arg17[%swap3A_288, %swap3A_289], %swap3A_292 {strides = array<i32>} : memref<40x128xf32, #tpu.memory_space<vmem>>, vector<1x16xf32>,
        %get3A_293 = arith.index_cast %scan3A_260 : i32 to index
        %get3A_294 = arith.constant 48 : index
        %get3A_295 = tpu.vector_load %arg15[%get3A_293, %get3A_294] {strides = array<i32>} : memref<40x128xf32, #tpu.memory_space<vmem>>, vector<1x16xf32>,
        %get3A_296 = vector.shape_cast %get3A_295 : vector<1x16xf32> to vector<16xf32>
        %mul3A_297 = arith.mulf %get3A_296, %get3A_263 : vector<16xf32>
        %swap3A_298 = arith.index_cast %scan3A_260 : i32 to index
        %swap3A_299 = arith.constant 48 : index
        %swap3A_300 = tpu.vector_load %arg17[%swap3A_298, %swap3A_299] {strides = array<i32>} : memref<40x128xf32, #tpu.memory_space<vmem>>, vector<1x16xf32>,
        %swap3A_301 = vector.shape_cast %swap3A_300 : vector<1x16xf32> to vector<16xf32>
        %swap3A_302 = vector.shape_cast %mul3A_297 : vector<16xf32> to vector<1x16xf32>
        tpu.vector_store %arg17[%swap3A_298, %swap3A_299], %swap3A_302 {strides = array<i32>} : memref<40x128xf32, #tpu.memory_space<vmem>>, vector<1x16xf32>,
        %get3A_303 = arith.index_cast %scan3A_260 : i32 to index
        %get3A_304 = arith.constant 64 : index
        %get3A_305 = tpu.vector_load %arg15[%get3A_303, %get3A_304] {strides = array<i32>} : memref<40x128xf32, #tpu.memory_space<vmem>>, vector<1x16xf32>,
        %get3A_306 = vector.shape_cast %get3A_305 : vector<1x16xf32> to vector<16xf32>
        %mul3A_307 = arith.mulf %get3A_306, %get3A_263 : vector<16xf32>
        %swap3A_308 = arith.index_cast %scan3A_260 : i32 to index
        %swap3A_309 = arith.constant 64 : index
        %swap3A_310 = tpu.vector_load %arg17[%swap3A_308, %swap3A_309] {strides = array<i32>} : memref<40x128xf32, #tpu.memory_space<vmem>>, vector<1x16xf32>,
        %swap3A_311 = vector.shape_cast %swap3A_310 : vector<1x16xf32> to vector<16xf32>
        %swap3A_312 = vector.shape_cast %mul3A_307 : vector<16xf32> to vector<1x16xf32>
        tpu.vector_store %arg17[%swap3A_308, %swap3A_309], %swap3A_312 {strides = array<i32>} : memref<40x128xf32, #tpu.memory_space<vmem>>, vector<1x16xf32>,
        %get3A_313 = arith.index_cast %scan3A_260 : i32 to index
        %get3A_314 = arith.constant 80 : index
        %get3A_315 = tpu.vector_load %arg15[%get3A_313, %get3A_314] {strides = array<i32>} : memref<40x128xf32, #tpu.memory_space<vmem>>, vector<1x16xf32>,
        %get3A_316 = vector.shape_cast %get3A_315 : vector<1x16xf32> to vector<16xf32>
        %mul3A_317 = arith.mulf %get3A_316, %get3A_263 : vector<16xf32>
        %swap3A_318 = arith.index_cast %scan3A_260 : i32 to index
        %swap3A_319 = arith.constant 80 : index
        %swap3A_320 = tpu.vector_load %arg17[%swap3A_318, %swap3A_319] {strides = array<i32>} : memref<40x128xf32, #tpu.memory_space<vmem>>, vector<1x16xf32>,
        %swap3A_321 = vector.shape_cast %swap3A_320 : vector<1x16xf32> to vector<16xf32>
        %swap3A_322 = vector.shape_cast %mul3A_317 : vector<16xf32> to vector<1x16xf32>
        tpu.vector_store %arg17[%swap3A_318, %swap3A_319], %swap3A_322 {strides = array<i32>} : memref<40x128xf32, #tpu.memory_space<vmem>>, vector<1x16xf32>,
        %get3A_323 = arith.index_cast %scan3A_260 : i32 to index
        %get3A_324 = arith.constant 96 : index
        %get3A_325 = tpu.vector_load %arg15[%get3A_323, %get3A_324] {strides = array<i32>} : memref<40x128xf32, #tpu.memory_space<vmem>>, vector<1x16xf32>,
        %get3A_326 = vector.shape_cast %get3A_325 : vector<1x16xf32> to vector<16xf32>
        %mul3A_327 = arith.mulf %get3A_326, %get3A_263 : vector<16xf32>
        %swap3A_328 = arith.index_cast %scan3A_260 : i32 to index
        %swap3A_329 = arith.constant 96 : index
        %swap3A_330 = tpu.vector_load %arg17[%swap3A_328, %swap3A_329] {strides = array<i32>} : memref<40x128xf32, #tpu.memory_space<vmem>>, vector<1x16xf32>,
        %swap3A_331 = vector.shape_cast %swap3A_330 : vector<1x16xf32> to vector<16xf32>
        %swap3A_332 = vector.shape_cast %mul3A_327 : vector<16xf32> to vector<1x16xf32>
        tpu.vector_store %arg17[%swap3A_328, %swap3A_329], %swap3A_332 {strides = array<i32>} : memref<40x128xf32, #tpu.memory_space<vmem>>, vector<1x16xf32>,
        %get3A_333 = arith.index_cast %scan3A_260 : i32 to index
        %get3A_334 = arith.constant 112 : index
        %get3A_335 = tpu.vector_load %arg15[%get3A_333, %get3A_334] {strides = array<i32>} : memref<40x128xf32, #tpu.memory_space<vmem>>, vector<1x16xf32>,
        %get3A_336 = vector.shape_cast %get3A_335 : vector<1x16xf32> to vector<16xf32>
        %mul3A_337 = arith.mulf %get3A_336, %get3A_263 : vector<16xf32>
        %swap3A_338 = arith.index_cast %scan3A_260 : i32 to index
        %swap3A_339 = arith.constant 112 : index
        %swap3A_340 = tpu.vector_load %arg17[%swap3A_338, %swap3A_339] {strides = array<i32>} : memref<40x128xf32, #tpu.memory_space<vmem>>, vector<1x16xf32>,
        %swap3A_341 = vector.shape_cast %swap3A_340 : vector<1x16xf32> to vector<16xf32>
        %swap3A_342 = vector.shape_cast %mul3A_337 : vector<16xf32> to vector<1x16xf32>
        tpu.vector_store %arg17[%swap3A_338, %swap3A_339], %swap3A_342 {strides = array<i32>} : memref<40x128xf32, #tpu.memory_space<vmem>>, vector<1x16xf32>,
      }
      %scan3A_203 = arith.constant 40 : i32
      %ge3A = arith.constant 1 : i32
      %ge3A_204 = arith.cmpi sge, %mul3A_176, %ge3A : i32
      %convert_element_type3A_205 = arith.extui %ge3A_204 : i1 to i32
      %cond3A_206 = arith.constant 0 : i32
      %cond3A_207 = arith.cmpi ne, %convert_element_type3A_205, %cond3A_206 : i32
      scf.if %cond3A_207 {
        %dma_wait3A_260 = arith.constant 0 : i32
        %dma_wait3A_261 = arith.constant 0 : i32
        %dma_wait3A_262 = tpu.memref_slice %arg19[%dma_wait3A_260, %dma_wait3A_261] : memref<10000x128xf32, #tpu.memory_space<vmem_shared>> -> memref<10000x128xf32, #tpu.memory_space<vmem_shared>>
        tpu.wait_indirect_dma semaphore(%arg23 : memref<!tpu.dma_semaphore, #tpu.memory_space<semaphore_mem>>) src(%arg18 : memref<40x128xf32, #tpu.memory_space<vmem>>) dst(%dma_wait3A_262 : memref<10000x128xf32, #tpu.memory_space<vmem_shared>>)
      } else {
      }
      %add3A_208 = arith.constant 1 : i32
      %add3A_209 = arith.addi %mul3A_176, %add3A_208 : i32
      %mul3A_210 = arith.constant 40 : i32
      %mul3A_211 = arith.muli %add3A_209, %mul3A_210 : i32
      %add3A_212 = arith.addi %mul3A_0, %mul3A_211 : i32
      "tpu.region"() ({
        %run_scoped3A = tpu.sem_alloc : memref<!tpu.dma_semaphore, #tpu.memory_space<semaphore_mem>>
        %dma_start3A_260 = tpu.memref_slice %arg4[%add3A_212] : memref<320000xi32, #tpu.memory_space<hbm>> -> memref<40xi32, #tpu.memory_space<hbm>>
        %dma_start3A_261 = tpu.memref_slice %arg4[%add3A_212] : memref<320000xi32, #tpu.memory_space<hbm>> -> memref<40xi32, #tpu.memory_space<hbm>>
        tpu.enqueue_dma source(%dma_start3A_261 : memref<40xi32, #tpu.memory_space<hbm>>) target(%arg12 : memref<40xi32, #tpu.memory_space<vmem>>) target_semaphore(%run_scoped3A : memref<!tpu.dma_semaphore, #tpu.memory_space<semaphore_mem>>)
        %dma_wait3A_262 = tpu.memref_slice %arg4[%add3A_212] : memref<320000xi32, #tpu.memory_space<hbm>> -> memref<40xi32, #tpu.memory_space<hbm>>
        %dma_wait3A_263 = tpu.memref_slice %arg4[%add3A_212] : memref<320000xi32, #tpu.memory_space<hbm>> -> memref<40xi32, #tpu.memory_space<hbm>>
        tpu.wait_dma2 semaphore(%run_scoped3A : memref<!tpu.dma_semaphore, #tpu.memory_space<semaphore_mem>>) src(%dma_wait3A_263 : memref<40xi32, #tpu.memory_space<hbm>>) dst(%arg12 : memref<40xi32, #tpu.memory_space<vmem>>)
        tpu.yield
      }) : () -> ()
      %dma_start3A_213 = arith.constant 0 : i32
      %dma_start3A_214 = arith.constant 0 : i32
      %dma_start3A_215 = tpu.memref_slice %arg19[%dma_start3A_213, %dma_start3A_214] : memref<10000x128xf32, #tpu.memory_space<vmem_shared>> -> memref<10000x128xf32, #tpu.memory_space<vmem_shared>>
      tpu.enqueue_indirect_dma source(%arg17 : memref<40x128xf32, #tpu.memory_space<vmem>>) target(%dma_start3A_215 : memref<10000x128xf32, #tpu.memory_space<vmem_shared>>) offsets(%arg11 : memref<40xi32, #tpu.memory_space<vmem>>) semaphore(%arg22 : memref<!tpu.dma_semaphore, #tpu.memory_space<semaphore_mem>>) {add = true}
      %mul3A_216 = arith.constant 2 : i32
      %mul3A_217 = arith.muli %mul3A_216, %scan3A_174 : i32
      %add3A_218 = arith.constant 1 : i32
      %add3A_219 = arith.addi %mul3A_217, %add3A_218 : i32
      %add3A_220 = arith.constant 1 : i32
      %add3A_221 = arith.addi %add3A_219, %add3A_220 : i32
      %mul3A_222 = arith.constant 40 : i32
      %mul3A_223 = arith.muli %add3A_221, %mul3A_222 : i32
      %add3A_224 = arith.addi %mul3A_0, %mul3A_223 : i32
      %eq3A_225 = arith.constant 0 : i32
      %eq3A_226 = arith.cmpi eq, %arg0, %eq3A_225 : i32
      %convert_element_type3A_227 = arith.extui %eq3A_226 : i1 to i32
      %cond3A_228 = arith.constant 0 : i32
      %cond3A_229 = arith.cmpi ne, %convert_element_type3A_227, %cond3A_228 : i32
      scf.if %cond3A_229 {
        "tpu.region"() ({
          %run_scoped3A = tpu.sem_alloc : memref<!tpu.dma_semaphore, #tpu.memory_space<semaphore_mem>>
          %dma_start3A_260 = tpu.memref_slice %arg2[%add3A_224] : memref<320000xi32, #tpu.memory_space<hbm>> -> memref<40xi32, #tpu.memory_space<hbm>>
          %dma_start3A_261 = tpu.memref_slice %arg2[%add3A_224] : memref<320000xi32, #tpu.memory_space<hbm>> -> memref<40xi32, #tpu.memory_space<hbm>>
          tpu.enqueue_dma source(%dma_start3A_261 : memref<40xi32, #tpu.memory_space<hbm>>) target(%arg9 : memref<40xi32, #tpu.memory_space<vmem>>) target_semaphore(%run_scoped3A : memref<!tpu.dma_semaphore, #tpu.memory_space<semaphore_mem>>)
          %dma_wait3A_262 = tpu.memref_slice %arg2[%add3A_224] : memref<320000xi32, #tpu.memory_space<hbm>> -> memref<40xi32, #tpu.memory_space<hbm>>
          %dma_wait3A_263 = tpu.memref_slice %arg2[%add3A_224] : memref<320000xi32, #tpu.memory_space<hbm>> -> memref<40xi32, #tpu.memory_space<hbm>>
          tpu.wait_dma2 semaphore(%run_scoped3A : memref<!tpu.dma_semaphore, #tpu.memory_space<semaphore_mem>>) src(%dma_wait3A_263 : memref<40xi32, #tpu.memory_space<hbm>>) dst(%arg9 : memref<40xi32, #tpu.memory_space<vmem>>)
          tpu.yield
        }) : () -> ()
      } else {
      }
      %ne3A_230 = arith.constant 0 : i32
      %ne3A_231 = arith.cmpi ne, %arg0, %ne3A_230 : i32
      %convert_element_type3A_232 = arith.extui %ne3A_231 : i1 to i32
      %cond3A_233 = arith.constant 0 : i32
      %cond3A_234 = arith.cmpi ne, %convert_element_type3A_232, %cond3A_233 : i32
      scf.if %cond3A_234 {
        "tpu.region"() ({
          %run_scoped3A = tpu.sem_alloc : memref<!tpu.dma_semaphore, #tpu.memory_space<semaphore_mem>>
          %dma_start3A_260 = tpu.memref_slice %arg3[%add3A_224] : memref<320000xi32, #tpu.memory_space<hbm>> -> memref<40xi32, #tpu.memory_space<hbm>>
          %dma_start3A_261 = tpu.memref_slice %arg3[%add3A_224] : memref<320000xi32, #tpu.memory_space<hbm>> -> memref<40xi32, #tpu.memory_space<hbm>>
          tpu.enqueue_dma source(%dma_start3A_261 : memref<40xi32, #tpu.memory_space<hbm>>) target(%arg9 : memref<40xi32, #tpu.memory_space<vmem>>) target_semaphore(%run_scoped3A : memref<!tpu.dma_semaphore, #tpu.memory_space<semaphore_mem>>)
          %dma_wait3A_262 = tpu.memref_slice %arg3[%add3A_224] : memref<320000xi32, #tpu.memory_space<hbm>> -> memref<40xi32, #tpu.memory_space<hbm>>
          %dma_wait3A_263 = tpu.memref_slice %arg3[%add3A_224] : memref<320000xi32, #tpu.memory_space<hbm>> -> memref<40xi32, #tpu.memory_space<hbm>>
          tpu.wait_dma2 semaphore(%run_scoped3A : memref<!tpu.dma_semaphore, #tpu.memory_space<semaphore_mem>>) src(%dma_wait3A_263 : memref<40xi32, #tpu.memory_space<hbm>>) dst(%arg9 : memref<40xi32, #tpu.memory_space<vmem>>)
          tpu.yield
        }) : () -> ()
      } else {
      }
      "tpu.region"() ({
        %run_scoped3A = tpu.sem_alloc : memref<!tpu.dma_semaphore, #tpu.memory_space<semaphore_mem>>
        %dma_start3A_260 = arith.constant 0 : i32
        %dma_start3A_261 = tpu.memref_slice %arg5[%add3A_224, %dma_start3A_260] : memref<320000x16xf32, #tpu.memory_space<hbm>> -> memref<40x16xf32, #tpu.memory_space<hbm>>
        %dma_start3A_262 = arith.constant 0 : i32
        %dma_start3A_263 = tpu.memref_slice %arg5[%add3A_224, %dma_start3A_262] : memref<320000x16xf32, #tpu.memory_space<hbm>> -> memref<40x16xf32, #tpu.memory_space<hbm>>
        tpu.enqueue_dma source(%dma_start3A_263 : memref<40x16xf32, #tpu.memory_space<hbm>>) target(%arg13 : memref<40x16xf32, #tpu.memory_space<vmem>>) target_semaphore(%run_scoped3A : memref<!tpu.dma_semaphore, #tpu.memory_space<semaphore_mem>>)
        %dma_wait3A_264 = arith.constant 0 : i32
        %dma_wait3A_265 = tpu.memref_slice %arg5[%add3A_224, %dma_wait3A_264] : memref<320000x16xf32, #tpu.memory_space<hbm>> -> memref<40x16xf32, #tpu.memory_space<hbm>>
        %dma_wait3A_266 = arith.constant 0 : i32
        %dma_wait3A_267 = tpu.memref_slice %arg5[%add3A_224, %dma_wait3A_266] : memref<320000x16xf32, #tpu.memory_space<hbm>> -> memref<40x16xf32, #tpu.memory_space<hbm>>
        tpu.wait_dma2 semaphore(%run_scoped3A : memref<!tpu.dma_semaphore, #tpu.memory_space<semaphore_mem>>) src(%dma_wait3A_267 : memref<40x16xf32, #tpu.memory_space<hbm>>) dst(%arg13 : memref<40x16xf32, #tpu.memory_space<vmem>>)
        tpu.yield
      }) : () -> ()
      %dma_start3A_235 = arith.constant 0 : i32
      %dma_start3A_236 = arith.constant 0 : i32
      %dma_start3A_237 = tpu.memref_slice %arg6[%dma_start3A_235, %dma_start3A_236] : memref<20000x128xf32, #tpu.memory_space<hbm>> -> memref<20000x128xf32, #tpu.memory_space<hbm>>
      tpu.enqueue_indirect_dma source(%dma_start3A_237 : memref<20000x128xf32, #tpu.memory_space<hbm>>) target(%arg15 : memref<40x128xf32, #tpu.memory_space<vmem>>) offsets(%arg9 : memref<40xi32, #tpu.memory_space<vmem>>) semaphore(%arg20 : memref<!tpu.dma_semaphore, #tpu.memory_space<semaphore_mem>>)
      %dma_wait3A_238 = arith.constant 0 : i32
      %dma_wait3A_239 = arith.constant 0 : i32
      %dma_wait3A_240 = tpu.memref_slice %arg6[%dma_wait3A_238, %dma_wait3A_239] : memref<20000x128xf32, #tpu.memory_space<hbm>> -> memref<20000x128xf32, #tpu.memory_space<hbm>>
      tpu.wait_indirect_dma semaphore(%arg21 : memref<!tpu.dma_semaphore, #tpu.memory_space<semaphore_mem>>) src(%dma_wait3A_240 : memref<20000x128xf32, #tpu.memory_space<hbm>>) dst(%arg16 : memref<40x128xf32, #tpu.memory_space<vmem>>)
      %scan3A_241 = arith.constant 0 : i32
      %scan3A_242 = arith.constant 0 : i32
      %scan3A_243 = arith.constant 40 : i32
      %scan3A_244 = arith.addi %scan3A_242, %scan3A_243 : i32
      %scan3A_245 = arith.constant 1 : i32
      scf.for %scan3A_260 = %scan3A_242 to %scan3A_244 step %scan3A_245  : i32 {
        %get3A = arith.index_cast %scan3A_260 : i32 to index
        %get3A_261 = arith.constant 0 : index
        %get3A_262 = tpu.vector_load %arg14[%get3A, %get3A_261] {strides = array<i32>} : memref<40x16xf32, #tpu.memory_space<vmem>>, vector<1x16xf32>,
        %get3A_263 = vector.shape_cast %get3A_262 : vector<1x16xf32> to vector<16xf32>
        %get3A_264 = arith.index_cast %scan3A_260 : i32 to index
        %get3A_265 = arith.constant 0 : index
        %get3A_266 = tpu.vector_load %arg16[%get3A_264, %get3A_265] {strides = array<i32>} : memref<40x128xf32, #tpu.memory_space<vmem>>, vector<1x16xf32>,
        %get3A_267 = vector.shape_cast %get3A_266 : vector<1x16xf32> to vector<16xf32>
        %mul3A_268 = arith.mulf %get3A_267, %get3A_263 : vector<16xf32>
        %swap3A = arith.index_cast %scan3A_260 : i32 to index
        %swap3A_269 = arith.constant 0 : index
        %swap3A_270 = tpu.vector_load %arg18[%swap3A, %swap3A_269] {strides = array<i32>} : memref<40x128xf32, #tpu.memory_space<vmem>>, vector<1x16xf32>,
        %swap3A_271 = vector.shape_cast %swap3A_270 : vector<1x16xf32> to vector<16xf32>
        %swap3A_272 = vector.shape_cast %mul3A_268 : vector<16xf32> to vector<1x16xf32>
        tpu.vector_store %arg18[%swap3A, %swap3A_269], %swap3A_272 {strides = array<i32>} : memref<40x128xf32, #tpu.memory_space<vmem>>, vector<1x16xf32>,
        %get3A_273 = arith.index_cast %scan3A_260 : i32 to index
        %get3A_274 = arith.constant 16 : index
        %get3A_275 = tpu.vector_load %arg16[%get3A_273, %get3A_274] {strides = array<i32>} : memref<40x128xf32, #tpu.memory_space<vmem>>, vector<1x16xf32>,
        %get3A_276 = vector.shape_cast %get3A_275 : vector<1x16xf32> to vector<16xf32>
        %mul3A_277 = arith.mulf %get3A_276, %get3A_263 : vector<16xf32>
        %swap3A_278 = arith.index_cast %scan3A_260 : i32 to index
        %swap3A_279 = arith.constant 16 : index
        %swap3A_280 = tpu.vector_load %arg18[%swap3A_278, %swap3A_279] {strides = array<i32>} : memref<40x128xf32, #tpu.memory_space<vmem>>, vector<1x16xf32>,
        %swap3A_281 = vector.shape_cast %swap3A_280 : vector<1x16xf32> to vector<16xf32>
        %swap3A_282 = vector.shape_cast %mul3A_277 : vector<16xf32> to vector<1x16xf32>
        tpu.vector_store %arg18[%swap3A_278, %swap3A_279], %swap3A_282 {strides = array<i32>} : memref<40x128xf32, #tpu.memory_space<vmem>>, vector<1x16xf32>,
        %get3A_283 = arith.index_cast %scan3A_260 : i32 to index
        %get3A_284 = arith.constant 32 : index
        %get3A_285 = tpu.vector_load %arg16[%get3A_283, %get3A_284] {strides = array<i32>} : memref<40x128xf32, #tpu.memory_space<vmem>>, vector<1x16xf32>,
        %get3A_286 = vector.shape_cast %get3A_285 : vector<1x16xf32> to vector<16xf32>
        %mul3A_287 = arith.mulf %get3A_286, %get3A_263 : vector<16xf32>
        %swap3A_288 = arith.index_cast %scan3A_260 : i32 to index
        %swap3A_289 = arith.constant 32 : index
        %swap3A_290 = tpu.vector_load %arg18[%swap3A_288, %swap3A_289] {strides = array<i32>} : memref<40x128xf32, #tpu.memory_space<vmem>>, vector<1x16xf32>,
        %swap3A_291 = vector.shape_cast %swap3A_290 : vector<1x16xf32> to vector<16xf32>
        %swap3A_292 = vector.shape_cast %mul3A_287 : vector<16xf32> to vector<1x16xf32>
        tpu.vector_store %arg18[%swap3A_288, %swap3A_289], %swap3A_292 {strides = array<i32>} : memref<40x128xf32, #tpu.memory_space<vmem>>, vector<1x16xf32>,
        %get3A_293 = arith.index_cast %scan3A_260 : i32 to index
        %get3A_294 = arith.constant 48 : index
        %get3A_295 = tpu.vector_load %arg16[%get3A_293, %get3A_294] {strides = array<i32>} : memref<40x128xf32, #tpu.memory_space<vmem>>, vector<1x16xf32>,
        %get3A_296 = vector.shape_cast %get3A_295 : vector<1x16xf32> to vector<16xf32>
        %mul3A_297 = arith.mulf %get3A_296, %get3A_263 : vector<16xf32>
        %swap3A_298 = arith.index_cast %scan3A_260 : i32 to index
        %swap3A_299 = arith.constant 48 : index
        %swap3A_300 = tpu.vector_load %arg18[%swap3A_298, %swap3A_299] {strides = array<i32>} : memref<40x128xf32, #tpu.memory_space<vmem>>, vector<1x16xf32>,
        %swap3A_301 = vector.shape_cast %swap3A_300 : vector<1x16xf32> to vector<16xf32>
        %swap3A_302 = vector.shape_cast %mul3A_297 : vector<16xf32> to vector<1x16xf32>
        tpu.vector_store %arg18[%swap3A_298, %swap3A_299], %swap3A_302 {strides = array<i32>} : memref<40x128xf32, #tpu.memory_space<vmem>>, vector<1x16xf32>,
        %get3A_303 = arith.index_cast %scan3A_260 : i32 to index
        %get3A_304 = arith.constant 64 : index
        %get3A_305 = tpu.vector_load %arg16[%get3A_303, %get3A_304] {strides = array<i32>} : memref<40x128xf32, #tpu.memory_space<vmem>>, vector<1x16xf32>,
        %get3A_306 = vector.shape_cast %get3A_305 : vector<1x16xf32> to vector<16xf32>
        %mul3A_307 = arith.mulf %get3A_306, %get3A_263 : vector<16xf32>
        %swap3A_308 = arith.index_cast %scan3A_260 : i32 to index
        %swap3A_309 = arith.constant 64 : index
        %swap3A_310 = tpu.vector_load %arg18[%swap3A_308, %swap3A_309] {strides = array<i32>} : memref<40x128xf32, #tpu.memory_space<vmem>>, vector<1x16xf32>,
        %swap3A_311 = vector.shape_cast %swap3A_310 : vector<1x16xf32> to vector<16xf32>
        %swap3A_312 = vector.shape_cast %mul3A_307 : vector<16xf32> to vector<1x16xf32>
        tpu.vector_store %arg18[%swap3A_308, %swap3A_309], %swap3A_312 {strides = array<i32>} : memref<40x128xf32, #tpu.memory_space<vmem>>, vector<1x16xf32>,
        %get3A_313 = arith.index_cast %scan3A_260 : i32 to index
        %get3A_314 = arith.constant 80 : index
        %get3A_315 = tpu.vector_load %arg16[%get3A_313, %get3A_314] {strides = array<i32>} : memref<40x128xf32, #tpu.memory_space<vmem>>, vector<1x16xf32>,
        %get3A_316 = vector.shape_cast %get3A_315 : vector<1x16xf32> to vector<16xf32>
        %mul3A_317 = arith.mulf %get3A_316, %get3A_263 : vector<16xf32>
        %swap3A_318 = arith.index_cast %scan3A_260 : i32 to index
        %swap3A_319 = arith.constant 80 : index
        %swap3A_320 = tpu.vector_load %arg18[%swap3A_318, %swap3A_319] {strides = array<i32>} : memref<40x128xf32, #tpu.memory_space<vmem>>, vector<1x16xf32>,
        %swap3A_321 = vector.shape_cast %swap3A_320 : vector<1x16xf32> to vector<16xf32>
        %swap3A_322 = vector.shape_cast %mul3A_317 : vector<16xf32> to vector<1x16xf32>
        tpu.vector_store %arg18[%swap3A_318, %swap3A_319], %swap3A_322 {strides = array<i32>} : memref<40x128xf32, #tpu.memory_space<vmem>>, vector<1x16xf32>,
        %get3A_323 = arith.index_cast %scan3A_260 : i32 to index
        %get3A_324 = arith.constant 96 : index
        %get3A_325 = tpu.vector_load %arg16[%get3A_323, %get3A_324] {strides = array<i32>} : memref<40x128xf32, #tpu.memory_space<vmem>>, vector<1x16xf32>,
        %get3A_326 = vector.shape_cast %get3A_325 : vector<1x16xf32> to vector<16xf32>
        %mul3A_327 = arith.mulf %get3A_326, %get3A_263 : vector<16xf32>
        %swap3A_328 = arith.index_cast %scan3A_260 : i32 to index
        %swap3A_329 = arith.constant 96 : index
        %swap3A_330 = tpu.vector_load %arg18[%swap3A_328, %swap3A_329] {strides = array<i32>} : memref<40x128xf32, #tpu.memory_space<vmem>>, vector<1x16xf32>,
        %swap3A_331 = vector.shape_cast %swap3A_330 : vector<1x16xf32> to vector<16xf32>
        %swap3A_332 = vector.shape_cast %mul3A_327 : vector<16xf32> to vector<1x16xf32>
        tpu.vector_store %arg18[%swap3A_328, %swap3A_329], %swap3A_332 {strides = array<i32>} : memref<40x128xf32, #tpu.memory_space<vmem>>, vector<1x16xf32>,
        %get3A_333 = arith.index_cast %scan3A_260 : i32 to index
        %get3A_334 = arith.constant 112 : index
        %get3A_335 = tpu.vector_load %arg16[%get3A_333, %get3A_334] {strides = array<i32>} : memref<40x128xf32, #tpu.memory_space<vmem>>, vector<1x16xf32>,
        %get3A_336 = vector.shape_cast %get3A_335 : vector<1x16xf32> to vector<16xf32>
        %mul3A_337 = arith.mulf %get3A_336, %get3A_263 : vector<16xf32>
        %swap3A_338 = arith.index_cast %scan3A_260 : i32 to index
        %swap3A_339 = arith.constant 112 : index
        %swap3A_340 = tpu.vector_load %arg18[%swap3A_338, %swap3A_339] {strides = array<i32>} : memref<40x128xf32, #tpu.memory_space<vmem>>, vector<1x16xf32>,
        %swap3A_341 = vector.shape_cast %swap3A_340 : vector<1x16xf32> to vector<16xf32>
        %swap3A_342 = vector.shape_cast %mul3A_337 : vector<16xf32> to vector<1x16xf32>
        tpu.vector_store %arg18[%swap3A_338, %swap3A_339], %swap3A_342 {strides = array<i32>} : memref<40x128xf32, #tpu.memory_space<vmem>>, vector<1x16xf32>,
      }
      %scan3A_246 = arith.constant 40 : i32
      %ge3A_247 = arith.constant 1 : i32
      %ge3A_248 = arith.cmpi sge, %add3A_219, %ge3A_247 : i32
      %convert_element_type3A_249 = arith.extui %ge3A_248 : i1 to i32
      %cond3A_250 = arith.constant 0 : i32
      %cond3A_251 = arith.cmpi ne, %convert_element_type3A_249, %cond3A_250 : i32
      scf.if %cond3A_251 {
        %dma_wait3A_260 = arith.constant 0 : i32
        %dma_wait3A_261 = arith.constant 0 : i32
        %dma_wait3A_262 = tpu.memref_slice %arg19[%dma_wait3A_260, %dma_wait3A_261] : memref<10000x128xf32, #tpu.memory_space<vmem_shared>> -> memref<10000x128xf32, #tpu.memory_space<vmem_shared>>
        tpu.wait_indirect_dma semaphore(%arg22 : memref<!tpu.dma_semaphore, #tpu.memory_space<semaphore_mem>>) src(%arg17 : memref<40x128xf32, #tpu.memory_space<vmem>>) dst(%dma_wait3A_262 : memref<10000x128xf32, #tpu.memory_space<vmem_shared>>)
      } else {
      }
      %add3A_252 = arith.constant 1 : i32
      %add3A_253 = arith.addi %add3A_219, %add3A_252 : i32
      %mul3A_254 = arith.constant 40 : i32
      %mul3A_255 = arith.muli %add3A_253, %mul3A_254 : i32
      %add3A_256 = arith.addi %mul3A_0, %mul3A_255 : i32
      "tpu.region"() ({
        %run_scoped3A = tpu.sem_alloc : memref<!tpu.dma_semaphore, #tpu.memory_space<semaphore_mem>>
        %dma_start3A_260 = tpu.memref_slice %arg4[%add3A_256] : memref<320000xi32, #tpu.memory_space<hbm>> -> memref<40xi32, #tpu.memory_space<hbm>>
        %dma_start3A_261 = tpu.memref_slice %arg4[%add3A_256] : memref<320000xi32, #tpu.memory_space<hbm>> -> memref<40xi32, #tpu.memory_space<hbm>>
        tpu.enqueue_dma source(%dma_start3A_261 : memref<40xi32, #tpu.memory_space<hbm>>) target(%arg11 : memref<40xi32, #tpu.memory_space<vmem>>) target_semaphore(%run_scoped3A : memref<!tpu.dma_semaphore, #tpu.memory_space<semaphore_mem>>)
        %dma_wait3A_262 = tpu.memref_slice %arg4[%add3A_256] : memref<320000xi32, #tpu.memory_space<hbm>> -> memref<40xi32, #tpu.memory_space<hbm>>
        %dma_wait3A_263 = tpu.memref_slice %arg4[%add3A_256] : memref<320000xi32, #tpu.memory_space<hbm>> -> memref<40xi32, #tpu.memory_space<hbm>>
        tpu.wait_dma2 semaphore(%run_scoped3A : memref<!tpu.dma_semaphore, #tpu.memory_space<semaphore_mem>>) src(%dma_wait3A_263 : memref<40xi32, #tpu.memory_space<hbm>>) dst(%arg11 : memref<40xi32, #tpu.memory_space<vmem>>)
        tpu.yield
      }) : () -> ()
      %dma_start3A_257 = arith.constant 0 : i32
      %dma_start3A_258 = arith.constant 0 : i32
      %dma_start3A_259 = tpu.memref_slice %arg19[%dma_start3A_257, %dma_start3A_258] : memref<10000x128xf32, #tpu.memory_space<vmem_shared>> -> memref<10000x128xf32, #tpu.memory_space<vmem_shared>>
      tpu.enqueue_indirect_dma source(%arg18 : memref<40x128xf32, #tpu.memory_space<vmem>>) target(%dma_start3A_259 : memref<10000x128xf32, #tpu.memory_space<vmem_shared>>) offsets(%arg12 : memref<40xi32, #tpu.memory_space<vmem>>) semaphore(%arg23 : memref<!tpu.dma_semaphore, #tpu.memory_space<semaphore_mem>>) {add = true}
    }
    %scan3A_67 = arith.constant 249 : i32
    %add3A_68 = arith.constant 19960 : i32
    %add3A_69 = arith.addi %mul3A_0, %add3A_68 : i32
    %eq3A_70 = arith.constant 0 : i32
    %eq3A_71 = arith.cmpi eq, %arg0, %eq3A_70 : i32
    %convert_element_type3A_72 = arith.extui %eq3A_71 : i1 to i32
    %cond3A_73 = arith.constant 0 : i32
    %cond3A_74 = arith.cmpi ne, %convert_element_type3A_72, %cond3A_73 : i32
    scf.if %cond3A_74 {
      "tpu.region"() ({
        %run_scoped3A = tpu.sem_alloc : memref<!tpu.dma_semaphore, #tpu.memory_space<semaphore_mem>>
        %dma_start3A_174 = tpu.memref_slice %arg2[%add3A_69] : memref<320000xi32, #tpu.memory_space<hbm>> -> memref<40xi32, #tpu.memory_space<hbm>>
        %dma_start3A_175 = tpu.memref_slice %arg2[%add3A_69] : memref<320000xi32, #tpu.memory_space<hbm>> -> memref<40xi32, #tpu.memory_space<hbm>>
        tpu.enqueue_dma source(%dma_start3A_175 : memref<40xi32, #tpu.memory_space<hbm>>) target(%arg10 : memref<40xi32, #tpu.memory_space<vmem>>) target_semaphore(%run_scoped3A : memref<!tpu.dma_semaphore, #tpu.memory_space<semaphore_mem>>)
        %dma_wait3A_176 = tpu.memref_slice %arg2[%add3A_69] : memref<320000xi32, #tpu.memory_space<hbm>> -> memref<40xi32, #tpu.memory_space<hbm>>
        %dma_wait3A_177 = tpu.memref_slice %arg2[%add3A_69] : memref<320000xi32, #tpu.memory_space<hbm>> -> memref<40xi32, #tpu.memory_space<hbm>>
        tpu.wait_dma2 semaphore(%run_scoped3A : memref<!tpu.dma_semaphore, #tpu.memory_space<semaphore_mem>>) src(%dma_wait3A_177 : memref<40xi32, #tpu.memory_space<hbm>>) dst(%arg10 : memref<40xi32, #tpu.memory_space<vmem>>)
        tpu.yield
      }) : () -> ()
    } else {
    }
    %ne3A_75 = arith.constant 0 : i32
    %ne3A_76 = arith.cmpi ne, %arg0, %ne3A_75 : i32
    %convert_element_type3A_77 = arith.extui %ne3A_76 : i1 to i32
    %cond3A_78 = arith.constant 0 : i32
    %cond3A_79 = arith.cmpi ne, %convert_element_type3A_77, %cond3A_78 : i32
    scf.if %cond3A_79 {
      "tpu.region"() ({
        %run_scoped3A = tpu.sem_alloc : memref<!tpu.dma_semaphore, #tpu.memory_space<semaphore_mem>>
        %dma_start3A_174 = tpu.memref_slice %arg3[%add3A_69] : memref<320000xi32, #tpu.memory_space<hbm>> -> memref<40xi32, #tpu.memory_space<hbm>>
        %dma_start3A_175 = tpu.memref_slice %arg3[%add3A_69] : memref<320000xi32, #tpu.memory_space<hbm>> -> memref<40xi32, #tpu.memory_space<hbm>>
        tpu.enqueue_dma source(%dma_start3A_175 : memref<40xi32, #tpu.memory_space<hbm>>) target(%arg10 : memref<40xi32, #tpu.memory_space<vmem>>) target_semaphore(%run_scoped3A : memref<!tpu.dma_semaphore, #tpu.memory_space<semaphore_mem>>)
        %dma_wait3A_176 = tpu.memref_slice %arg3[%add3A_69] : memref<320000xi32, #tpu.memory_space<hbm>> -> memref<40xi32, #tpu.memory_space<hbm>>
        %dma_wait3A_177 = tpu.memref_slice %arg3[%add3A_69] : memref<320000xi32, #tpu.memory_space<hbm>> -> memref<40xi32, #tpu.memory_space<hbm>>
        tpu.wait_dma2 semaphore(%run_scoped3A : memref<!tpu.dma_semaphore, #tpu.memory_space<semaphore_mem>>) src(%dma_wait3A_177 : memref<40xi32, #tpu.memory_space<hbm>>) dst(%arg10 : memref<40xi32, #tpu.memory_space<vmem>>)
        tpu.yield
      }) : () -> ()
    } else {
    }
    "tpu.region"() ({
      %run_scoped3A = tpu.sem_alloc : memref<!tpu.dma_semaphore, #tpu.memory_space<semaphore_mem>>
      %dma_start3A_174 = arith.constant 0 : i32
      %dma_start3A_175 = tpu.memref_slice %arg5[%add3A_69, %dma_start3A_174] : memref<320000x16xf32, #tpu.memory_space<hbm>> -> memref<40x16xf32, #tpu.memory_space<hbm>>
      %dma_start3A_176 = arith.constant 0 : i32
      %dma_start3A_177 = tpu.memref_slice %arg5[%add3A_69, %dma_start3A_176] : memref<320000x16xf32, #tpu.memory_space<hbm>> -> memref<40x16xf32, #tpu.memory_space<hbm>>
      tpu.enqueue_dma source(%dma_start3A_177 : memref<40x16xf32, #tpu.memory_space<hbm>>) target(%arg14 : memref<40x16xf32, #tpu.memory_space<vmem>>) target_semaphore(%run_scoped3A : memref<!tpu.dma_semaphore, #tpu.memory_space<semaphore_mem>>)
      %dma_wait3A_178 = arith.constant 0 : i32
      %dma_wait3A_179 = tpu.memref_slice %arg5[%add3A_69, %dma_wait3A_178] : memref<320000x16xf32, #tpu.memory_space<hbm>> -> memref<40x16xf32, #tpu.memory_space<hbm>>
      %dma_wait3A_180 = arith.constant 0 : i32
      %dma_wait3A_181 = tpu.memref_slice %arg5[%add3A_69, %dma_wait3A_180] : memref<320000x16xf32, #tpu.memory_space<hbm>> -> memref<40x16xf32, #tpu.memory_space<hbm>>
      tpu.wait_dma2 semaphore(%run_scoped3A : memref<!tpu.dma_semaphore, #tpu.memory_space<semaphore_mem>>) src(%dma_wait3A_181 : memref<40x16xf32, #tpu.memory_space<hbm>>) dst(%arg14 : memref<40x16xf32, #tpu.memory_space<vmem>>)
      tpu.yield
    }) : () -> ()
    %dma_start3A_80 = arith.constant 0 : i32
    %dma_start3A_81 = arith.constant 0 : i32
    %dma_start3A_82 = tpu.memref_slice %arg6[%dma_start3A_80, %dma_start3A_81] : memref<20000x128xf32, #tpu.memory_space<hbm>> -> memref<20000x128xf32, #tpu.memory_space<hbm>>
    tpu.enqueue_indirect_dma source(%dma_start3A_82 : memref<20000x128xf32, #tpu.memory_space<hbm>>) target(%arg16 : memref<40x128xf32, #tpu.memory_space<vmem>>) offsets(%arg10 : memref<40xi32, #tpu.memory_space<vmem>>) semaphore(%arg21 : memref<!tpu.dma_semaphore, #tpu.memory_space<semaphore_mem>>)
    %dma_wait3A = arith.constant 0 : i32
    %dma_wait3A_83 = arith.constant 0 : i32
    %dma_wait3A_84 = tpu.memref_slice %arg6[%dma_wait3A, %dma_wait3A_83] : memref<20000x128xf32, #tpu.memory_space<hbm>> -> memref<20000x128xf32, #tpu.memory_space<hbm>>
    tpu.wait_indirect_dma semaphore(%arg20 : memref<!tpu.dma_semaphore, #tpu.memory_space<semaphore_mem>>) src(%dma_wait3A_84 : memref<20000x128xf32, #tpu.memory_space<hbm>>) dst(%arg15 : memref<40x128xf32, #tpu.memory_space<vmem>>)
    %scan3A_85 = arith.constant 0 : i32
    %scan3A_86 = arith.constant 0 : i32
    %scan3A_87 = arith.constant 40 : i32
    %scan3A_88 = arith.addi %scan3A_86, %scan3A_87 : i32
    %scan3A_89 = arith.constant 1 : i32
    scf.for %scan3A_174 = %scan3A_86 to %scan3A_88 step %scan3A_89  : i32 {
      %get3A = arith.index_cast %scan3A_174 : i32 to index
      %get3A_175 = arith.constant 0 : index
      %get3A_176 = tpu.vector_load %arg13[%get3A, %get3A_175] {strides = array<i32>} : memref<40x16xf32, #tpu.memory_space<vmem>>, vector<1x16xf32>,
      %get3A_177 = vector.shape_cast %get3A_176 : vector<1x16xf32> to vector<16xf32>
      %get3A_178 = arith.index_cast %scan3A_174 : i32 to index
      %get3A_179 = arith.constant 0 : index
      %get3A_180 = tpu.vector_load %arg15[%get3A_178, %get3A_179] {strides = array<i32>} : memref<40x128xf32, #tpu.memory_space<vmem>>, vector<1x16xf32>,
      %get3A_181 = vector.shape_cast %get3A_180 : vector<1x16xf32> to vector<16xf32>
      %mul3A_182 = arith.mulf %get3A_181, %get3A_177 : vector<16xf32>
      %swap3A = arith.index_cast %scan3A_174 : i32 to index
      %swap3A_183 = arith.constant 0 : index
      %swap3A_184 = tpu.vector_load %arg17[%swap3A, %swap3A_183] {strides = array<i32>} : memref<40x128xf32, #tpu.memory_space<vmem>>, vector<1x16xf32>,
      %swap3A_185 = vector.shape_cast %swap3A_184 : vector<1x16xf32> to vector<16xf32>
      %swap3A_186 = vector.shape_cast %mul3A_182 : vector<16xf32> to vector<1x16xf32>
      tpu.vector_store %arg17[%swap3A, %swap3A_183], %swap3A_186 {strides = array<i32>} : memref<40x128xf32, #tpu.memory_space<vmem>>, vector<1x16xf32>,
      %get3A_187 = arith.index_cast %scan3A_174 : i32 to index
      %get3A_188 = arith.constant 16 : index
      %get3A_189 = tpu.vector_load %arg15[%get3A_187, %get3A_188] {strides = array<i32>} : memref<40x128xf32, #tpu.memory_space<vmem>>, vector<1x16xf32>,
      %get3A_190 = vector.shape_cast %get3A_189 : vector<1x16xf32> to vector<16xf32>
      %mul3A_191 = arith.mulf %get3A_190, %get3A_177 : vector<16xf32>
      %swap3A_192 = arith.index_cast %scan3A_174 : i32 to index
      %swap3A_193 = arith.constant 16 : index
      %swap3A_194 = tpu.vector_load %arg17[%swap3A_192, %swap3A_193] {strides = array<i32>} : memref<40x128xf32, #tpu.memory_space<vmem>>, vector<1x16xf32>,
      %swap3A_195 = vector.shape_cast %swap3A_194 : vector<1x16xf32> to vector<16xf32>
      %swap3A_196 = vector.shape_cast %mul3A_191 : vector<16xf32> to vector<1x16xf32>
      tpu.vector_store %arg17[%swap3A_192, %swap3A_193], %swap3A_196 {strides = array<i32>} : memref<40x128xf32, #tpu.memory_space<vmem>>, vector<1x16xf32>,
      %get3A_197 = arith.index_cast %scan3A_174 : i32 to index
      %get3A_198 = arith.constant 32 : index
      %get3A_199 = tpu.vector_load %arg15[%get3A_197, %get3A_198] {strides = array<i32>} : memref<40x128xf32, #tpu.memory_space<vmem>>, vector<1x16xf32>,
      %get3A_200 = vector.shape_cast %get3A_199 : vector<1x16xf32> to vector<16xf32>
      %mul3A_201 = arith.mulf %get3A_200, %get3A_177 : vector<16xf32>
      %swap3A_202 = arith.index_cast %scan3A_174 : i32 to index
      %swap3A_203 = arith.constant 32 : index
      %swap3A_204 = tpu.vector_load %arg17[%swap3A_202, %swap3A_203] {strides = array<i32>} : memref<40x128xf32, #tpu.memory_space<vmem>>, vector<1x16xf32>,
      %swap3A_205 = vector.shape_cast %swap3A_204 : vector<1x16xf32> to vector<16xf32>
      %swap3A_206 = vector.shape_cast %mul3A_201 : vector<16xf32> to vector<1x16xf32>
      tpu.vector_store %arg17[%swap3A_202, %swap3A_203], %swap3A_206 {strides = array<i32>} : memref<40x128xf32, #tpu.memory_space<vmem>>, vector<1x16xf32>,
      %get3A_207 = arith.index_cast %scan3A_174 : i32 to index
      %get3A_208 = arith.constant 48 : index
      %get3A_209 = tpu.vector_load %arg15[%get3A_207, %get3A_208] {strides = array<i32>} : memref<40x128xf32, #tpu.memory_space<vmem>>, vector<1x16xf32>,
      %get3A_210 = vector.shape_cast %get3A_209 : vector<1x16xf32> to vector<16xf32>
      %mul3A_211 = arith.mulf %get3A_210, %get3A_177 : vector<16xf32>
      %swap3A_212 = arith.index_cast %scan3A_174 : i32 to index
      %swap3A_213 = arith.constant 48 : index
      %swap3A_214 = tpu.vector_load %arg17[%swap3A_212, %swap3A_213] {strides = array<i32>} : memref<40x128xf32, #tpu.memory_space<vmem>>, vector<1x16xf32>,
      %swap3A_215 = vector.shape_cast %swap3A_214 : vector<1x16xf32> to vector<16xf32>
      %swap3A_216 = vector.shape_cast %mul3A_211 : vector<16xf32> to vector<1x16xf32>
      tpu.vector_store %arg17[%swap3A_212, %swap3A_213], %swap3A_216 {strides = array<i32>} : memref<40x128xf32, #tpu.memory_space<vmem>>, vector<1x16xf32>,
      %get3A_217 = arith.index_cast %scan3A_174 : i32 to index
      %get3A_218 = arith.constant 64 : index
      %get3A_219 = tpu.vector_load %arg15[%get3A_217, %get3A_218] {strides = array<i32>} : memref<40x128xf32, #tpu.memory_space<vmem>>, vector<1x16xf32>,
      %get3A_220 = vector.shape_cast %get3A_219 : vector<1x16xf32> to vector<16xf32>
      %mul3A_221 = arith.mulf %get3A_220, %get3A_177 : vector<16xf32>
      %swap3A_222 = arith.index_cast %scan3A_174 : i32 to index
      %swap3A_223 = arith.constant 64 : index
      %swap3A_224 = tpu.vector_load %arg17[%swap3A_222, %swap3A_223] {strides = array<i32>} : memref<40x128xf32, #tpu.memory_space<vmem>>, vector<1x16xf32>,
      %swap3A_225 = vector.shape_cast %swap3A_224 : vector<1x16xf32> to vector<16xf32>
      %swap3A_226 = vector.shape_cast %mul3A_221 : vector<16xf32> to vector<1x16xf32>
      tpu.vector_store %arg17[%swap3A_222, %swap3A_223], %swap3A_226 {strides = array<i32>} : memref<40x128xf32, #tpu.memory_space<vmem>>, vector<1x16xf32>,
      %get3A_227 = arith.index_cast %scan3A_174 : i32 to index
      %get3A_228 = arith.constant 80 : index
      %get3A_229 = tpu.vector_load %arg15[%get3A_227, %get3A_228] {strides = array<i32>} : memref<40x128xf32, #tpu.memory_space<vmem>>, vector<1x16xf32>,
      %get3A_230 = vector.shape_cast %get3A_229 : vector<1x16xf32> to vector<16xf32>
      %mul3A_231 = arith.mulf %get3A_230, %get3A_177 : vector<16xf32>
      %swap3A_232 = arith.index_cast %scan3A_174 : i32 to index
      %swap3A_233 = arith.constant 80 : index
      %swap3A_234 = tpu.vector_load %arg17[%swap3A_232, %swap3A_233] {strides = array<i32>} : memref<40x128xf32, #tpu.memory_space<vmem>>, vector<1x16xf32>,
      %swap3A_235 = vector.shape_cast %swap3A_234 : vector<1x16xf32> to vector<16xf32>
      %swap3A_236 = vector.shape_cast %mul3A_231 : vector<16xf32> to vector<1x16xf32>
      tpu.vector_store %arg17[%swap3A_232, %swap3A_233], %swap3A_236 {strides = array<i32>} : memref<40x128xf32, #tpu.memory_space<vmem>>, vector<1x16xf32>,
      %get3A_237 = arith.index_cast %scan3A_174 : i32 to index
      %get3A_238 = arith.constant 96 : index
      %get3A_239 = tpu.vector_load %arg15[%get3A_237, %get3A_238] {strides = array<i32>} : memref<40x128xf32, #tpu.memory_space<vmem>>, vector<1x16xf32>,
      %get3A_240 = vector.shape_cast %get3A_239 : vector<1x16xf32> to vector<16xf32>
      %mul3A_241 = arith.mulf %get3A_240, %get3A_177 : vector<16xf32>
      %swap3A_242 = arith.index_cast %scan3A_174 : i32 to index
      %swap3A_243 = arith.constant 96 : index
      %swap3A_244 = tpu.vector_load %arg17[%swap3A_242, %swap3A_243] {strides = array<i32>} : memref<40x128xf32, #tpu.memory_space<vmem>>, vector<1x16xf32>,
      %swap3A_245 = vector.shape_cast %swap3A_244 : vector<1x16xf32> to vector<16xf32>
      %swap3A_246 = vector.shape_cast %mul3A_241 : vector<16xf32> to vector<1x16xf32>
      tpu.vector_store %arg17[%swap3A_242, %swap3A_243], %swap3A_246 {strides = array<i32>} : memref<40x128xf32, #tpu.memory_space<vmem>>, vector<1x16xf32>,
      %get3A_247 = arith.index_cast %scan3A_174 : i32 to index
      %get3A_248 = arith.constant 112 : index
      %get3A_249 = tpu.vector_load %arg15[%get3A_247, %get3A_248] {strides = array<i32>} : memref<40x128xf32, #tpu.memory_space<vmem>>, vector<1x16xf32>,
      %get3A_250 = vector.shape_cast %get3A_249 : vector<1x16xf32> to vector<16xf32>
      %mul3A_251 = arith.mulf %get3A_250, %get3A_177 : vector<16xf32>
      %swap3A_252 = arith.index_cast %scan3A_174 : i32 to index
      %swap3A_253 = arith.constant 112 : index
      %swap3A_254 = tpu.vector_load %arg17[%swap3A_252, %swap3A_253] {strides = array<i32>} : memref<40x128xf32, #tpu.memory_space<vmem>>, vector<1x16xf32>,
      %swap3A_255 = vector.shape_cast %swap3A_254 : vector<1x16xf32> to vector<16xf32>
      %swap3A_256 = vector.shape_cast %mul3A_251 : vector<16xf32> to vector<1x16xf32>
      tpu.vector_store %arg17[%swap3A_252, %swap3A_253], %swap3A_256 {strides = array<i32>} : memref<40x128xf32, #tpu.memory_space<vmem>>, vector<1x16xf32>,
    }
    %scan3A_90 = arith.constant 40 : i32
    %dma_wait3A_91 = arith.constant 0 : i32
    %dma_wait3A_92 = arith.constant 0 : i32
    %dma_wait3A_93 = tpu.memref_slice %arg19[%dma_wait3A_91, %dma_wait3A_92] : memref<10000x128xf32, #tpu.memory_space<vmem_shared>> -> memref<10000x128xf32, #tpu.memory_space<vmem_shared>>
    tpu.wait_indirect_dma semaphore(%arg23 : memref<!tpu.dma_semaphore, #tpu.memory_space<semaphore_mem>>) src(%arg18 : memref<40x128xf32, #tpu.memory_space<vmem>>) dst(%dma_wait3A_93 : memref<10000x128xf32, #tpu.memory_space<vmem_shared>>)
    %add3A_94 = arith.constant 19960 : i32
    %add3A_95 = arith.addi %mul3A_0, %add3A_94 : i32
    "tpu.region"() ({
      %run_scoped3A = tpu.sem_alloc : memref<!tpu.dma_semaphore, #tpu.memory_space<semaphore_mem>>
      %dma_start3A_174 = tpu.memref_slice %arg4[%add3A_95] : memref<320000xi32, #tpu.memory_space<hbm>> -> memref<40xi32, #tpu.memory_space<hbm>>
      %dma_start3A_175 = tpu.memref_slice %arg4[%add3A_95] : memref<320000xi32, #tpu.memory_space<hbm>> -> memref<40xi32, #tpu.memory_space<hbm>>
      tpu.enqueue_dma source(%dma_start3A_175 : memref<40xi32, #tpu.memory_space<hbm>>) target(%arg12 : memref<40xi32, #tpu.memory_space<vmem>>) target_semaphore(%run_scoped3A : memref<!tpu.dma_semaphore, #tpu.memory_space<semaphore_mem>>)
      %dma_wait3A_176 = tpu.memref_slice %arg4[%add3A_95] : memref<320000xi32, #tpu.memory_space<hbm>> -> memref<40xi32, #tpu.memory_space<hbm>>
      %dma_wait3A_177 = tpu.memref_slice %arg4[%add3A_95] : memref<320000xi32, #tpu.memory_space<hbm>> -> memref<40xi32, #tpu.memory_space<hbm>>
      tpu.wait_dma2 semaphore(%run_scoped3A : memref<!tpu.dma_semaphore, #tpu.memory_space<semaphore_mem>>) src(%dma_wait3A_177 : memref<40xi32, #tpu.memory_space<hbm>>) dst(%arg12 : memref<40xi32, #tpu.memory_space<vmem>>)
      tpu.yield
    }) : () -> ()
    %dma_start3A_96 = arith.constant 0 : i32
    %dma_start3A_97 = arith.constant 0 : i32
    %dma_start3A_98 = tpu.memref_slice %arg19[%dma_start3A_96, %dma_start3A_97] : memref<10000x128xf32, #tpu.memory_space<vmem_shared>> -> memref<10000x128xf32, #tpu.memory_space<vmem_shared>>
    tpu.enqueue_indirect_dma source(%arg17 : memref<40x128xf32, #tpu.memory_space<vmem>>) target(%dma_start3A_98 : memref<10000x128xf32, #tpu.memory_space<vmem_shared>>) offsets(%arg11 : memref<40xi32, #tpu.memory_space<vmem>>) semaphore(%arg22 : memref<!tpu.dma_semaphore, #tpu.memory_space<semaphore_mem>>) {add = true}
    %dma_wait3A_99 = arith.constant 0 : i32
    %dma_wait3A_100 = arith.constant 0 : i32
    %dma_wait3A_101 = tpu.memref_slice %arg6[%dma_wait3A_99, %dma_wait3A_100] : memref<20000x128xf32, #tpu.memory_space<hbm>> -> memref<20000x128xf32, #tpu.memory_space<hbm>>
    tpu.wait_indirect_dma semaphore(%arg21 : memref<!tpu.dma_semaphore, #tpu.memory_space<semaphore_mem>>) src(%dma_wait3A_101 : memref<20000x128xf32, #tpu.memory_space<hbm>>) dst(%arg16 : memref<40x128xf32, #tpu.memory_space<vmem>>)
    %scan3A_102 = arith.constant 0 : i32
    %scan3A_103 = arith.constant 0 : i32
    %scan3A_104 = arith.constant 40 : i32
    %scan3A_105 = arith.addi %scan3A_103, %scan3A_104 : i32
    %scan3A_106 = arith.constant 1 : i32
    scf.for %scan3A_174 = %scan3A_103 to %scan3A_105 step %scan3A_106  : i32 {
      %get3A = arith.index_cast %scan3A_174 : i32 to index
      %get3A_175 = arith.constant 0 : index
      %get3A_176 = tpu.vector_load %arg14[%get3A, %get3A_175] {strides = array<i32>} : memref<40x16xf32, #tpu.memory_space<vmem>>, vector<1x16xf32>,
      %get3A_177 = vector.shape_cast %get3A_176 : vector<1x16xf32> to vector<16xf32>
      %get3A_178 = arith.index_cast %scan3A_174 : i32 to index
      %get3A_179 = arith.constant 0 : index
      %get3A_180 = tpu.vector_load %arg16[%get3A_178, %get3A_179] {strides = array<i32>} : memref<40x128xf32, #tpu.memory_space<vmem>>, vector<1x16xf32>,
      %get3A_181 = vector.shape_cast %get3A_180 : vector<1x16xf32> to vector<16xf32>
      %mul3A_182 = arith.mulf %get3A_181, %get3A_177 : vector<16xf32>
      %swap3A = arith.index_cast %scan3A_174 : i32 to index
      %swap3A_183 = arith.constant 0 : index
      %swap3A_184 = tpu.vector_load %arg18[%swap3A, %swap3A_183] {strides = array<i32>} : memref<40x128xf32, #tpu.memory_space<vmem>>, vector<1x16xf32>,
      %swap3A_185 = vector.shape_cast %swap3A_184 : vector<1x16xf32> to vector<16xf32>
      %swap3A_186 = vector.shape_cast %mul3A_182 : vector<16xf32> to vector<1x16xf32>
      tpu.vector_store %arg18[%swap3A, %swap3A_183], %swap3A_186 {strides = array<i32>} : memref<40x128xf32, #tpu.memory_space<vmem>>, vector<1x16xf32>,
      %get3A_187 = arith.index_cast %scan3A_174 : i32 to index
      %get3A_188 = arith.constant 16 : index
      %get3A_189 = tpu.vector_load %arg16[%get3A_187, %get3A_188] {strides = array<i32>} : memref<40x128xf32, #tpu.memory_space<vmem>>, vector<1x16xf32>,
      %get3A_190 = vector.shape_cast %get3A_189 : vector<1x16xf32> to vector<16xf32>
      %mul3A_191 = arith.mulf %get3A_190, %get3A_177 : vector<16xf32>
      %swap3A_192 = arith.index_cast %scan3A_174 : i32 to index
      %swap3A_193 = arith.constant 16 : index
      %swap3A_194 = tpu.vector_load %arg18[%swap3A_192, %swap3A_193] {strides = array<i32>} : memref<40x128xf32, #tpu.memory_space<vmem>>, vector<1x16xf32>,
      %swap3A_195 = vector.shape_cast %swap3A_194 : vector<1x16xf32> to vector<16xf32>
      %swap3A_196 = vector.shape_cast %mul3A_191 : vector<16xf32> to vector<1x16xf32>
      tpu.vector_store %arg18[%swap3A_192, %swap3A_193], %swap3A_196 {strides = array<i32>} : memref<40x128xf32, #tpu.memory_space<vmem>>, vector<1x16xf32>,
      %get3A_197 = arith.index_cast %scan3A_174 : i32 to index
      %get3A_198 = arith.constant 32 : index
      %get3A_199 = tpu.vector_load %arg16[%get3A_197, %get3A_198] {strides = array<i32>} : memref<40x128xf32, #tpu.memory_space<vmem>>, vector<1x16xf32>,
      %get3A_200 = vector.shape_cast %get3A_199 : vector<1x16xf32> to vector<16xf32>
      %mul3A_201 = arith.mulf %get3A_200, %get3A_177 : vector<16xf32>
      %swap3A_202 = arith.index_cast %scan3A_174 : i32 to index
      %swap3A_203 = arith.constant 32 : index
      %swap3A_204 = tpu.vector_load %arg18[%swap3A_202, %swap3A_203] {strides = array<i32>} : memref<40x128xf32, #tpu.memory_space<vmem>>, vector<1x16xf32>,
      %swap3A_205 = vector.shape_cast %swap3A_204 : vector<1x16xf32> to vector<16xf32>
      %swap3A_206 = vector.shape_cast %mul3A_201 : vector<16xf32> to vector<1x16xf32>
      tpu.vector_store %arg18[%swap3A_202, %swap3A_203], %swap3A_206 {strides = array<i32>} : memref<40x128xf32, #tpu.memory_space<vmem>>, vector<1x16xf32>,
      %get3A_207 = arith.index_cast %scan3A_174 : i32 to index
      %get3A_208 = arith.constant 48 : index
      %get3A_209 = tpu.vector_load %arg16[%get3A_207, %get3A_208] {strides = array<i32>} : memref<40x128xf32, #tpu.memory_space<vmem>>, vector<1x16xf32>,
      %get3A_210 = vector.shape_cast %get3A_209 : vector<1x16xf32> to vector<16xf32>
      %mul3A_211 = arith.mulf %get3A_210, %get3A_177 : vector<16xf32>
      %swap3A_212 = arith.index_cast %scan3A_174 : i32 to index
      %swap3A_213 = arith.constant 48 : index
      %swap3A_214 = tpu.vector_load %arg18[%swap3A_212, %swap3A_213] {strides = array<i32>} : memref<40x128xf32, #tpu.memory_space<vmem>>, vector<1x16xf32>,
      %swap3A_215 = vector.shape_cast %swap3A_214 : vector<1x16xf32> to vector<16xf32>
      %swap3A_216 = vector.shape_cast %mul3A_211 : vector<16xf32> to vector<1x16xf32>
      tpu.vector_store %arg18[%swap3A_212, %swap3A_213], %swap3A_216 {strides = array<i32>} : memref<40x128xf32, #tpu.memory_space<vmem>>, vector<1x16xf32>,
      %get3A_217 = arith.index_cast %scan3A_174 : i32 to index
      %get3A_218 = arith.constant 64 : index
      %get3A_219 = tpu.vector_load %arg16[%get3A_217, %get3A_218] {strides = array<i32>} : memref<40x128xf32, #tpu.memory_space<vmem>>, vector<1x16xf32>,
      %get3A_220 = vector.shape_cast %get3A_219 : vector<1x16xf32> to vector<16xf32>
      %mul3A_221 = arith.mulf %get3A_220, %get3A_177 : vector<16xf32>
      %swap3A_222 = arith.index_cast %scan3A_174 : i32 to index
      %swap3A_223 = arith.constant 64 : index
      %swap3A_224 = tpu.vector_load %arg18[%swap3A_222, %swap3A_223] {strides = array<i32>} : memref<40x128xf32, #tpu.memory_space<vmem>>, vector<1x16xf32>,
      %swap3A_225 = vector.shape_cast %swap3A_224 : vector<1x16xf32> to vector<16xf32>
      %swap3A_226 = vector.shape_cast %mul3A_221 : vector<16xf32> to vector<1x16xf32>
      tpu.vector_store %arg18[%swap3A_222, %swap3A_223], %swap3A_226 {strides = array<i32>} : memref<40x128xf32, #tpu.memory_space<vmem>>, vector<1x16xf32>,
      %get3A_227 = arith.index_cast %scan3A_174 : i32 to index
      %get3A_228 = arith.constant 80 : index
      %get3A_229 = tpu.vector_load %arg16[%get3A_227, %get3A_228] {strides = array<i32>} : memref<40x128xf32, #tpu.memory_space<vmem>>, vector<1x16xf32>,
      %get3A_230 = vector.shape_cast %get3A_229 : vector<1x16xf32> to vector<16xf32>
      %mul3A_231 = arith.mulf %get3A_230, %get3A_177 : vector<16xf32>
      %swap3A_232 = arith.index_cast %scan3A_174 : i32 to index
      %swap3A_233 = arith.constant 80 : index
      %swap3A_234 = tpu.vector_load %arg18[%swap3A_232, %swap3A_233] {strides = array<i32>} : memref<40x128xf32, #tpu.memory_space<vmem>>, vector<1x16xf32>,
      %swap3A_235 = vector.shape_cast %swap3A_234 : vector<1x16xf32> to vector<16xf32>
      %swap3A_236 = vector.shape_cast %mul3A_231 : vector<16xf32> to vector<1x16xf32>
      tpu.vector_store %arg18[%swap3A_232, %swap3A_233], %swap3A_236 {strides = array<i32>} : memref<40x128xf32, #tpu.memory_space<vmem>>, vector<1x16xf32>,
      %get3A_237 = arith.index_cast %scan3A_174 : i32 to index
      %get3A_238 = arith.constant 96 : index
      %get3A_239 = tpu.vector_load %arg16[%get3A_237, %get3A_238] {strides = array<i32>} : memref<40x128xf32, #tpu.memory_space<vmem>>, vector<1x16xf32>,
      %get3A_240 = vector.shape_cast %get3A_239 : vector<1x16xf32> to vector<16xf32>
      %mul3A_241 = arith.mulf %get3A_240, %get3A_177 : vector<16xf32>
      %swap3A_242 = arith.index_cast %scan3A_174 : i32 to index
      %swap3A_243 = arith.constant 96 : index
      %swap3A_244 = tpu.vector_load %arg18[%swap3A_242, %swap3A_243] {strides = array<i32>} : memref<40x128xf32, #tpu.memory_space<vmem>>, vector<1x16xf32>,
      %swap3A_245 = vector.shape_cast %swap3A_244 : vector<1x16xf32> to vector<16xf32>
      %swap3A_246 = vector.shape_cast %mul3A_241 : vector<16xf32> to vector<1x16xf32>
      tpu.vector_store %arg18[%swap3A_242, %swap3A_243], %swap3A_246 {strides = array<i32>} : memref<40x128xf32, #tpu.memory_space<vmem>>, vector<1x16xf32>,
      %get3A_247 = arith.index_cast %scan3A_174 : i32 to index
      %get3A_248 = arith.constant 112 : index
      %get3A_249 = tpu.vector_load %arg16[%get3A_247, %get3A_248] {strides = array<i32>} : memref<40x128xf32, #tpu.memory_space<vmem>>, vector<1x16xf32>,
      %get3A_250 = vector.shape_cast %get3A_249 : vector<1x16xf32> to vector<16xf32>
      %mul3A_251 = arith.mulf %get3A_250, %get3A_177 : vector<16xf32>
      %swap3A_252 = arith.index_cast %scan3A_174 : i32 to index
      %swap3A_253 = arith.constant 112 : index
      %swap3A_254 = tpu.vector_load %arg18[%swap3A_252, %swap3A_253] {strides = array<i32>} : memref<40x128xf32, #tpu.memory_space<vmem>>, vector<1x16xf32>,
      %swap3A_255 = vector.shape_cast %swap3A_254 : vector<1x16xf32> to vector<16xf32>
      %swap3A_256 = vector.shape_cast %mul3A_251 : vector<16xf32> to vector<1x16xf32>
      tpu.vector_store %arg18[%swap3A_252, %swap3A_253], %swap3A_256 {strides = array<i32>} : memref<40x128xf32, #tpu.memory_space<vmem>>, vector<1x16xf32>,
    }
    %scan3A_107 = arith.constant 40 : i32
    %dma_wait3A_108 = arith.constant 0 : i32
    %dma_wait3A_109 = arith.constant 0 : i32
    %dma_wait3A_110 = tpu.memref_slice %arg19[%dma_wait3A_108, %dma_wait3A_109] : memref<10000x128xf32, #tpu.memory_space<vmem_shared>> -> memref<10000x128xf32, #tpu.memory_space<vmem_shared>>
    tpu.wait_indirect_dma semaphore(%arg22 : memref<!tpu.dma_semaphore, #tpu.memory_space<semaphore_mem>>) src(%arg17 : memref<40x128xf32, #tpu.memory_space<vmem>>) dst(%dma_wait3A_110 : memref<10000x128xf32, #tpu.memory_space<vmem_shared>>)
    %dma_start3A_111 = arith.constant 0 : i32
    %dma_start3A_112 = arith.constant 0 : i32
    %dma_start3A_113 = tpu.memref_slice %arg19[%dma_start3A_111, %dma_start3A_112] : memref<10000x128xf32, #tpu.memory_space<vmem_shared>> -> memref<10000x128xf32, #tpu.memory_space<vmem_shared>>
    tpu.enqueue_indirect_dma source(%arg18 : memref<40x128xf32, #tpu.memory_space<vmem>>) target(%dma_start3A_113 : memref<10000x128xf32, #tpu.memory_space<vmem_shared>>) offsets(%arg12 : memref<40xi32, #tpu.memory_space<vmem>>) semaphore(%arg23 : memref<!tpu.dma_semaphore, #tpu.memory_space<semaphore_mem>>) {add = true}
    %dma_wait3A_114 = arith.constant 0 : i32
    %dma_wait3A_115 = arith.constant 0 : i32
    %dma_wait3A_116 = tpu.memref_slice %arg19[%dma_wait3A_114, %dma_wait3A_115] : memref<10000x128xf32, #tpu.memory_space<vmem_shared>> -> memref<10000x128xf32, #tpu.memory_space<vmem_shared>>
    tpu.wait_indirect_dma semaphore(%arg23 : memref<!tpu.dma_semaphore, #tpu.memory_space<semaphore_mem>>) src(%arg18 : memref<40x128xf32, #tpu.memory_space<vmem>>) dst(%dma_wait3A_116 : memref<10000x128xf32, #tpu.memory_space<vmem_shared>>)
    %barrier3A_117 = arith.constant 0 : index
    tpu.barrier barrier_id(%barrier3A_117)
    %add3A_118 = arith.constant 0 : i32
    %add3A_119 = arith.addi %arg1, %add3A_118 : i32
    %lt3A_120 = arith.constant 125 : i32
    %lt3A_121 = arith.cmpi slt, %add3A_119, %lt3A_120 : i32
    %convert_element_type3A_122 = arith.extui %lt3A_121 : i1 to i32
    %cond3A_123 = arith.constant 0 : i32
    %cond3A_124 = arith.cmpi ne, %convert_element_type3A_122, %cond3A_123 : i32
    scf.if %cond3A_124 {
      %mul3A_174 = arith.constant 80 : i32
      %mul3A_175 = arith.muli %add3A_119, %mul3A_174 : i32
      %mul3A_176 = arith.constant 80 : i32
      %mul3A_177 = arith.muli %add3A_119, %mul3A_176 : i32
      "tpu.region"() ({
        %run_scoped3A = tpu.sem_alloc : memref<!tpu.dma_semaphore, #tpu.memory_space<semaphore_mem>>
        %dma_start3A_178 = arith.constant 0 : i32
        %dma_start3A_179 = tpu.memref_slice %arg8[%arg0, %mul3A_177, %dma_start3A_178] : memref<2x10000x128xf32, #tpu.memory_space<hbm>> -> memref<1x80x128xf32, #tpu.memory_space<hbm>>
        %dma_start3A_180 = tpu.memref_squeeze %dma_start3A_179 : memref<1x80x128xf32, #tpu.memory_space<hbm>> -> memref<80x128xf32, #tpu.memory_space<hbm>>
        %dma_start3A_181 = arith.constant 0 : i32
        %dma_start3A_182 = tpu.memref_slice %arg19[%mul3A_175, %dma_start3A_181] : memref<10000x128xf32, #tpu.memory_space<vmem_shared>> -> memref<80x128xf32, #tpu.memory_space<vmem_shared>>
        tpu.enqueue_dma source(%dma_start3A_182 : memref<80x128xf32, #tpu.memory_space<vmem_shared>>) target(%dma_start3A_180 : memref<80x128xf32, #tpu.memory_space<hbm>>) target_semaphore(%run_scoped3A : memref<!tpu.dma_semaphore, #tpu.memory_space<semaphore_mem>>)
        %dma_wait3A_183 = arith.constant 0 : i32
        %dma_wait3A_184 = tpu.memref_slice %arg8[%arg0, %mul3A_177, %dma_wait3A_183] : memref<2x10000x128xf32, #tpu.memory_space<hbm>> -> memref<1x80x128xf32, #tpu.memory_space<hbm>>
        %dma_wait3A_185 = tpu.memref_squeeze %dma_wait3A_184 : memref<1x80x128xf32, #tpu.memory_space<hbm>> -> memref<80x128xf32, #tpu.memory_space<hbm>>
        %dma_wait3A_186 = arith.constant 0 : i32
        %dma_wait3A_187 = tpu.memref_slice %arg19[%mul3A_175, %dma_wait3A_186] : memref<10000x128xf32, #tpu.memory_space<vmem_shared>> -> memref<80x128xf32, #tpu.memory_space<vmem_shared>>
        tpu.wait_dma2 semaphore(%run_scoped3A : memref<!tpu.dma_semaphore, #tpu.memory_space<semaphore_mem>>) src(%dma_wait3A_187 : memref<80x128xf32, #tpu.memory_space<vmem_shared>>) dst(%dma_wait3A_185 : memref<80x128xf32, #tpu.memory_space<hbm>>)
        tpu.yield
      }) : () -> ()
    } else {
    }
    %add3A_125 = arith.constant 16 : i32
    %add3A_126 = arith.addi %arg1, %add3A_125 : i32
    %lt3A_127 = arith.constant 125 : i32
    %lt3A_128 = arith.cmpi slt, %add3A_126, %lt3A_127 : i32
    %convert_element_type3A_129 = arith.extui %lt3A_128 : i1 to i32
    %cond3A_130 = arith.constant 0 : i32
    %cond3A_131 = arith.cmpi ne, %convert_element_type3A_129, %cond3A_130 : i32
    scf.if %cond3A_131 {
      %mul3A_174 = arith.constant 80 : i32
      %mul3A_175 = arith.muli %add3A_126, %mul3A_174 : i32
      %mul3A_176 = arith.constant 80 : i32
      %mul3A_177 = arith.muli %add3A_126, %mul3A_176 : i32
      "tpu.region"() ({
        %run_scoped3A = tpu.sem_alloc : memref<!tpu.dma_semaphore, #tpu.memory_space<semaphore_mem>>
        %dma_start3A_178 = arith.constant 0 : i32
        %dma_start3A_179 = tpu.memref_slice %arg8[%arg0, %mul3A_177, %dma_start3A_178] : memref<2x10000x128xf32, #tpu.memory_space<hbm>> -> memref<1x80x128xf32, #tpu.memory_space<hbm>>
        %dma_start3A_180 = tpu.memref_squeeze %dma_start3A_179 : memref<1x80x128xf32, #tpu.memory_space<hbm>> -> memref<80x128xf32, #tpu.memory_space<hbm>>
        %dma_start3A_181 = arith.constant 0 : i32
        %dma_start3A_182 = tpu.memref_slice %arg19[%mul3A_175, %dma_start3A_181] : memref<10000x128xf32, #tpu.memory_space<vmem_shared>> -> memref<80x128xf32, #tpu.memory_space<vmem_shared>>
        tpu.enqueue_dma source(%dma_start3A_182 : memref<80x128xf32, #tpu.memory_space<vmem_shared>>) target(%dma_start3A_180 : memref<80x128xf32, #tpu.memory_space<hbm>>) target_semaphore(%run_scoped3A : memref<!tpu.dma_semaphore, #tpu.memory_space<semaphore_mem>>)
        %dma_wait3A_183 = arith.constant 0 : i32
        %dma_wait3A_184 = tpu.memref_slice %arg8[%arg0, %mul3A_177, %dma_wait3A_183] : memref<2x10000x128xf32, #tpu.memory_space<hbm>> -> memref<1x80x128xf32, #tpu.memory_space<hbm>>
        %dma_wait3A_185 = tpu.memref_squeeze %dma_wait3A_184 : memref<1x80x128xf32, #tpu.memory_space<hbm>> -> memref<80x128xf32, #tpu.memory_space<hbm>>
        %dma_wait3A_186 = arith.constant 0 : i32
        %dma_wait3A_187 = tpu.memref_slice %arg19[%mul3A_175, %dma_wait3A_186] : memref<10000x128xf32, #tpu.memory_space<vmem_shared>> -> memref<80x128xf32, #tpu.memory_space<vmem_shared>>
        tpu.wait_dma2 semaphore(%run_scoped3A : memref<!tpu.dma_semaphore, #tpu.memory_space<semaphore_mem>>) src(%dma_wait3A_187 : memref<80x128xf32, #tpu.memory_space<vmem_shared>>) dst(%dma_wait3A_185 : memref<80x128xf32, #tpu.memory_space<hbm>>)
        tpu.yield
      }) : () -> ()
    } else {
    }
    %add3A_132 = arith.constant 32 : i32
    %add3A_133 = arith.addi %arg1, %add3A_132 : i32
    %lt3A_134 = arith.constant 125 : i32
    %lt3A_135 = arith.cmpi slt, %add3A_133, %lt3A_134 : i32
    %convert_element_type3A_136 = arith.extui %lt3A_135 : i1 to i32
    %cond3A_137 = arith.constant 0 : i32
    %cond3A_138 = arith.cmpi ne, %convert_element_type3A_136, %cond3A_137 : i32
    scf.if %cond3A_138 {
      %mul3A_174 = arith.constant 80 : i32
      %mul3A_175 = arith.muli %add3A_133, %mul3A_174 : i32
      %mul3A_176 = arith.constant 80 : i32
      %mul3A_177 = arith.muli %add3A_133, %mul3A_176 : i32
      "tpu.region"() ({
        %run_scoped3A = tpu.sem_alloc : memref<!tpu.dma_semaphore, #tpu.memory_space<semaphore_mem>>
        %dma_start3A_178 = arith.constant 0 : i32
        %dma_start3A_179 = tpu.memref_slice %arg8[%arg0, %mul3A_177, %dma_start3A_178] : memref<2x10000x128xf32, #tpu.memory_space<hbm>> -> memref<1x80x128xf32, #tpu.memory_space<hbm>>
        %dma_start3A_180 = tpu.memref_squeeze %dma_start3A_179 : memref<1x80x128xf32, #tpu.memory_space<hbm>> -> memref<80x128xf32, #tpu.memory_space<hbm>>
        %dma_start3A_181 = arith.constant 0 : i32
        %dma_start3A_182 = tpu.memref_slice %arg19[%mul3A_175, %dma_start3A_181] : memref<10000x128xf32, #tpu.memory_space<vmem_shared>> -> memref<80x128xf32, #tpu.memory_space<vmem_shared>>
        tpu.enqueue_dma source(%dma_start3A_182 : memref<80x128xf32, #tpu.memory_space<vmem_shared>>) target(%dma_start3A_180 : memref<80x128xf32, #tpu.memory_space<hbm>>) target_semaphore(%run_scoped3A : memref<!tpu.dma_semaphore, #tpu.memory_space<semaphore_mem>>)
        %dma_wait3A_183 = arith.constant 0 : i32
        %dma_wait3A_184 = tpu.memref_slice %arg8[%arg0, %mul3A_177, %dma_wait3A_183] : memref<2x10000x128xf32, #tpu.memory_space<hbm>> -> memref<1x80x128xf32, #tpu.memory_space<hbm>>
        %dma_wait3A_185 = tpu.memref_squeeze %dma_wait3A_184 : memref<1x80x128xf32, #tpu.memory_space<hbm>> -> memref<80x128xf32, #tpu.memory_space<hbm>>
        %dma_wait3A_186 = arith.constant 0 : i32
        %dma_wait3A_187 = tpu.memref_slice %arg19[%mul3A_175, %dma_wait3A_186] : memref<10000x128xf32, #tpu.memory_space<vmem_shared>> -> memref<80x128xf32, #tpu.memory_space<vmem_shared>>
        tpu.wait_dma2 semaphore(%run_scoped3A : memref<!tpu.dma_semaphore, #tpu.memory_space<semaphore_mem>>) src(%dma_wait3A_187 : memref<80x128xf32, #tpu.memory_space<vmem_shared>>) dst(%dma_wait3A_185 : memref<80x128xf32, #tpu.memory_space<hbm>>)
        tpu.yield
      }) : () -> ()
    } else {
    }
    %add3A_139 = arith.constant 48 : i32
    %add3A_140 = arith.addi %arg1, %add3A_139 : i32
    %lt3A_141 = arith.constant 125 : i32
    %lt3A_142 = arith.cmpi slt, %add3A_140, %lt3A_141 : i32
    %convert_element_type3A_143 = arith.extui %lt3A_142 : i1 to i32
    %cond3A_144 = arith.constant 0 : i32
    %cond3A_145 = arith.cmpi ne, %convert_element_type3A_143, %cond3A_144 : i32
    scf.if %cond3A_145 {
      %mul3A_174 = arith.constant 80 : i32
      %mul3A_175 = arith.muli %add3A_140, %mul3A_174 : i32
      %mul3A_176 = arith.constant 80 : i32
      %mul3A_177 = arith.muli %add3A_140, %mul3A_176 : i32
      "tpu.region"() ({
        %run_scoped3A = tpu.sem_alloc : memref<!tpu.dma_semaphore, #tpu.memory_space<semaphore_mem>>
        %dma_start3A_178 = arith.constant 0 : i32
        %dma_start3A_179 = tpu.memref_slice %arg8[%arg0, %mul3A_177, %dma_start3A_178] : memref<2x10000x128xf32, #tpu.memory_space<hbm>> -> memref<1x80x128xf32, #tpu.memory_space<hbm>>
        %dma_start3A_180 = tpu.memref_squeeze %dma_start3A_179 : memref<1x80x128xf32, #tpu.memory_space<hbm>> -> memref<80x128xf32, #tpu.memory_space<hbm>>
        %dma_start3A_181 = arith.constant 0 : i32
        %dma_start3A_182 = tpu.memref_slice %arg19[%mul3A_175, %dma_start3A_181] : memref<10000x128xf32, #tpu.memory_space<vmem_shared>> -> memref<80x128xf32, #tpu.memory_space<vmem_shared>>
        tpu.enqueue_dma source(%dma_start3A_182 : memref<80x128xf32, #tpu.memory_space<vmem_shared>>) target(%dma_start3A_180 : memref<80x128xf32, #tpu.memory_space<hbm>>) target_semaphore(%run_scoped3A : memref<!tpu.dma_semaphore, #tpu.memory_space<semaphore_mem>>)
        %dma_wait3A_183 = arith.constant 0 : i32
        %dma_wait3A_184 = tpu.memref_slice %arg8[%arg0, %mul3A_177, %dma_wait3A_183] : memref<2x10000x128xf32, #tpu.memory_space<hbm>> -> memref<1x80x128xf32, #tpu.memory_space<hbm>>
        %dma_wait3A_185 = tpu.memref_squeeze %dma_wait3A_184 : memref<1x80x128xf32, #tpu.memory_space<hbm>> -> memref<80x128xf32, #tpu.memory_space<hbm>>
        %dma_wait3A_186 = arith.constant 0 : i32
        %dma_wait3A_187 = tpu.memref_slice %arg19[%mul3A_175, %dma_wait3A_186] : memref<10000x128xf32, #tpu.memory_space<vmem_shared>> -> memref<80x128xf32, #tpu.memory_space<vmem_shared>>
        tpu.wait_dma2 semaphore(%run_scoped3A : memref<!tpu.dma_semaphore, #tpu.memory_space<semaphore_mem>>) src(%dma_wait3A_187 : memref<80x128xf32, #tpu.memory_space<vmem_shared>>) dst(%dma_wait3A_185 : memref<80x128xf32, #tpu.memory_space<hbm>>)
        tpu.yield
      }) : () -> ()
    } else {
    }
    %add3A_146 = arith.constant 64 : i32
    %add3A_147 = arith.addi %arg1, %add3A_146 : i32
    %lt3A_148 = arith.constant 125 : i32
    %lt3A_149 = arith.cmpi slt, %add3A_147, %lt3A_148 : i32
    %convert_element_type3A_150 = arith.extui %lt3A_149 : i1 to i32
    %cond3A_151 = arith.constant 0 : i32
    %cond3A_152 = arith.cmpi ne, %convert_element_type3A_150, %cond3A_151 : i32
    scf.if %cond3A_152 {
      %mul3A_174 = arith.constant 80 : i32
      %mul3A_175 = arith.muli %add3A_147, %mul3A_174 : i32
      %mul3A_176 = arith.constant 80 : i32
      %mul3A_177 = arith.muli %add3A_147, %mul3A_176 : i32
      "tpu.region"() ({
        %run_scoped3A = tpu.sem_alloc : memref<!tpu.dma_semaphore, #tpu.memory_space<semaphore_mem>>
        %dma_start3A_178 = arith.constant 0 : i32
        %dma_start3A_179 = tpu.memref_slice %arg8[%arg0, %mul3A_177, %dma_start3A_178] : memref<2x10000x128xf32, #tpu.memory_space<hbm>> -> memref<1x80x128xf32, #tpu.memory_space<hbm>>
        %dma_start3A_180 = tpu.memref_squeeze %dma_start3A_179 : memref<1x80x128xf32, #tpu.memory_space<hbm>> -> memref<80x128xf32, #tpu.memory_space<hbm>>
        %dma_start3A_181 = arith.constant 0 : i32
        %dma_start3A_182 = tpu.memref_slice %arg19[%mul3A_175, %dma_start3A_181] : memref<10000x128xf32, #tpu.memory_space<vmem_shared>> -> memref<80x128xf32, #tpu.memory_space<vmem_shared>>
        tpu.enqueue_dma source(%dma_start3A_182 : memref<80x128xf32, #tpu.memory_space<vmem_shared>>) target(%dma_start3A_180 : memref<80x128xf32, #tpu.memory_space<hbm>>) target_semaphore(%run_scoped3A : memref<!tpu.dma_semaphore, #tpu.memory_space<semaphore_mem>>)
        %dma_wait3A_183 = arith.constant 0 : i32
        %dma_wait3A_184 = tpu.memref_slice %arg8[%arg0, %mul3A_177, %dma_wait3A_183] : memref<2x10000x128xf32, #tpu.memory_space<hbm>> -> memref<1x80x128xf32, #tpu.memory_space<hbm>>
        %dma_wait3A_185 = tpu.memref_squeeze %dma_wait3A_184 : memref<1x80x128xf32, #tpu.memory_space<hbm>> -> memref<80x128xf32, #tpu.memory_space<hbm>>
        %dma_wait3A_186 = arith.constant 0 : i32
        %dma_wait3A_187 = tpu.memref_slice %arg19[%mul3A_175, %dma_wait3A_186] : memref<10000x128xf32, #tpu.memory_space<vmem_shared>> -> memref<80x128xf32, #tpu.memory_space<vmem_shared>>
        tpu.wait_dma2 semaphore(%run_scoped3A : memref<!tpu.dma_semaphore, #tpu.memory_space<semaphore_mem>>) src(%dma_wait3A_187 : memref<80x128xf32, #tpu.memory_space<vmem_shared>>) dst(%dma_wait3A_185 : memref<80x128xf32, #tpu.memory_space<hbm>>)
        tpu.yield
      }) : () -> ()
    } else {
    }
    %add3A_153 = arith.constant 80 : i32
    %add3A_154 = arith.addi %arg1, %add3A_153 : i32
    %lt3A_155 = arith.constant 125 : i32
    %lt3A_156 = arith.cmpi slt, %add3A_154, %lt3A_155 : i32
    %convert_element_type3A_157 = arith.extui %lt3A_156 : i1 to i32
    %cond3A_158 = arith.constant 0 : i32
    %cond3A_159 = arith.cmpi ne, %convert_element_type3A_157, %cond3A_158 : i32
    scf.if %cond3A_159 {
      %mul3A_174 = arith.constant 80 : i32
      %mul3A_175 = arith.muli %add3A_154, %mul3A_174 : i32
      %mul3A_176 = arith.constant 80 : i32
      %mul3A_177 = arith.muli %add3A_154, %mul3A_176 : i32
      "tpu.region"() ({
        %run_scoped3A = tpu.sem_alloc : memref<!tpu.dma_semaphore, #tpu.memory_space<semaphore_mem>>
        %dma_start3A_178 = arith.constant 0 : i32
        %dma_start3A_179 = tpu.memref_slice %arg8[%arg0, %mul3A_177, %dma_start3A_178] : memref<2x10000x128xf32, #tpu.memory_space<hbm>> -> memref<1x80x128xf32, #tpu.memory_space<hbm>>
        %dma_start3A_180 = tpu.memref_squeeze %dma_start3A_179 : memref<1x80x128xf32, #tpu.memory_space<hbm>> -> memref<80x128xf32, #tpu.memory_space<hbm>>
        %dma_start3A_181 = arith.constant 0 : i32
        %dma_start3A_182 = tpu.memref_slice %arg19[%mul3A_175, %dma_start3A_181] : memref<10000x128xf32, #tpu.memory_space<vmem_shared>> -> memref<80x128xf32, #tpu.memory_space<vmem_shared>>
        tpu.enqueue_dma source(%dma_start3A_182 : memref<80x128xf32, #tpu.memory_space<vmem_shared>>) target(%dma_start3A_180 : memref<80x128xf32, #tpu.memory_space<hbm>>) target_semaphore(%run_scoped3A : memref<!tpu.dma_semaphore, #tpu.memory_space<semaphore_mem>>)
        %dma_wait3A_183 = arith.constant 0 : i32
        %dma_wait3A_184 = tpu.memref_slice %arg8[%arg0, %mul3A_177, %dma_wait3A_183] : memref<2x10000x128xf32, #tpu.memory_space<hbm>> -> memref<1x80x128xf32, #tpu.memory_space<hbm>>
        %dma_wait3A_185 = tpu.memref_squeeze %dma_wait3A_184 : memref<1x80x128xf32, #tpu.memory_space<hbm>> -> memref<80x128xf32, #tpu.memory_space<hbm>>
        %dma_wait3A_186 = arith.constant 0 : i32
        %dma_wait3A_187 = tpu.memref_slice %arg19[%mul3A_175, %dma_wait3A_186] : memref<10000x128xf32, #tpu.memory_space<vmem_shared>> -> memref<80x128xf32, #tpu.memory_space<vmem_shared>>
        tpu.wait_dma2 semaphore(%run_scoped3A : memref<!tpu.dma_semaphore, #tpu.memory_space<semaphore_mem>>) src(%dma_wait3A_187 : memref<80x128xf32, #tpu.memory_space<vmem_shared>>) dst(%dma_wait3A_185 : memref<80x128xf32, #tpu.memory_space<hbm>>)
        tpu.yield
      }) : () -> ()
    } else {
    }
    %add3A_160 = arith.constant 96 : i32
    %add3A_161 = arith.addi %arg1, %add3A_160 : i32
    %lt3A_162 = arith.constant 125 : i32
    %lt3A_163 = arith.cmpi slt, %add3A_161, %lt3A_162 : i32
    %convert_element_type3A_164 = arith.extui %lt3A_163 : i1 to i32
    %cond3A_165 = arith.constant 0 : i32
    %cond3A_166 = arith.cmpi ne, %convert_element_type3A_164, %cond3A_165 : i32
    scf.if %cond3A_166 {
      %mul3A_174 = arith.constant 80 : i32
      %mul3A_175 = arith.muli %add3A_161, %mul3A_174 : i32
      %mul3A_176 = arith.constant 80 : i32
      %mul3A_177 = arith.muli %add3A_161, %mul3A_176 : i32
      "tpu.region"() ({
        %run_scoped3A = tpu.sem_alloc : memref<!tpu.dma_semaphore, #tpu.memory_space<semaphore_mem>>
        %dma_start3A_178 = arith.constant 0 : i32
        %dma_start3A_179 = tpu.memref_slice %arg8[%arg0, %mul3A_177, %dma_start3A_178] : memref<2x10000x128xf32, #tpu.memory_space<hbm>> -> memref<1x80x128xf32, #tpu.memory_space<hbm>>
        %dma_start3A_180 = tpu.memref_squeeze %dma_start3A_179 : memref<1x80x128xf32, #tpu.memory_space<hbm>> -> memref<80x128xf32, #tpu.memory_space<hbm>>
        %dma_start3A_181 = arith.constant 0 : i32
        %dma_start3A_182 = tpu.memref_slice %arg19[%mul3A_175, %dma_start3A_181] : memref<10000x128xf32, #tpu.memory_space<vmem_shared>> -> memref<80x128xf32, #tpu.memory_space<vmem_shared>>
        tpu.enqueue_dma source(%dma_start3A_182 : memref<80x128xf32, #tpu.memory_space<vmem_shared>>) target(%dma_start3A_180 : memref<80x128xf32, #tpu.memory_space<hbm>>) target_semaphore(%run_scoped3A : memref<!tpu.dma_semaphore, #tpu.memory_space<semaphore_mem>>)
        %dma_wait3A_183 = arith.constant 0 : i32
        %dma_wait3A_184 = tpu.memref_slice %arg8[%arg0, %mul3A_177, %dma_wait3A_183] : memref<2x10000x128xf32, #tpu.memory_space<hbm>> -> memref<1x80x128xf32, #tpu.memory_space<hbm>>
        %dma_wait3A_185 = tpu.memref_squeeze %dma_wait3A_184 : memref<1x80x128xf32, #tpu.memory_space<hbm>> -> memref<80x128xf32, #tpu.memory_space<hbm>>
        %dma_wait3A_186 = arith.constant 0 : i32
        %dma_wait3A_187 = tpu.memref_slice %arg19[%mul3A_175, %dma_wait3A_186] : memref<10000x128xf32, #tpu.memory_space<vmem_shared>> -> memref<80x128xf32, #tpu.memory_space<vmem_shared>>
        tpu.wait_dma2 semaphore(%run_scoped3A : memref<!tpu.dma_semaphore, #tpu.memory_space<semaphore_mem>>) src(%dma_wait3A_187 : memref<80x128xf32, #tpu.memory_space<vmem_shared>>) dst(%dma_wait3A_185 : memref<80x128xf32, #tpu.memory_space<hbm>>)
        tpu.yield
      }) : () -> ()
    } else {
    }
    %add3A_167 = arith.constant 112 : i32
    %add3A_168 = arith.addi %arg1, %add3A_167 : i32
    %lt3A_169 = arith.constant 125 : i32
    %lt3A_170 = arith.cmpi slt, %add3A_168, %lt3A_169 : i32
    %convert_element_type3A_171 = arith.extui %lt3A_170 : i1 to i32
    %cond3A_172 = arith.constant 0 : i32
    %cond3A_173 = arith.cmpi ne, %convert_element_type3A_171, %cond3A_172 : i32
    scf.if %cond3A_173 {
      %mul3A_174 = arith.constant 80 : i32
      %mul3A_175 = arith.muli %add3A_168, %mul3A_174 : i32
      %mul3A_176 = arith.constant 80 : i32
      %mul3A_177 = arith.muli %add3A_168, %mul3A_176 : i32
      "tpu.region"() ({
        %run_scoped3A = tpu.sem_alloc : memref<!tpu.dma_semaphore, #tpu.memory_space<semaphore_mem>>
        %dma_start3A_178 = arith.constant 0 : i32
        %dma_start3A_179 = tpu.memref_slice %arg8[%arg0, %mul3A_177, %dma_start3A_178] : memref<2x10000x128xf32, #tpu.memory_space<hbm>> -> memref<1x80x128xf32, #tpu.memory_space<hbm>>
        %dma_start3A_180 = tpu.memref_squeeze %dma_start3A_179 : memref<1x80x128xf32, #tpu.memory_space<hbm>> -> memref<80x128xf32, #tpu.memory_space<hbm>>
        %dma_start3A_181 = arith.constant 0 : i32
        %dma_start3A_182 = tpu.memref_slice %arg19[%mul3A_175, %dma_start3A_181] : memref<10000x128xf32, #tpu.memory_space<vmem_shared>> -> memref<80x128xf32, #tpu.memory_space<vmem_shared>>
        tpu.enqueue_dma source(%dma_start3A_182 : memref<80x128xf32, #tpu.memory_space<vmem_shared>>) target(%dma_start3A_180 : memref<80x128xf32, #tpu.memory_space<hbm>>) target_semaphore(%run_scoped3A : memref<!tpu.dma_semaphore, #tpu.memory_space<semaphore_mem>>)
        %dma_wait3A_183 = arith.constant 0 : i32
        %dma_wait3A_184 = tpu.memref_slice %arg8[%arg0, %mul3A_177, %dma_wait3A_183] : memref<2x10000x128xf32, #tpu.memory_space<hbm>> -> memref<1x80x128xf32, #tpu.memory_space<hbm>>
        %dma_wait3A_185 = tpu.memref_squeeze %dma_wait3A_184 : memref<1x80x128xf32, #tpu.memory_space<hbm>> -> memref<80x128xf32, #tpu.memory_space<hbm>>
        %dma_wait3A_186 = arith.constant 0 : i32
        %dma_wait3A_187 = tpu.memref_slice %arg19[%mul3A_175, %dma_wait3A_186] : memref<10000x128xf32, #tpu.memory_space<vmem_shared>> -> memref<80x128xf32, #tpu.memory_space<vmem_shared>>
        tpu.wait_dma2 semaphore(%run_scoped3A : memref<!tpu.dma_semaphore, #tpu.memory_space<semaphore_mem>>) src(%dma_wait3A_187 : memref<80x128xf32, #tpu.memory_space<vmem_shared>>) dst(%dma_wait3A_185 : memref<80x128xf32, #tpu.memory_space<hbm>>)
        tpu.yield
      }) : () -> ()
    } else {
    }
    return
  }
}

#map = affine_map<(d0, d1) -> (0)>
#map1 = affine_map<(d0, d1) -> (0, 0)>
module attributes {stable_mosaic.version = 14 : i64} {
  func.func @_gather_mul(%arg0: i32, %arg1: i32, %arg2: memref<320000xi32, #tpu.memory_space<hbm>>, %arg3: memref<320000xi32, #tpu.memory_space<hbm>>, %arg4: memref<10000x256xf32, #tpu.memory_space<hbm>>, %arg5: memref<320000x192xf32, #tpu.memory_space<hbm>>, %arg6: memref<80xi32, #tpu.memory_space<vmem>>, %arg7: memref<80xi32, #tpu.memory_space<vmem>>, %arg8: memref<80xi32, #tpu.memory_space<vmem>>, %arg9: memref<80xi32, #tpu.memory_space<vmem>>, %arg10: memref<80x256xf32, #tpu.memory_space<vmem>>, %arg11: memref<80x256xf32, #tpu.memory_space<vmem>>, %arg12: memref<80x256xf32, #tpu.memory_space<vmem>>, %arg13: memref<80x256xf32, #tpu.memory_space<vmem>>, %arg14: memref<80x192xf32, #tpu.memory_space<vmem>>, %arg15: memref<80x192xf32, #tpu.memory_space<vmem>>, %arg16: memref<!tpu.dma_semaphore, #tpu.memory_space<semaphore_mem>>, %arg17: memref<!tpu.dma_semaphore, #tpu.memory_space<semaphore_mem>>, %arg18: memref<!tpu.dma_semaphore, #tpu.memory_space<semaphore_mem>>, %arg19: memref<!tpu.dma_semaphore, #tpu.memory_space<semaphore_mem>>) attributes {dimension_semantics = [#tpu.dimension_semantics<core_parallel>, #tpu.dimension_semantics<subcore_parallel>], iteration_bounds = array<i64: 2, 16>, scalar_prefetch = 0 : i64, scratch_operands = 14 : i64, tpu.core_type = #tpu.core_type<sc_vector_subcore>, window_params = [{transform_indices = #map}, {transform_indices = #map}, {transform_indices = #map1}, {transform_indices = #map1}]} {
    %mul3A = arith.constant 2 : i32
    %mul3A_0 = arith.muli %arg1, %mul3A : i32
    %add3A = arith.addi %mul3A_0, %arg0 : i32
    %mul3A_1 = arith.constant 10000 : i32
    %mul3A_2 = arith.muli %add3A, %mul3A_1 : i32
    %add3A_3 = arith.constant 0 : i32
    %add3A_4 = arith.addi %mul3A_2, %add3A_3 : i32
    "tpu.region"() ({
      %run_scoped3A = tpu.sem_alloc : memref<!tpu.dma_semaphore, #tpu.memory_space<semaphore_mem>>
      %dma_start3A_44 = tpu.memref_slice %arg2[%add3A_4] : memref<320000xi32, #tpu.memory_space<hbm>> -> memref<80xi32, #tpu.memory_space<hbm>>
      %dma_start3A_45 = tpu.memref_slice %arg2[%add3A_4] : memref<320000xi32, #tpu.memory_space<hbm>> -> memref<80xi32, #tpu.memory_space<hbm>>
      tpu.enqueue_dma source(%dma_start3A_45 : memref<80xi32, #tpu.memory_space<hbm>>) target(%arg6 : memref<80xi32, #tpu.memory_space<vmem>>) target_semaphore(%run_scoped3A : memref<!tpu.dma_semaphore, #tpu.memory_space<semaphore_mem>>)
      %dma_wait3A_46 = tpu.memref_slice %arg2[%add3A_4] : memref<320000xi32, #tpu.memory_space<hbm>> -> memref<80xi32, #tpu.memory_space<hbm>>
      %dma_wait3A_47 = tpu.memref_slice %arg2[%add3A_4] : memref<320000xi32, #tpu.memory_space<hbm>> -> memref<80xi32, #tpu.memory_space<hbm>>
      tpu.wait_dma2 semaphore(%run_scoped3A : memref<!tpu.dma_semaphore, #tpu.memory_space<semaphore_mem>>) src(%dma_wait3A_47 : memref<80xi32, #tpu.memory_space<hbm>>) dst(%arg6 : memref<80xi32, #tpu.memory_space<vmem>>)
      tpu.yield
    }) : () -> ()
    "tpu.region"() ({
      %run_scoped3A = tpu.sem_alloc : memref<!tpu.dma_semaphore, #tpu.memory_space<semaphore_mem>>
      %dma_start3A_44 = tpu.memref_slice %arg3[%add3A_4] : memref<320000xi32, #tpu.memory_space<hbm>> -> memref<80xi32, #tpu.memory_space<hbm>>
      %dma_start3A_45 = tpu.memref_slice %arg3[%add3A_4] : memref<320000xi32, #tpu.memory_space<hbm>> -> memref<80xi32, #tpu.memory_space<hbm>>
      tpu.enqueue_dma source(%dma_start3A_45 : memref<80xi32, #tpu.memory_space<hbm>>) target(%arg7 : memref<80xi32, #tpu.memory_space<vmem>>) target_semaphore(%run_scoped3A : memref<!tpu.dma_semaphore, #tpu.memory_space<semaphore_mem>>)
      %dma_wait3A_46 = tpu.memref_slice %arg3[%add3A_4] : memref<320000xi32, #tpu.memory_space<hbm>> -> memref<80xi32, #tpu.memory_space<hbm>>
      %dma_wait3A_47 = tpu.memref_slice %arg3[%add3A_4] : memref<320000xi32, #tpu.memory_space<hbm>> -> memref<80xi32, #tpu.memory_space<hbm>>
      tpu.wait_dma2 semaphore(%run_scoped3A : memref<!tpu.dma_semaphore, #tpu.memory_space<semaphore_mem>>) src(%dma_wait3A_47 : memref<80xi32, #tpu.memory_space<hbm>>) dst(%arg7 : memref<80xi32, #tpu.memory_space<vmem>>)
      tpu.yield
    }) : () -> ()
    %dma_start3A = arith.constant 0 : i32
    %dma_start3A_5 = arith.constant 0 : i32
    %dma_start3A_6 = tpu.memref_slice %arg4[%dma_start3A, %dma_start3A_5] : memref<10000x256xf32, #tpu.memory_space<hbm>> -> memref<10000x256xf32, #tpu.memory_space<hbm>>
    tpu.enqueue_indirect_dma source(%dma_start3A_6 : memref<10000x256xf32, #tpu.memory_space<hbm>>) target(%arg10 : memref<80x256xf32, #tpu.memory_space<vmem>>) offsets(%arg6 : memref<80xi32, #tpu.memory_space<vmem>>) semaphore(%arg16 : memref<!tpu.dma_semaphore, #tpu.memory_space<semaphore_mem>>)
    %dma_start3A_7 = arith.constant 0 : i32
    %dma_start3A_8 = arith.constant 0 : i32
    %dma_start3A_9 = tpu.memref_slice %arg4[%dma_start3A_7, %dma_start3A_8] : memref<10000x256xf32, #tpu.memory_space<hbm>> -> memref<10000x256xf32, #tpu.memory_space<hbm>>
    tpu.enqueue_indirect_dma source(%dma_start3A_9 : memref<10000x256xf32, #tpu.memory_space<hbm>>) target(%arg11 : memref<80x256xf32, #tpu.memory_space<vmem>>) offsets(%arg7 : memref<80xi32, #tpu.memory_space<vmem>>) semaphore(%arg16 : memref<!tpu.dma_semaphore, #tpu.memory_space<semaphore_mem>>)
    %scan3A = arith.constant 0 : i32
    %scan3A_10 = arith.constant 0 : i32
    %scan3A_11 = arith.constant 62 : i32
    %scan3A_12 = arith.addi %scan3A_10, %scan3A_11 : i32
    %scan3A_13 = arith.constant 1 : i32
    scf.for %scan3A_44 = %scan3A_10 to %scan3A_12 step %scan3A_13  : i32 {
      %mul3A_45 = arith.constant 2 : i32
      %mul3A_46 = arith.muli %mul3A_45, %scan3A_44 : i32
      %add3A_47 = arith.constant 1 : i32
      %add3A_48 = arith.addi %mul3A_46, %add3A_47 : i32
      %mul3A_49 = arith.constant 80 : i32
      %mul3A_50 = arith.muli %add3A_48, %mul3A_49 : i32
      %add3A_51 = arith.addi %mul3A_2, %mul3A_50 : i32
      "tpu.region"() ({
        %run_scoped3A = tpu.sem_alloc : memref<!tpu.dma_semaphore, #tpu.memory_space<semaphore_mem>>
        %dma_start3A_118 = tpu.memref_slice %arg2[%add3A_51] : memref<320000xi32, #tpu.memory_space<hbm>> -> memref<80xi32, #tpu.memory_space<hbm>>
        %dma_start3A_119 = tpu.memref_slice %arg2[%add3A_51] : memref<320000xi32, #tpu.memory_space<hbm>> -> memref<80xi32, #tpu.memory_space<hbm>>
        tpu.enqueue_dma source(%dma_start3A_119 : memref<80xi32, #tpu.memory_space<hbm>>) target(%arg8 : memref<80xi32, #tpu.memory_space<vmem>>) target_semaphore(%run_scoped3A : memref<!tpu.dma_semaphore, #tpu.memory_space<semaphore_mem>>)
        %dma_wait3A_120 = tpu.memref_slice %arg2[%add3A_51] : memref<320000xi32, #tpu.memory_space<hbm>> -> memref<80xi32, #tpu.memory_space<hbm>>
        %dma_wait3A_121 = tpu.memref_slice %arg2[%add3A_51] : memref<320000xi32, #tpu.memory_space<hbm>> -> memref<80xi32, #tpu.memory_space<hbm>>
        tpu.wait_dma2 semaphore(%run_scoped3A : memref<!tpu.dma_semaphore, #tpu.memory_space<semaphore_mem>>) src(%dma_wait3A_121 : memref<80xi32, #tpu.memory_space<hbm>>) dst(%arg8 : memref<80xi32, #tpu.memory_space<vmem>>)
        tpu.yield
      }) : () -> ()
      "tpu.region"() ({
        %run_scoped3A = tpu.sem_alloc : memref<!tpu.dma_semaphore, #tpu.memory_space<semaphore_mem>>
        %dma_start3A_118 = tpu.memref_slice %arg3[%add3A_51] : memref<320000xi32, #tpu.memory_space<hbm>> -> memref<80xi32, #tpu.memory_space<hbm>>
        %dma_start3A_119 = tpu.memref_slice %arg3[%add3A_51] : memref<320000xi32, #tpu.memory_space<hbm>> -> memref<80xi32, #tpu.memory_space<hbm>>
        tpu.enqueue_dma source(%dma_start3A_119 : memref<80xi32, #tpu.memory_space<hbm>>) target(%arg9 : memref<80xi32, #tpu.memory_space<vmem>>) target_semaphore(%run_scoped3A : memref<!tpu.dma_semaphore, #tpu.memory_space<semaphore_mem>>)
        %dma_wait3A_120 = tpu.memref_slice %arg3[%add3A_51] : memref<320000xi32, #tpu.memory_space<hbm>> -> memref<80xi32, #tpu.memory_space<hbm>>
        %dma_wait3A_121 = tpu.memref_slice %arg3[%add3A_51] : memref<320000xi32, #tpu.memory_space<hbm>> -> memref<80xi32, #tpu.memory_space<hbm>>
        tpu.wait_dma2 semaphore(%run_scoped3A : memref<!tpu.dma_semaphore, #tpu.memory_space<semaphore_mem>>) src(%dma_wait3A_121 : memref<80xi32, #tpu.memory_space<hbm>>) dst(%arg9 : memref<80xi32, #tpu.memory_space<vmem>>)
        tpu.yield
      }) : () -> ()
      %dma_start3A_52 = arith.constant 0 : i32
      %dma_start3A_53 = arith.constant 0 : i32
      %dma_start3A_54 = tpu.memref_slice %arg4[%dma_start3A_52, %dma_start3A_53] : memref<10000x256xf32, #tpu.memory_space<hbm>> -> memref<10000x256xf32, #tpu.memory_space<hbm>>
      tpu.enqueue_indirect_dma source(%dma_start3A_54 : memref<10000x256xf32, #tpu.memory_space<hbm>>) target(%arg12 : memref<80x256xf32, #tpu.memory_space<vmem>>) offsets(%arg8 : memref<80xi32, #tpu.memory_space<vmem>>) semaphore(%arg17 : memref<!tpu.dma_semaphore, #tpu.memory_space<semaphore_mem>>)
      %dma_start3A_55 = arith.constant 0 : i32
      %dma_start3A_56 = arith.constant 0 : i32
      %dma_start3A_57 = tpu.memref_slice %arg4[%dma_start3A_55, %dma_start3A_56] : memref<10000x256xf32, #tpu.memory_space<hbm>> -> memref<10000x256xf32, #tpu.memory_space<hbm>>
      tpu.enqueue_indirect_dma source(%dma_start3A_57 : memref<10000x256xf32, #tpu.memory_space<hbm>>) target(%arg13 : memref<80x256xf32, #tpu.memory_space<vmem>>) offsets(%arg9 : memref<80xi32, #tpu.memory_space<vmem>>) semaphore(%arg17 : memref<!tpu.dma_semaphore, #tpu.memory_space<semaphore_mem>>)
      %dma_wait3A_58 = arith.constant 0 : i32
      %dma_wait3A_59 = arith.constant 0 : i32
      %dma_wait3A_60 = tpu.memref_slice %arg4[%dma_wait3A_58, %dma_wait3A_59] : memref<10000x256xf32, #tpu.memory_space<hbm>> -> memref<10000x256xf32, #tpu.memory_space<hbm>>
      tpu.wait_indirect_dma semaphore(%arg16 : memref<!tpu.dma_semaphore, #tpu.memory_space<semaphore_mem>>) src(%dma_wait3A_60 : memref<10000x256xf32, #tpu.memory_space<hbm>>) dst(%arg10 : memref<80x256xf32, #tpu.memory_space<vmem>>)
      %dma_wait3A_61 = arith.constant 0 : i32
      %dma_wait3A_62 = arith.constant 0 : i32
      %dma_wait3A_63 = tpu.memref_slice %arg4[%dma_wait3A_61, %dma_wait3A_62] : memref<10000x256xf32, #tpu.memory_space<hbm>> -> memref<10000x256xf32, #tpu.memory_space<hbm>>
      tpu.wait_indirect_dma semaphore(%arg16 : memref<!tpu.dma_semaphore, #tpu.memory_space<semaphore_mem>>) src(%dma_wait3A_63 : memref<10000x256xf32, #tpu.memory_space<hbm>>) dst(%arg11 : memref<80x256xf32, #tpu.memory_space<vmem>>)
      %ge3A = arith.constant 2 : i32
      %ge3A_64 = arith.cmpi sge, %mul3A_46, %ge3A : i32
      %convert_element_type3A = arith.extui %ge3A_64 : i1 to i32
      %cond3A = arith.constant 0 : i32
      %cond3A_65 = arith.cmpi ne, %convert_element_type3A, %cond3A : i32
      scf.if %cond3A_65 {
        %dma_wait3A_118 = arith.constant 0 : i32
        %dma_wait3A_119 = tpu.memref_slice %arg5[%mul3A_2, %dma_wait3A_118] : memref<320000x192xf32, #tpu.memory_space<hbm>> -> memref<80x192xf32, #tpu.memory_space<hbm>>
        %dma_wait3A_120 = arith.constant 0 : i32
        %dma_wait3A_121 = tpu.memref_slice %arg5[%mul3A_2, %dma_wait3A_120] : memref<320000x192xf32, #tpu.memory_space<hbm>> -> memref<80x192xf32, #tpu.memory_space<hbm>>
        tpu.wait_dma2 semaphore(%arg18 : memref<!tpu.dma_semaphore, #tpu.memory_space<semaphore_mem>>) src(%arg14 : memref<80x192xf32, #tpu.memory_space<vmem>>) dst(%dma_wait3A_121 : memref<80x192xf32, #tpu.memory_space<hbm>>)
      } else {
      }
      %scan3A_66 = arith.constant 0 : i32
      %scan3A_67 = arith.constant 0 : i32
      %scan3A_68 = arith.constant 80 : i32
      %scan3A_69 = arith.addi %scan3A_67, %scan3A_68 : i32
      %scan3A_70 = arith.constant 1 : i32
      scf.for %scan3A_118 = %scan3A_67 to %scan3A_69 step %scan3A_70  : i32 {
        %get3A = arith.index_cast %scan3A_118 : i32 to index
        %get3A_119 = arith.constant 0 : index
        %get3A_120 = tpu.vector_load %arg10[%get3A, %get3A_119] {strides = array<i32>} : memref<80x256xf32, #tpu.memory_space<vmem>>, vector<1x16xf32>,
        %get3A_121 = vector.shape_cast %get3A_120 : vector<1x16xf32> to vector<16xf32>
        %get3A_122 = arith.index_cast %scan3A_118 : i32 to index
        %get3A_123 = arith.constant 0 : index
        %get3A_124 = tpu.vector_load %arg11[%get3A_122, %get3A_123] {strides = array<i32>} : memref<80x256xf32, #tpu.memory_space<vmem>>, vector<1x16xf32>,
        %get3A_125 = vector.shape_cast %get3A_124 : vector<1x16xf32> to vector<16xf32>
        %mul3A_126 = arith.mulf %get3A_121, %get3A_125 : vector<16xf32>
        %swap3A = arith.index_cast %scan3A_118 : i32 to index
        %swap3A_127 = arith.constant 0 : index
        %swap3A_128 = tpu.vector_load %arg14[%swap3A, %swap3A_127] {strides = array<i32>} : memref<80x192xf32, #tpu.memory_space<vmem>>, vector<1x16xf32>,
        %swap3A_129 = vector.shape_cast %swap3A_128 : vector<1x16xf32> to vector<16xf32>
        %swap3A_130 = vector.shape_cast %mul3A_126 : vector<16xf32> to vector<1x16xf32>
        tpu.vector_store %arg14[%swap3A, %swap3A_127], %swap3A_130 {strides = array<i32>} : memref<80x192xf32, #tpu.memory_space<vmem>>, vector<1x16xf32>,
        %get3A_131 = arith.index_cast %scan3A_118 : i32 to index
        %get3A_132 = arith.constant 16 : index
        %get3A_133 = tpu.vector_load %arg10[%get3A_131, %get3A_132] {strides = array<i32>} : memref<80x256xf32, #tpu.memory_space<vmem>>, vector<1x16xf32>,
        %get3A_134 = vector.shape_cast %get3A_133 : vector<1x16xf32> to vector<16xf32>
        %get3A_135 = arith.index_cast %scan3A_118 : i32 to index
        %get3A_136 = arith.constant 16 : index
        %get3A_137 = tpu.vector_load %arg11[%get3A_135, %get3A_136] {strides = array<i32>} : memref<80x256xf32, #tpu.memory_space<vmem>>, vector<1x16xf32>,
        %get3A_138 = vector.shape_cast %get3A_137 : vector<1x16xf32> to vector<16xf32>
        %mul3A_139 = arith.mulf %get3A_134, %get3A_138 : vector<16xf32>
        %swap3A_140 = arith.index_cast %scan3A_118 : i32 to index
        %swap3A_141 = arith.constant 16 : index
        %swap3A_142 = tpu.vector_load %arg14[%swap3A_140, %swap3A_141] {strides = array<i32>} : memref<80x192xf32, #tpu.memory_space<vmem>>, vector<1x16xf32>,
        %swap3A_143 = vector.shape_cast %swap3A_142 : vector<1x16xf32> to vector<16xf32>
        %swap3A_144 = vector.shape_cast %mul3A_139 : vector<16xf32> to vector<1x16xf32>
        tpu.vector_store %arg14[%swap3A_140, %swap3A_141], %swap3A_144 {strides = array<i32>} : memref<80x192xf32, #tpu.memory_space<vmem>>, vector<1x16xf32>,
        %get3A_145 = arith.index_cast %scan3A_118 : i32 to index
        %get3A_146 = arith.constant 32 : index
        %get3A_147 = tpu.vector_load %arg10[%get3A_145, %get3A_146] {strides = array<i32>} : memref<80x256xf32, #tpu.memory_space<vmem>>, vector<1x16xf32>,
        %get3A_148 = vector.shape_cast %get3A_147 : vector<1x16xf32> to vector<16xf32>
        %get3A_149 = arith.index_cast %scan3A_118 : i32 to index
        %get3A_150 = arith.constant 32 : index
        %get3A_151 = tpu.vector_load %arg11[%get3A_149, %get3A_150] {strides = array<i32>} : memref<80x256xf32, #tpu.memory_space<vmem>>, vector<1x16xf32>,
        %get3A_152 = vector.shape_cast %get3A_151 : vector<1x16xf32> to vector<16xf32>
        %mul3A_153 = arith.mulf %get3A_148, %get3A_152 : vector<16xf32>
        %swap3A_154 = arith.index_cast %scan3A_118 : i32 to index
        %swap3A_155 = arith.constant 32 : index
        %swap3A_156 = tpu.vector_load %arg14[%swap3A_154, %swap3A_155] {strides = array<i32>} : memref<80x192xf32, #tpu.memory_space<vmem>>, vector<1x16xf32>,
        %swap3A_157 = vector.shape_cast %swap3A_156 : vector<1x16xf32> to vector<16xf32>
        %swap3A_158 = vector.shape_cast %mul3A_153 : vector<16xf32> to vector<1x16xf32>
        tpu.vector_store %arg14[%swap3A_154, %swap3A_155], %swap3A_158 {strides = array<i32>} : memref<80x192xf32, #tpu.memory_space<vmem>>, vector<1x16xf32>,
        %get3A_159 = arith.index_cast %scan3A_118 : i32 to index
        %get3A_160 = arith.constant 48 : index
        %get3A_161 = tpu.vector_load %arg10[%get3A_159, %get3A_160] {strides = array<i32>} : memref<80x256xf32, #tpu.memory_space<vmem>>, vector<1x16xf32>,
        %get3A_162 = vector.shape_cast %get3A_161 : vector<1x16xf32> to vector<16xf32>
        %get3A_163 = arith.index_cast %scan3A_118 : i32 to index
        %get3A_164 = arith.constant 48 : index
        %get3A_165 = tpu.vector_load %arg11[%get3A_163, %get3A_164] {strides = array<i32>} : memref<80x256xf32, #tpu.memory_space<vmem>>, vector<1x16xf32>,
        %get3A_166 = vector.shape_cast %get3A_165 : vector<1x16xf32> to vector<16xf32>
        %mul3A_167 = arith.mulf %get3A_162, %get3A_166 : vector<16xf32>
        %swap3A_168 = arith.index_cast %scan3A_118 : i32 to index
        %swap3A_169 = arith.constant 48 : index
        %swap3A_170 = tpu.vector_load %arg14[%swap3A_168, %swap3A_169] {strides = array<i32>} : memref<80x192xf32, #tpu.memory_space<vmem>>, vector<1x16xf32>,
        %swap3A_171 = vector.shape_cast %swap3A_170 : vector<1x16xf32> to vector<16xf32>
        %swap3A_172 = vector.shape_cast %mul3A_167 : vector<16xf32> to vector<1x16xf32>
        tpu.vector_store %arg14[%swap3A_168, %swap3A_169], %swap3A_172 {strides = array<i32>} : memref<80x192xf32, #tpu.memory_space<vmem>>, vector<1x16xf32>,
        %get3A_173 = arith.index_cast %scan3A_118 : i32 to index
        %get3A_174 = arith.constant 64 : index
        %get3A_175 = tpu.vector_load %arg10[%get3A_173, %get3A_174] {strides = array<i32>} : memref<80x256xf32, #tpu.memory_space<vmem>>, vector<1x16xf32>,
        %get3A_176 = vector.shape_cast %get3A_175 : vector<1x16xf32> to vector<16xf32>
        %get3A_177 = arith.index_cast %scan3A_118 : i32 to index
        %get3A_178 = arith.constant 64 : index
        %get3A_179 = tpu.vector_load %arg11[%get3A_177, %get3A_178] {strides = array<i32>} : memref<80x256xf32, #tpu.memory_space<vmem>>, vector<1x16xf32>,
        %get3A_180 = vector.shape_cast %get3A_179 : vector<1x16xf32> to vector<16xf32>
        %mul3A_181 = arith.mulf %get3A_176, %get3A_180 : vector<16xf32>
        %swap3A_182 = arith.index_cast %scan3A_118 : i32 to index
        %swap3A_183 = arith.constant 64 : index
        %swap3A_184 = tpu.vector_load %arg14[%swap3A_182, %swap3A_183] {strides = array<i32>} : memref<80x192xf32, #tpu.memory_space<vmem>>, vector<1x16xf32>,
        %swap3A_185 = vector.shape_cast %swap3A_184 : vector<1x16xf32> to vector<16xf32>
        %swap3A_186 = vector.shape_cast %mul3A_181 : vector<16xf32> to vector<1x16xf32>
        tpu.vector_store %arg14[%swap3A_182, %swap3A_183], %swap3A_186 {strides = array<i32>} : memref<80x192xf32, #tpu.memory_space<vmem>>, vector<1x16xf32>,
        %get3A_187 = arith.index_cast %scan3A_118 : i32 to index
        %get3A_188 = arith.constant 80 : index
        %get3A_189 = tpu.vector_load %arg10[%get3A_187, %get3A_188] {strides = array<i32>} : memref<80x256xf32, #tpu.memory_space<vmem>>, vector<1x16xf32>,
        %get3A_190 = vector.shape_cast %get3A_189 : vector<1x16xf32> to vector<16xf32>
        %get3A_191 = arith.index_cast %scan3A_118 : i32 to index
        %get3A_192 = arith.constant 80 : index
        %get3A_193 = tpu.vector_load %arg11[%get3A_191, %get3A_192] {strides = array<i32>} : memref<80x256xf32, #tpu.memory_space<vmem>>, vector<1x16xf32>,
        %get3A_194 = vector.shape_cast %get3A_193 : vector<1x16xf32> to vector<16xf32>
        %mul3A_195 = arith.mulf %get3A_190, %get3A_194 : vector<16xf32>
        %swap3A_196 = arith.index_cast %scan3A_118 : i32 to index
        %swap3A_197 = arith.constant 80 : index
        %swap3A_198 = tpu.vector_load %arg14[%swap3A_196, %swap3A_197] {strides = array<i32>} : memref<80x192xf32, #tpu.memory_space<vmem>>, vector<1x16xf32>,
        %swap3A_199 = vector.shape_cast %swap3A_198 : vector<1x16xf32> to vector<16xf32>
        %swap3A_200 = vector.shape_cast %mul3A_195 : vector<16xf32> to vector<1x16xf32>
        tpu.vector_store %arg14[%swap3A_196, %swap3A_197], %swap3A_200 {strides = array<i32>} : memref<80x192xf32, #tpu.memory_space<vmem>>, vector<1x16xf32>,
        %get3A_201 = arith.index_cast %scan3A_118 : i32 to index
        %get3A_202 = arith.constant 96 : index
        %get3A_203 = tpu.vector_load %arg10[%get3A_201, %get3A_202] {strides = array<i32>} : memref<80x256xf32, #tpu.memory_space<vmem>>, vector<1x16xf32>,
        %get3A_204 = vector.shape_cast %get3A_203 : vector<1x16xf32> to vector<16xf32>
        %get3A_205 = arith.index_cast %scan3A_118 : i32 to index
        %get3A_206 = arith.constant 96 : index
        %get3A_207 = tpu.vector_load %arg11[%get3A_205, %get3A_206] {strides = array<i32>} : memref<80x256xf32, #tpu.memory_space<vmem>>, vector<1x16xf32>,
        %get3A_208 = vector.shape_cast %get3A_207 : vector<1x16xf32> to vector<16xf32>
        %mul3A_209 = arith.mulf %get3A_204, %get3A_208 : vector<16xf32>
        %swap3A_210 = arith.index_cast %scan3A_118 : i32 to index
        %swap3A_211 = arith.constant 96 : index
        %swap3A_212 = tpu.vector_load %arg14[%swap3A_210, %swap3A_211] {strides = array<i32>} : memref<80x192xf32, #tpu.memory_space<vmem>>, vector<1x16xf32>,
        %swap3A_213 = vector.shape_cast %swap3A_212 : vector<1x16xf32> to vector<16xf32>
        %swap3A_214 = vector.shape_cast %mul3A_209 : vector<16xf32> to vector<1x16xf32>
        tpu.vector_store %arg14[%swap3A_210, %swap3A_211], %swap3A_214 {strides = array<i32>} : memref<80x192xf32, #tpu.memory_space<vmem>>, vector<1x16xf32>,
        %get3A_215 = arith.index_cast %scan3A_118 : i32 to index
        %get3A_216 = arith.constant 112 : index
        %get3A_217 = tpu.vector_load %arg10[%get3A_215, %get3A_216] {strides = array<i32>} : memref<80x256xf32, #tpu.memory_space<vmem>>, vector<1x16xf32>,
        %get3A_218 = vector.shape_cast %get3A_217 : vector<1x16xf32> to vector<16xf32>
        %get3A_219 = arith.index_cast %scan3A_118 : i32 to index
        %get3A_220 = arith.constant 112 : index
        %get3A_221 = tpu.vector_load %arg11[%get3A_219, %get3A_220] {strides = array<i32>} : memref<80x256xf32, #tpu.memory_space<vmem>>, vector<1x16xf32>,
        %get3A_222 = vector.shape_cast %get3A_221 : vector<1x16xf32> to vector<16xf32>
        %mul3A_223 = arith.mulf %get3A_218, %get3A_222 : vector<16xf32>
        %swap3A_224 = arith.index_cast %scan3A_118 : i32 to index
        %swap3A_225 = arith.constant 112 : index
        %swap3A_226 = tpu.vector_load %arg14[%swap3A_224, %swap3A_225] {strides = array<i32>} : memref<80x192xf32, #tpu.memory_space<vmem>>, vector<1x16xf32>,
        %swap3A_227 = vector.shape_cast %swap3A_226 : vector<1x16xf32> to vector<16xf32>
        %swap3A_228 = vector.shape_cast %mul3A_223 : vector<16xf32> to vector<1x16xf32>
        tpu.vector_store %arg14[%swap3A_224, %swap3A_225], %swap3A_228 {strides = array<i32>} : memref<80x192xf32, #tpu.memory_space<vmem>>, vector<1x16xf32>,
        %get3A_229 = arith.index_cast %scan3A_118 : i32 to index
        %get3A_230 = arith.constant 128 : index
        %get3A_231 = tpu.vector_load %arg10[%get3A_229, %get3A_230] {strides = array<i32>} : memref<80x256xf32, #tpu.memory_space<vmem>>, vector<1x16xf32>,
        %get3A_232 = vector.shape_cast %get3A_231 : vector<1x16xf32> to vector<16xf32>
        %get3A_233 = arith.index_cast %scan3A_118 : i32 to index
        %get3A_234 = arith.constant 128 : index
        %get3A_235 = tpu.vector_load %arg11[%get3A_233, %get3A_234] {strides = array<i32>} : memref<80x256xf32, #tpu.memory_space<vmem>>, vector<1x16xf32>,
        %get3A_236 = vector.shape_cast %get3A_235 : vector<1x16xf32> to vector<16xf32>
        %mul3A_237 = arith.mulf %get3A_232, %get3A_236 : vector<16xf32>
        %swap3A_238 = arith.index_cast %scan3A_118 : i32 to index
        %swap3A_239 = arith.constant 128 : index
        %swap3A_240 = tpu.vector_load %arg14[%swap3A_238, %swap3A_239] {strides = array<i32>} : memref<80x192xf32, #tpu.memory_space<vmem>>, vector<1x16xf32>,
        %swap3A_241 = vector.shape_cast %swap3A_240 : vector<1x16xf32> to vector<16xf32>
        %swap3A_242 = vector.shape_cast %mul3A_237 : vector<16xf32> to vector<1x16xf32>
        tpu.vector_store %arg14[%swap3A_238, %swap3A_239], %swap3A_242 {strides = array<i32>} : memref<80x192xf32, #tpu.memory_space<vmem>>, vector<1x16xf32>,
        %get3A_243 = arith.index_cast %scan3A_118 : i32 to index
        %get3A_244 = arith.constant 144 : index
        %get3A_245 = tpu.vector_load %arg10[%get3A_243, %get3A_244] {strides = array<i32>} : memref<80x256xf32, #tpu.memory_space<vmem>>, vector<1x16xf32>,
        %get3A_246 = vector.shape_cast %get3A_245 : vector<1x16xf32> to vector<16xf32>
        %get3A_247 = arith.index_cast %scan3A_118 : i32 to index
        %get3A_248 = arith.constant 144 : index
        %get3A_249 = tpu.vector_load %arg11[%get3A_247, %get3A_248] {strides = array<i32>} : memref<80x256xf32, #tpu.memory_space<vmem>>, vector<1x16xf32>,
        %get3A_250 = vector.shape_cast %get3A_249 : vector<1x16xf32> to vector<16xf32>
        %mul3A_251 = arith.mulf %get3A_246, %get3A_250 : vector<16xf32>
        %swap3A_252 = arith.index_cast %scan3A_118 : i32 to index
        %swap3A_253 = arith.constant 144 : index
        %swap3A_254 = tpu.vector_load %arg14[%swap3A_252, %swap3A_253] {strides = array<i32>} : memref<80x192xf32, #tpu.memory_space<vmem>>, vector<1x16xf32>,
        %swap3A_255 = vector.shape_cast %swap3A_254 : vector<1x16xf32> to vector<16xf32>
        %swap3A_256 = vector.shape_cast %mul3A_251 : vector<16xf32> to vector<1x16xf32>
        tpu.vector_store %arg14[%swap3A_252, %swap3A_253], %swap3A_256 {strides = array<i32>} : memref<80x192xf32, #tpu.memory_space<vmem>>, vector<1x16xf32>,
        %get3A_257 = arith.index_cast %scan3A_118 : i32 to index
        %get3A_258 = arith.constant 160 : index
        %get3A_259 = tpu.vector_load %arg10[%get3A_257, %get3A_258] {strides = array<i32>} : memref<80x256xf32, #tpu.memory_space<vmem>>, vector<1x16xf32>,
        %get3A_260 = vector.shape_cast %get3A_259 : vector<1x16xf32> to vector<16xf32>
        %get3A_261 = arith.index_cast %scan3A_118 : i32 to index
        %get3A_262 = arith.constant 160 : index
        %get3A_263 = tpu.vector_load %arg11[%get3A_261, %get3A_262] {strides = array<i32>} : memref<80x256xf32, #tpu.memory_space<vmem>>, vector<1x16xf32>,
        %get3A_264 = vector.shape_cast %get3A_263 : vector<1x16xf32> to vector<16xf32>
        %mul3A_265 = arith.mulf %get3A_260, %get3A_264 : vector<16xf32>
        %swap3A_266 = arith.index_cast %scan3A_118 : i32 to index
        %swap3A_267 = arith.constant 160 : index
        %swap3A_268 = tpu.vector_load %arg14[%swap3A_266, %swap3A_267] {strides = array<i32>} : memref<80x192xf32, #tpu.memory_space<vmem>>, vector<1x16xf32>,
        %swap3A_269 = vector.shape_cast %swap3A_268 : vector<1x16xf32> to vector<16xf32>
        %swap3A_270 = vector.shape_cast %mul3A_265 : vector<16xf32> to vector<1x16xf32>
        tpu.vector_store %arg14[%swap3A_266, %swap3A_267], %swap3A_270 {strides = array<i32>} : memref<80x192xf32, #tpu.memory_space<vmem>>, vector<1x16xf32>,
        %get3A_271 = arith.index_cast %scan3A_118 : i32 to index
        %get3A_272 = arith.constant 176 : index
        %get3A_273 = tpu.vector_load %arg10[%get3A_271, %get3A_272] {strides = array<i32>} : memref<80x256xf32, #tpu.memory_space<vmem>>, vector<1x16xf32>,
        %get3A_274 = vector.shape_cast %get3A_273 : vector<1x16xf32> to vector<16xf32>
        %get3A_275 = arith.index_cast %scan3A_118 : i32 to index
        %get3A_276 = arith.constant 176 : index
        %get3A_277 = tpu.vector_load %arg11[%get3A_275, %get3A_276] {strides = array<i32>} : memref<80x256xf32, #tpu.memory_space<vmem>>, vector<1x16xf32>,
        %get3A_278 = vector.shape_cast %get3A_277 : vector<1x16xf32> to vector<16xf32>
        %mul3A_279 = arith.mulf %get3A_274, %get3A_278 : vector<16xf32>
        %swap3A_280 = arith.index_cast %scan3A_118 : i32 to index
        %swap3A_281 = arith.constant 176 : index
        %swap3A_282 = tpu.vector_load %arg14[%swap3A_280, %swap3A_281] {strides = array<i32>} : memref<80x192xf32, #tpu.memory_space<vmem>>, vector<1x16xf32>,
        %swap3A_283 = vector.shape_cast %swap3A_282 : vector<1x16xf32> to vector<16xf32>
        %swap3A_284 = vector.shape_cast %mul3A_279 : vector<16xf32> to vector<1x16xf32>
        tpu.vector_store %arg14[%swap3A_280, %swap3A_281], %swap3A_284 {strides = array<i32>} : memref<80x192xf32, #tpu.memory_space<vmem>>, vector<1x16xf32>,
      }
      %scan3A_71 = arith.constant 80 : i32
      %mul3A_72 = arith.constant 80 : i32
      %mul3A_73 = arith.muli %mul3A_46, %mul3A_72 : i32
      %add3A_74 = arith.addi %mul3A_2, %mul3A_73 : i32
      %dma_start3A_75 = arith.constant 0 : i32
      %dma_start3A_76 = tpu.memref_slice %arg5[%add3A_74, %dma_start3A_75] : memref<320000x192xf32, #tpu.memory_space<hbm>> -> memref<80x192xf32, #tpu.memory_space<hbm>>
      %dma_start3A_77 = arith.constant 0 : i32
      %dma_start3A_78 = tpu.memref_slice %arg5[%add3A_74, %dma_start3A_77] : memref<320000x192xf32, #tpu.memory_space<hbm>> -> memref<80x192xf32, #tpu.memory_space<hbm>>
      tpu.enqueue_dma source(%arg14 : memref<80x192xf32, #tpu.memory_space<vmem>>) target(%dma_start3A_78 : memref<80x192xf32, #tpu.memory_space<hbm>>) target_semaphore(%arg18 : memref<!tpu.dma_semaphore, #tpu.memory_space<semaphore_mem>>)
      %mul3A_79 = arith.constant 2 : i32
      %mul3A_80 = arith.muli %mul3A_79, %scan3A_44 : i32
      %add3A_81 = arith.constant 1 : i32
      %add3A_82 = arith.addi %mul3A_80, %add3A_81 : i32
      %add3A_83 = arith.constant 1 : i32
      %add3A_84 = arith.addi %add3A_82, %add3A_83 : i32
      %mul3A_85 = arith.constant 80 : i32
      %mul3A_86 = arith.muli %add3A_84, %mul3A_85 : i32
      %add3A_87 = arith.addi %mul3A_2, %mul3A_86 : i32
      "tpu.region"() ({
        %run_scoped3A = tpu.sem_alloc : memref<!tpu.dma_semaphore, #tpu.memory_space<semaphore_mem>>
        %dma_start3A_118 = tpu.memref_slice %arg2[%add3A_87] : memref<320000xi32, #tpu.memory_space<hbm>> -> memref<80xi32, #tpu.memory_space<hbm>>
        %dma_start3A_119 = tpu.memref_slice %arg2[%add3A_87] : memref<320000xi32, #tpu.memory_space<hbm>> -> memref<80xi32, #tpu.memory_space<hbm>>
        tpu.enqueue_dma source(%dma_start3A_119 : memref<80xi32, #tpu.memory_space<hbm>>) target(%arg6 : memref<80xi32, #tpu.memory_space<vmem>>) target_semaphore(%run_scoped3A : memref<!tpu.dma_semaphore, #tpu.memory_space<semaphore_mem>>)
        %dma_wait3A_120 = tpu.memref_slice %arg2[%add3A_87] : memref<320000xi32, #tpu.memory_space<hbm>> -> memref<80xi32, #tpu.memory_space<hbm>>
        %dma_wait3A_121 = tpu.memref_slice %arg2[%add3A_87] : memref<320000xi32, #tpu.memory_space<hbm>> -> memref<80xi32, #tpu.memory_space<hbm>>
        tpu.wait_dma2 semaphore(%run_scoped3A : memref<!tpu.dma_semaphore, #tpu.memory_space<semaphore_mem>>) src(%dma_wait3A_121 : memref<80xi32, #tpu.memory_space<hbm>>) dst(%arg6 : memref<80xi32, #tpu.memory_space<vmem>>)
        tpu.yield
      }) : () -> ()
      "tpu.region"() ({
        %run_scoped3A = tpu.sem_alloc : memref<!tpu.dma_semaphore, #tpu.memory_space<semaphore_mem>>
        %dma_start3A_118 = tpu.memref_slice %arg3[%add3A_87] : memref<320000xi32, #tpu.memory_space<hbm>> -> memref<80xi32, #tpu.memory_space<hbm>>
        %dma_start3A_119 = tpu.memref_slice %arg3[%add3A_87] : memref<320000xi32, #tpu.memory_space<hbm>> -> memref<80xi32, #tpu.memory_space<hbm>>
        tpu.enqueue_dma source(%dma_start3A_119 : memref<80xi32, #tpu.memory_space<hbm>>) target(%arg7 : memref<80xi32, #tpu.memory_space<vmem>>) target_semaphore(%run_scoped3A : memref<!tpu.dma_semaphore, #tpu.memory_space<semaphore_mem>>)
        %dma_wait3A_120 = tpu.memref_slice %arg3[%add3A_87] : memref<320000xi32, #tpu.memory_space<hbm>> -> memref<80xi32, #tpu.memory_space<hbm>>
        %dma_wait3A_121 = tpu.memref_slice %arg3[%add3A_87] : memref<320000xi32, #tpu.memory_space<hbm>> -> memref<80xi32, #tpu.memory_space<hbm>>
        tpu.wait_dma2 semaphore(%run_scoped3A : memref<!tpu.dma_semaphore, #tpu.memory_space<semaphore_mem>>) src(%dma_wait3A_121 : memref<80xi32, #tpu.memory_space<hbm>>) dst(%arg7 : memref<80xi32, #tpu.memory_space<vmem>>)
        tpu.yield
      }) : () -> ()
      %dma_start3A_88 = arith.constant 0 : i32
      %dma_start3A_89 = arith.constant 0 : i32
      %dma_start3A_90 = tpu.memref_slice %arg4[%dma_start3A_88, %dma_start3A_89] : memref<10000x256xf32, #tpu.memory_space<hbm>> -> memref<10000x256xf32, #tpu.memory_space<hbm>>
      tpu.enqueue_indirect_dma source(%dma_start3A_90 : memref<10000x256xf32, #tpu.memory_space<hbm>>) target(%arg10 : memref<80x256xf32, #tpu.memory_space<vmem>>) offsets(%arg6 : memref<80xi32, #tpu.memory_space<vmem>>) semaphore(%arg16 : memref<!tpu.dma_semaphore, #tpu.memory_space<semaphore_mem>>)
      %dma_start3A_91 = arith.constant 0 : i32
      %dma_start3A_92 = arith.constant 0 : i32
      %dma_start3A_93 = tpu.memref_slice %arg4[%dma_start3A_91, %dma_start3A_92] : memref<10000x256xf32, #tpu.memory_space<hbm>> -> memref<10000x256xf32, #tpu.memory_space<hbm>>
      tpu.enqueue_indirect_dma source(%dma_start3A_93 : memref<10000x256xf32, #tpu.memory_space<hbm>>) target(%arg11 : memref<80x256xf32, #tpu.memory_space<vmem>>) offsets(%arg7 : memref<80xi32, #tpu.memory_space<vmem>>) semaphore(%arg16 : memref<!tpu.dma_semaphore, #tpu.memory_space<semaphore_mem>>)
      %dma_wait3A_94 = arith.constant 0 : i32
      %dma_wait3A_95 = arith.constant 0 : i32
      %dma_wait3A_96 = tpu.memref_slice %arg4[%dma_wait3A_94, %dma_wait3A_95] : memref<10000x256xf32, #tpu.memory_space<hbm>> -> memref<10000x256xf32, #tpu.memory_space<hbm>>
      tpu.wait_indirect_dma semaphore(%arg17 : memref<!tpu.dma_semaphore, #tpu.memory_space<semaphore_mem>>) src(%dma_wait3A_96 : memref<10000x256xf32, #tpu.memory_space<hbm>>) dst(%arg12 : memref<80x256xf32, #tpu.memory_space<vmem>>)
      %dma_wait3A_97 = arith.constant 0 : i32
      %dma_wait3A_98 = arith.constant 0 : i32
      %dma_wait3A_99 = tpu.memref_slice %arg4[%dma_wait3A_97, %dma_wait3A_98] : memref<10000x256xf32, #tpu.memory_space<hbm>> -> memref<10000x256xf32, #tpu.memory_space<hbm>>
      tpu.wait_indirect_dma semaphore(%arg17 : memref<!tpu.dma_semaphore, #tpu.memory_space<semaphore_mem>>) src(%dma_wait3A_99 : memref<10000x256xf32, #tpu.memory_space<hbm>>) dst(%arg13 : memref<80x256xf32, #tpu.memory_space<vmem>>)
      %ge3A_100 = arith.constant 2 : i32
      %ge3A_101 = arith.cmpi sge, %add3A_82, %ge3A_100 : i32
      %convert_element_type3A_102 = arith.extui %ge3A_101 : i1 to i32
      %cond3A_103 = arith.constant 0 : i32
      %cond3A_104 = arith.cmpi ne, %convert_element_type3A_102, %cond3A_103 : i32
      scf.if %cond3A_104 {
        %dma_wait3A_118 = arith.constant 0 : i32
        %dma_wait3A_119 = tpu.memref_slice %arg5[%mul3A_2, %dma_wait3A_118] : memref<320000x192xf32, #tpu.memory_space<hbm>> -> memref<80x192xf32, #tpu.memory_space<hbm>>
        %dma_wait3A_120 = arith.constant 0 : i32
        %dma_wait3A_121 = tpu.memref_slice %arg5[%mul3A_2, %dma_wait3A_120] : memref<320000x192xf32, #tpu.memory_space<hbm>> -> memref<80x192xf32, #tpu.memory_space<hbm>>
        tpu.wait_dma2 semaphore(%arg19 : memref<!tpu.dma_semaphore, #tpu.memory_space<semaphore_mem>>) src(%arg15 : memref<80x192xf32, #tpu.memory_space<vmem>>) dst(%dma_wait3A_121 : memref<80x192xf32, #tpu.memory_space<hbm>>)
      } else {
      }
      %scan3A_105 = arith.constant 0 : i32
      %scan3A_106 = arith.constant 0 : i32
      %scan3A_107 = arith.constant 80 : i32
      %scan3A_108 = arith.addi %scan3A_106, %scan3A_107 : i32
      %scan3A_109 = arith.constant 1 : i32
      scf.for %scan3A_118 = %scan3A_106 to %scan3A_108 step %scan3A_109  : i32 {
        %get3A = arith.index_cast %scan3A_118 : i32 to index
        %get3A_119 = arith.constant 0 : index
        %get3A_120 = tpu.vector_load %arg12[%get3A, %get3A_119] {strides = array<i32>} : memref<80x256xf32, #tpu.memory_space<vmem>>, vector<1x16xf32>,
        %get3A_121 = vector.shape_cast %get3A_120 : vector<1x16xf32> to vector<16xf32>
        %get3A_122 = arith.index_cast %scan3A_118 : i32 to index
        %get3A_123 = arith.constant 0 : index
        %get3A_124 = tpu.vector_load %arg13[%get3A_122, %get3A_123] {strides = array<i32>} : memref<80x256xf32, #tpu.memory_space<vmem>>, vector<1x16xf32>,
        %get3A_125 = vector.shape_cast %get3A_124 : vector<1x16xf32> to vector<16xf32>
        %mul3A_126 = arith.mulf %get3A_121, %get3A_125 : vector<16xf32>
        %swap3A = arith.index_cast %scan3A_118 : i32 to index
        %swap3A_127 = arith.constant 0 : index
        %swap3A_128 = tpu.vector_load %arg15[%swap3A, %swap3A_127] {strides = array<i32>} : memref<80x192xf32, #tpu.memory_space<vmem>>, vector<1x16xf32>,
        %swap3A_129 = vector.shape_cast %swap3A_128 : vector<1x16xf32> to vector<16xf32>
        %swap3A_130 = vector.shape_cast %mul3A_126 : vector<16xf32> to vector<1x16xf32>
        tpu.vector_store %arg15[%swap3A, %swap3A_127], %swap3A_130 {strides = array<i32>} : memref<80x192xf32, #tpu.memory_space<vmem>>, vector<1x16xf32>,
        %get3A_131 = arith.index_cast %scan3A_118 : i32 to index
        %get3A_132 = arith.constant 16 : index
        %get3A_133 = tpu.vector_load %arg12[%get3A_131, %get3A_132] {strides = array<i32>} : memref<80x256xf32, #tpu.memory_space<vmem>>, vector<1x16xf32>,
        %get3A_134 = vector.shape_cast %get3A_133 : vector<1x16xf32> to vector<16xf32>
        %get3A_135 = arith.index_cast %scan3A_118 : i32 to index
        %get3A_136 = arith.constant 16 : index
        %get3A_137 = tpu.vector_load %arg13[%get3A_135, %get3A_136] {strides = array<i32>} : memref<80x256xf32, #tpu.memory_space<vmem>>, vector<1x16xf32>,
        %get3A_138 = vector.shape_cast %get3A_137 : vector<1x16xf32> to vector<16xf32>
        %mul3A_139 = arith.mulf %get3A_134, %get3A_138 : vector<16xf32>
        %swap3A_140 = arith.index_cast %scan3A_118 : i32 to index
        %swap3A_141 = arith.constant 16 : index
        %swap3A_142 = tpu.vector_load %arg15[%swap3A_140, %swap3A_141] {strides = array<i32>} : memref<80x192xf32, #tpu.memory_space<vmem>>, vector<1x16xf32>,
        %swap3A_143 = vector.shape_cast %swap3A_142 : vector<1x16xf32> to vector<16xf32>
        %swap3A_144 = vector.shape_cast %mul3A_139 : vector<16xf32> to vector<1x16xf32>
        tpu.vector_store %arg15[%swap3A_140, %swap3A_141], %swap3A_144 {strides = array<i32>} : memref<80x192xf32, #tpu.memory_space<vmem>>, vector<1x16xf32>,
        %get3A_145 = arith.index_cast %scan3A_118 : i32 to index
        %get3A_146 = arith.constant 32 : index
        %get3A_147 = tpu.vector_load %arg12[%get3A_145, %get3A_146] {strides = array<i32>} : memref<80x256xf32, #tpu.memory_space<vmem>>, vector<1x16xf32>,
        %get3A_148 = vector.shape_cast %get3A_147 : vector<1x16xf32> to vector<16xf32>
        %get3A_149 = arith.index_cast %scan3A_118 : i32 to index
        %get3A_150 = arith.constant 32 : index
        %get3A_151 = tpu.vector_load %arg13[%get3A_149, %get3A_150] {strides = array<i32>} : memref<80x256xf32, #tpu.memory_space<vmem>>, vector<1x16xf32>,
        %get3A_152 = vector.shape_cast %get3A_151 : vector<1x16xf32> to vector<16xf32>
        %mul3A_153 = arith.mulf %get3A_148, %get3A_152 : vector<16xf32>
        %swap3A_154 = arith.index_cast %scan3A_118 : i32 to index
        %swap3A_155 = arith.constant 32 : index
        %swap3A_156 = tpu.vector_load %arg15[%swap3A_154, %swap3A_155] {strides = array<i32>} : memref<80x192xf32, #tpu.memory_space<vmem>>, vector<1x16xf32>,
        %swap3A_157 = vector.shape_cast %swap3A_156 : vector<1x16xf32> to vector<16xf32>
        %swap3A_158 = vector.shape_cast %mul3A_153 : vector<16xf32> to vector<1x16xf32>
        tpu.vector_store %arg15[%swap3A_154, %swap3A_155], %swap3A_158 {strides = array<i32>} : memref<80x192xf32, #tpu.memory_space<vmem>>, vector<1x16xf32>,
        %get3A_159 = arith.index_cast %scan3A_118 : i32 to index
        %get3A_160 = arith.constant 48 : index
        %get3A_161 = tpu.vector_load %arg12[%get3A_159, %get3A_160] {strides = array<i32>} : memref<80x256xf32, #tpu.memory_space<vmem>>, vector<1x16xf32>,
        %get3A_162 = vector.shape_cast %get3A_161 : vector<1x16xf32> to vector<16xf32>
        %get3A_163 = arith.index_cast %scan3A_118 : i32 to index
        %get3A_164 = arith.constant 48 : index
        %get3A_165 = tpu.vector_load %arg13[%get3A_163, %get3A_164] {strides = array<i32>} : memref<80x256xf32, #tpu.memory_space<vmem>>, vector<1x16xf32>,
        %get3A_166 = vector.shape_cast %get3A_165 : vector<1x16xf32> to vector<16xf32>
        %mul3A_167 = arith.mulf %get3A_162, %get3A_166 : vector<16xf32>
        %swap3A_168 = arith.index_cast %scan3A_118 : i32 to index
        %swap3A_169 = arith.constant 48 : index
        %swap3A_170 = tpu.vector_load %arg15[%swap3A_168, %swap3A_169] {strides = array<i32>} : memref<80x192xf32, #tpu.memory_space<vmem>>, vector<1x16xf32>,
        %swap3A_171 = vector.shape_cast %swap3A_170 : vector<1x16xf32> to vector<16xf32>
        %swap3A_172 = vector.shape_cast %mul3A_167 : vector<16xf32> to vector<1x16xf32>
        tpu.vector_store %arg15[%swap3A_168, %swap3A_169], %swap3A_172 {strides = array<i32>} : memref<80x192xf32, #tpu.memory_space<vmem>>, vector<1x16xf32>,
        %get3A_173 = arith.index_cast %scan3A_118 : i32 to index
        %get3A_174 = arith.constant 64 : index
        %get3A_175 = tpu.vector_load %arg12[%get3A_173, %get3A_174] {strides = array<i32>} : memref<80x256xf32, #tpu.memory_space<vmem>>, vector<1x16xf32>,
        %get3A_176 = vector.shape_cast %get3A_175 : vector<1x16xf32> to vector<16xf32>
        %get3A_177 = arith.index_cast %scan3A_118 : i32 to index
        %get3A_178 = arith.constant 64 : index
        %get3A_179 = tpu.vector_load %arg13[%get3A_177, %get3A_178] {strides = array<i32>} : memref<80x256xf32, #tpu.memory_space<vmem>>, vector<1x16xf32>,
        %get3A_180 = vector.shape_cast %get3A_179 : vector<1x16xf32> to vector<16xf32>
        %mul3A_181 = arith.mulf %get3A_176, %get3A_180 : vector<16xf32>
        %swap3A_182 = arith.index_cast %scan3A_118 : i32 to index
        %swap3A_183 = arith.constant 64 : index
        %swap3A_184 = tpu.vector_load %arg15[%swap3A_182, %swap3A_183] {strides = array<i32>} : memref<80x192xf32, #tpu.memory_space<vmem>>, vector<1x16xf32>,
        %swap3A_185 = vector.shape_cast %swap3A_184 : vector<1x16xf32> to vector<16xf32>
        %swap3A_186 = vector.shape_cast %mul3A_181 : vector<16xf32> to vector<1x16xf32>
        tpu.vector_store %arg15[%swap3A_182, %swap3A_183], %swap3A_186 {strides = array<i32>} : memref<80x192xf32, #tpu.memory_space<vmem>>, vector<1x16xf32>,
        %get3A_187 = arith.index_cast %scan3A_118 : i32 to index
        %get3A_188 = arith.constant 80 : index
        %get3A_189 = tpu.vector_load %arg12[%get3A_187, %get3A_188] {strides = array<i32>} : memref<80x256xf32, #tpu.memory_space<vmem>>, vector<1x16xf32>,
        %get3A_190 = vector.shape_cast %get3A_189 : vector<1x16xf32> to vector<16xf32>
        %get3A_191 = arith.index_cast %scan3A_118 : i32 to index
        %get3A_192 = arith.constant 80 : index
        %get3A_193 = tpu.vector_load %arg13[%get3A_191, %get3A_192] {strides = array<i32>} : memref<80x256xf32, #tpu.memory_space<vmem>>, vector<1x16xf32>,
        %get3A_194 = vector.shape_cast %get3A_193 : vector<1x16xf32> to vector<16xf32>
        %mul3A_195 = arith.mulf %get3A_190, %get3A_194 : vector<16xf32>
        %swap3A_196 = arith.index_cast %scan3A_118 : i32 to index
        %swap3A_197 = arith.constant 80 : index
        %swap3A_198 = tpu.vector_load %arg15[%swap3A_196, %swap3A_197] {strides = array<i32>} : memref<80x192xf32, #tpu.memory_space<vmem>>, vector<1x16xf32>,
        %swap3A_199 = vector.shape_cast %swap3A_198 : vector<1x16xf32> to vector<16xf32>
        %swap3A_200 = vector.shape_cast %mul3A_195 : vector<16xf32> to vector<1x16xf32>
        tpu.vector_store %arg15[%swap3A_196, %swap3A_197], %swap3A_200 {strides = array<i32>} : memref<80x192xf32, #tpu.memory_space<vmem>>, vector<1x16xf32>,
        %get3A_201 = arith.index_cast %scan3A_118 : i32 to index
        %get3A_202 = arith.constant 96 : index
        %get3A_203 = tpu.vector_load %arg12[%get3A_201, %get3A_202] {strides = array<i32>} : memref<80x256xf32, #tpu.memory_space<vmem>>, vector<1x16xf32>,
        %get3A_204 = vector.shape_cast %get3A_203 : vector<1x16xf32> to vector<16xf32>
        %get3A_205 = arith.index_cast %scan3A_118 : i32 to index
        %get3A_206 = arith.constant 96 : index
        %get3A_207 = tpu.vector_load %arg13[%get3A_205, %get3A_206] {strides = array<i32>} : memref<80x256xf32, #tpu.memory_space<vmem>>, vector<1x16xf32>,
        %get3A_208 = vector.shape_cast %get3A_207 : vector<1x16xf32> to vector<16xf32>
        %mul3A_209 = arith.mulf %get3A_204, %get3A_208 : vector<16xf32>
        %swap3A_210 = arith.index_cast %scan3A_118 : i32 to index
        %swap3A_211 = arith.constant 96 : index
        %swap3A_212 = tpu.vector_load %arg15[%swap3A_210, %swap3A_211] {strides = array<i32>} : memref<80x192xf32, #tpu.memory_space<vmem>>, vector<1x16xf32>,
        %swap3A_213 = vector.shape_cast %swap3A_212 : vector<1x16xf32> to vector<16xf32>
        %swap3A_214 = vector.shape_cast %mul3A_209 : vector<16xf32> to vector<1x16xf32>
        tpu.vector_store %arg15[%swap3A_210, %swap3A_211], %swap3A_214 {strides = array<i32>} : memref<80x192xf32, #tpu.memory_space<vmem>>, vector<1x16xf32>,
        %get3A_215 = arith.index_cast %scan3A_118 : i32 to index
        %get3A_216 = arith.constant 112 : index
        %get3A_217 = tpu.vector_load %arg12[%get3A_215, %get3A_216] {strides = array<i32>} : memref<80x256xf32, #tpu.memory_space<vmem>>, vector<1x16xf32>,
        %get3A_218 = vector.shape_cast %get3A_217 : vector<1x16xf32> to vector<16xf32>
        %get3A_219 = arith.index_cast %scan3A_118 : i32 to index
        %get3A_220 = arith.constant 112 : index
        %get3A_221 = tpu.vector_load %arg13[%get3A_219, %get3A_220] {strides = array<i32>} : memref<80x256xf32, #tpu.memory_space<vmem>>, vector<1x16xf32>,
        %get3A_222 = vector.shape_cast %get3A_221 : vector<1x16xf32> to vector<16xf32>
        %mul3A_223 = arith.mulf %get3A_218, %get3A_222 : vector<16xf32>
        %swap3A_224 = arith.index_cast %scan3A_118 : i32 to index
        %swap3A_225 = arith.constant 112 : index
        %swap3A_226 = tpu.vector_load %arg15[%swap3A_224, %swap3A_225] {strides = array<i32>} : memref<80x192xf32, #tpu.memory_space<vmem>>, vector<1x16xf32>,
        %swap3A_227 = vector.shape_cast %swap3A_226 : vector<1x16xf32> to vector<16xf32>
        %swap3A_228 = vector.shape_cast %mul3A_223 : vector<16xf32> to vector<1x16xf32>
        tpu.vector_store %arg15[%swap3A_224, %swap3A_225], %swap3A_228 {strides = array<i32>} : memref<80x192xf32, #tpu.memory_space<vmem>>, vector<1x16xf32>,
        %get3A_229 = arith.index_cast %scan3A_118 : i32 to index
        %get3A_230 = arith.constant 128 : index
        %get3A_231 = tpu.vector_load %arg12[%get3A_229, %get3A_230] {strides = array<i32>} : memref<80x256xf32, #tpu.memory_space<vmem>>, vector<1x16xf32>,
        %get3A_232 = vector.shape_cast %get3A_231 : vector<1x16xf32> to vector<16xf32>
        %get3A_233 = arith.index_cast %scan3A_118 : i32 to index
        %get3A_234 = arith.constant 128 : index
        %get3A_235 = tpu.vector_load %arg13[%get3A_233, %get3A_234] {strides = array<i32>} : memref<80x256xf32, #tpu.memory_space<vmem>>, vector<1x16xf32>,
        %get3A_236 = vector.shape_cast %get3A_235 : vector<1x16xf32> to vector<16xf32>
        %mul3A_237 = arith.mulf %get3A_232, %get3A_236 : vector<16xf32>
        %swap3A_238 = arith.index_cast %scan3A_118 : i32 to index
        %swap3A_239 = arith.constant 128 : index
        %swap3A_240 = tpu.vector_load %arg15[%swap3A_238, %swap3A_239] {strides = array<i32>} : memref<80x192xf32, #tpu.memory_space<vmem>>, vector<1x16xf32>,
        %swap3A_241 = vector.shape_cast %swap3A_240 : vector<1x16xf32> to vector<16xf32>
        %swap3A_242 = vector.shape_cast %mul3A_237 : vector<16xf32> to vector<1x16xf32>
        tpu.vector_store %arg15[%swap3A_238, %swap3A_239], %swap3A_242 {strides = array<i32>} : memref<80x192xf32, #tpu.memory_space<vmem>>, vector<1x16xf32>,
        %get3A_243 = arith.index_cast %scan3A_118 : i32 to index
        %get3A_244 = arith.constant 144 : index
        %get3A_245 = tpu.vector_load %arg12[%get3A_243, %get3A_244] {strides = array<i32>} : memref<80x256xf32, #tpu.memory_space<vmem>>, vector<1x16xf32>,
        %get3A_246 = vector.shape_cast %get3A_245 : vector<1x16xf32> to vector<16xf32>
        %get3A_247 = arith.index_cast %scan3A_118 : i32 to index
        %get3A_248 = arith.constant 144 : index
        %get3A_249 = tpu.vector_load %arg13[%get3A_247, %get3A_248] {strides = array<i32>} : memref<80x256xf32, #tpu.memory_space<vmem>>, vector<1x16xf32>,
        %get3A_250 = vector.shape_cast %get3A_249 : vector<1x16xf32> to vector<16xf32>
        %mul3A_251 = arith.mulf %get3A_246, %get3A_250 : vector<16xf32>
        %swap3A_252 = arith.index_cast %scan3A_118 : i32 to index
        %swap3A_253 = arith.constant 144 : index
        %swap3A_254 = tpu.vector_load %arg15[%swap3A_252, %swap3A_253] {strides = array<i32>} : memref<80x192xf32, #tpu.memory_space<vmem>>, vector<1x16xf32>,
        %swap3A_255 = vector.shape_cast %swap3A_254 : vector<1x16xf32> to vector<16xf32>
        %swap3A_256 = vector.shape_cast %mul3A_251 : vector<16xf32> to vector<1x16xf32>
        tpu.vector_store %arg15[%swap3A_252, %swap3A_253], %swap3A_256 {strides = array<i32>} : memref<80x192xf32, #tpu.memory_space<vmem>>, vector<1x16xf32>,
        %get3A_257 = arith.index_cast %scan3A_118 : i32 to index
        %get3A_258 = arith.constant 160 : index
        %get3A_259 = tpu.vector_load %arg12[%get3A_257, %get3A_258] {strides = array<i32>} : memref<80x256xf32, #tpu.memory_space<vmem>>, vector<1x16xf32>,
        %get3A_260 = vector.shape_cast %get3A_259 : vector<1x16xf32> to vector<16xf32>
        %get3A_261 = arith.index_cast %scan3A_118 : i32 to index
        %get3A_262 = arith.constant 160 : index
        %get3A_263 = tpu.vector_load %arg13[%get3A_261, %get3A_262] {strides = array<i32>} : memref<80x256xf32, #tpu.memory_space<vmem>>, vector<1x16xf32>,
        %get3A_264 = vector.shape_cast %get3A_263 : vector<1x16xf32> to vector<16xf32>
        %mul3A_265 = arith.mulf %get3A_260, %get3A_264 : vector<16xf32>
        %swap3A_266 = arith.index_cast %scan3A_118 : i32 to index
        %swap3A_267 = arith.constant 160 : index
        %swap3A_268 = tpu.vector_load %arg15[%swap3A_266, %swap3A_267] {strides = array<i32>} : memref<80x192xf32, #tpu.memory_space<vmem>>, vector<1x16xf32>,
        %swap3A_269 = vector.shape_cast %swap3A_268 : vector<1x16xf32> to vector<16xf32>
        %swap3A_270 = vector.shape_cast %mul3A_265 : vector<16xf32> to vector<1x16xf32>
        tpu.vector_store %arg15[%swap3A_266, %swap3A_267], %swap3A_270 {strides = array<i32>} : memref<80x192xf32, #tpu.memory_space<vmem>>, vector<1x16xf32>,
        %get3A_271 = arith.index_cast %scan3A_118 : i32 to index
        %get3A_272 = arith.constant 176 : index
        %get3A_273 = tpu.vector_load %arg12[%get3A_271, %get3A_272] {strides = array<i32>} : memref<80x256xf32, #tpu.memory_space<vmem>>, vector<1x16xf32>,
        %get3A_274 = vector.shape_cast %get3A_273 : vector<1x16xf32> to vector<16xf32>
        %get3A_275 = arith.index_cast %scan3A_118 : i32 to index
        %get3A_276 = arith.constant 176 : index
        %get3A_277 = tpu.vector_load %arg13[%get3A_275, %get3A_276] {strides = array<i32>} : memref<80x256xf32, #tpu.memory_space<vmem>>, vector<1x16xf32>,
        %get3A_278 = vector.shape_cast %get3A_277 : vector<1x16xf32> to vector<16xf32>
        %mul3A_279 = arith.mulf %get3A_274, %get3A_278 : vector<16xf32>
        %swap3A_280 = arith.index_cast %scan3A_118 : i32 to index
        %swap3A_281 = arith.constant 176 : index
        %swap3A_282 = tpu.vector_load %arg15[%swap3A_280, %swap3A_281] {strides = array<i32>} : memref<80x192xf32, #tpu.memory_space<vmem>>, vector<1x16xf32>,
        %swap3A_283 = vector.shape_cast %swap3A_282 : vector<1x16xf32> to vector<16xf32>
        %swap3A_284 = vector.shape_cast %mul3A_279 : vector<16xf32> to vector<1x16xf32>
        tpu.vector_store %arg15[%swap3A_280, %swap3A_281], %swap3A_284 {strides = array<i32>} : memref<80x192xf32, #tpu.memory_space<vmem>>, vector<1x16xf32>,
      }
      %scan3A_110 = arith.constant 80 : i32
      %mul3A_111 = arith.constant 80 : i32
      %mul3A_112 = arith.muli %add3A_82, %mul3A_111 : i32
      %add3A_113 = arith.addi %mul3A_2, %mul3A_112 : i32
      %dma_start3A_114 = arith.constant 0 : i32
      %dma_start3A_115 = tpu.memref_slice %arg5[%add3A_113, %dma_start3A_114] : memref<320000x192xf32, #tpu.memory_space<hbm>> -> memref<80x192xf32, #tpu.memory_space<hbm>>
      %dma_start3A_116 = arith.constant 0 : i32
      %dma_start3A_117 = tpu.memref_slice %arg5[%add3A_113, %dma_start3A_116] : memref<320000x192xf32, #tpu.memory_space<hbm>> -> memref<80x192xf32, #tpu.memory_space<hbm>>
      tpu.enqueue_dma source(%arg15 : memref<80x192xf32, #tpu.memory_space<vmem>>) target(%dma_start3A_117 : memref<80x192xf32, #tpu.memory_space<hbm>>) target_semaphore(%arg19 : memref<!tpu.dma_semaphore, #tpu.memory_space<semaphore_mem>>)
    }
    %scan3A_14 = arith.constant 62 : i32
    %dma_wait3A = arith.constant 0 : i32
    %dma_wait3A_15 = arith.constant 0 : i32
    %dma_wait3A_16 = tpu.memref_slice %arg4[%dma_wait3A, %dma_wait3A_15] : memref<10000x256xf32, #tpu.memory_space<hbm>> -> memref<10000x256xf32, #tpu.memory_space<hbm>>
    tpu.wait_indirect_dma semaphore(%arg16 : memref<!tpu.dma_semaphore, #tpu.memory_space<semaphore_mem>>) src(%dma_wait3A_16 : memref<10000x256xf32, #tpu.memory_space<hbm>>) dst(%arg10 : memref<80x256xf32, #tpu.memory_space<vmem>>)
    %dma_wait3A_17 = arith.constant 0 : i32
    %dma_wait3A_18 = arith.constant 0 : i32
    %dma_wait3A_19 = tpu.memref_slice %arg4[%dma_wait3A_17, %dma_wait3A_18] : memref<10000x256xf32, #tpu.memory_space<hbm>> -> memref<10000x256xf32, #tpu.memory_space<hbm>>
    tpu.wait_indirect_dma semaphore(%arg16 : memref<!tpu.dma_semaphore, #tpu.memory_space<semaphore_mem>>) src(%dma_wait3A_19 : memref<10000x256xf32, #tpu.memory_space<hbm>>) dst(%arg11 : memref<80x256xf32, #tpu.memory_space<vmem>>)
    %dma_wait3A_20 = arith.constant 0 : i32
    %dma_wait3A_21 = tpu.memref_slice %arg5[%mul3A_2, %dma_wait3A_20] : memref<320000x192xf32, #tpu.memory_space<hbm>> -> memref<80x192xf32, #tpu.memory_space<hbm>>
    %dma_wait3A_22 = arith.constant 0 : i32
    %dma_wait3A_23 = tpu.memref_slice %arg5[%mul3A_2, %dma_wait3A_22] : memref<320000x192xf32, #tpu.memory_space<hbm>> -> memref<80x192xf32, #tpu.memory_space<hbm>>
    tpu.wait_dma2 semaphore(%arg18 : memref<!tpu.dma_semaphore, #tpu.memory_space<semaphore_mem>>) src(%arg14 : memref<80x192xf32, #tpu.memory_space<vmem>>) dst(%dma_wait3A_23 : memref<80x192xf32, #tpu.memory_space<hbm>>)
    %scan3A_24 = arith.constant 0 : i32
    %scan3A_25 = arith.constant 0 : i32
    %scan3A_26 = arith.constant 80 : i32
    %scan3A_27 = arith.addi %scan3A_25, %scan3A_26 : i32
    %scan3A_28 = arith.constant 1 : i32
    scf.for %scan3A_44 = %scan3A_25 to %scan3A_27 step %scan3A_28  : i32 {
      %get3A = arith.index_cast %scan3A_44 : i32 to index
      %get3A_45 = arith.constant 0 : index
      %get3A_46 = tpu.vector_load %arg10[%get3A, %get3A_45] {strides = array<i32>} : memref<80x256xf32, #tpu.memory_space<vmem>>, vector<1x16xf32>,
      %get3A_47 = vector.shape_cast %get3A_46 : vector<1x16xf32> to vector<16xf32>
      %get3A_48 = arith.index_cast %scan3A_44 : i32 to index
      %get3A_49 = arith.constant 0 : index
      %get3A_50 = tpu.vector_load %arg11[%get3A_48, %get3A_49] {strides = array<i32>} : memref<80x256xf32, #tpu.memory_space<vmem>>, vector<1x16xf32>,
      %get3A_51 = vector.shape_cast %get3A_50 : vector<1x16xf32> to vector<16xf32>
      %mul3A_52 = arith.mulf %get3A_47, %get3A_51 : vector<16xf32>
      %swap3A = arith.index_cast %scan3A_44 : i32 to index
      %swap3A_53 = arith.constant 0 : index
      %swap3A_54 = tpu.vector_load %arg14[%swap3A, %swap3A_53] {strides = array<i32>} : memref<80x192xf32, #tpu.memory_space<vmem>>, vector<1x16xf32>,
      %swap3A_55 = vector.shape_cast %swap3A_54 : vector<1x16xf32> to vector<16xf32>
      %swap3A_56 = vector.shape_cast %mul3A_52 : vector<16xf32> to vector<1x16xf32>
      tpu.vector_store %arg14[%swap3A, %swap3A_53], %swap3A_56 {strides = array<i32>} : memref<80x192xf32, #tpu.memory_space<vmem>>, vector<1x16xf32>,
      %get3A_57 = arith.index_cast %scan3A_44 : i32 to index
      %get3A_58 = arith.constant 16 : index
      %get3A_59 = tpu.vector_load %arg10[%get3A_57, %get3A_58] {strides = array<i32>} : memref<80x256xf32, #tpu.memory_space<vmem>>, vector<1x16xf32>,
      %get3A_60 = vector.shape_cast %get3A_59 : vector<1x16xf32> to vector<16xf32>
      %get3A_61 = arith.index_cast %scan3A_44 : i32 to index
      %get3A_62 = arith.constant 16 : index
      %get3A_63 = tpu.vector_load %arg11[%get3A_61, %get3A_62] {strides = array<i32>} : memref<80x256xf32, #tpu.memory_space<vmem>>, vector<1x16xf32>,
      %get3A_64 = vector.shape_cast %get3A_63 : vector<1x16xf32> to vector<16xf32>
      %mul3A_65 = arith.mulf %get3A_60, %get3A_64 : vector<16xf32>
      %swap3A_66 = arith.index_cast %scan3A_44 : i32 to index
      %swap3A_67 = arith.constant 16 : index
      %swap3A_68 = tpu.vector_load %arg14[%swap3A_66, %swap3A_67] {strides = array<i32>} : memref<80x192xf32, #tpu.memory_space<vmem>>, vector<1x16xf32>,
      %swap3A_69 = vector.shape_cast %swap3A_68 : vector<1x16xf32> to vector<16xf32>
      %swap3A_70 = vector.shape_cast %mul3A_65 : vector<16xf32> to vector<1x16xf32>
      tpu.vector_store %arg14[%swap3A_66, %swap3A_67], %swap3A_70 {strides = array<i32>} : memref<80x192xf32, #tpu.memory_space<vmem>>, vector<1x16xf32>,
      %get3A_71 = arith.index_cast %scan3A_44 : i32 to index
      %get3A_72 = arith.constant 32 : index
      %get3A_73 = tpu.vector_load %arg10[%get3A_71, %get3A_72] {strides = array<i32>} : memref<80x256xf32, #tpu.memory_space<vmem>>, vector<1x16xf32>,
      %get3A_74 = vector.shape_cast %get3A_73 : vector<1x16xf32> to vector<16xf32>
      %get3A_75 = arith.index_cast %scan3A_44 : i32 to index
      %get3A_76 = arith.constant 32 : index
      %get3A_77 = tpu.vector_load %arg11[%get3A_75, %get3A_76] {strides = array<i32>} : memref<80x256xf32, #tpu.memory_space<vmem>>, vector<1x16xf32>,
      %get3A_78 = vector.shape_cast %get3A_77 : vector<1x16xf32> to vector<16xf32>
      %mul3A_79 = arith.mulf %get3A_74, %get3A_78 : vector<16xf32>
      %swap3A_80 = arith.index_cast %scan3A_44 : i32 to index
      %swap3A_81 = arith.constant 32 : index
      %swap3A_82 = tpu.vector_load %arg14[%swap3A_80, %swap3A_81] {strides = array<i32>} : memref<80x192xf32, #tpu.memory_space<vmem>>, vector<1x16xf32>,
      %swap3A_83 = vector.shape_cast %swap3A_82 : vector<1x16xf32> to vector<16xf32>
      %swap3A_84 = vector.shape_cast %mul3A_79 : vector<16xf32> to vector<1x16xf32>
      tpu.vector_store %arg14[%swap3A_80, %swap3A_81], %swap3A_84 {strides = array<i32>} : memref<80x192xf32, #tpu.memory_space<vmem>>, vector<1x16xf32>,
      %get3A_85 = arith.index_cast %scan3A_44 : i32 to index
      %get3A_86 = arith.constant 48 : index
      %get3A_87 = tpu.vector_load %arg10[%get3A_85, %get3A_86] {strides = array<i32>} : memref<80x256xf32, #tpu.memory_space<vmem>>, vector<1x16xf32>,
      %get3A_88 = vector.shape_cast %get3A_87 : vector<1x16xf32> to vector<16xf32>
      %get3A_89 = arith.index_cast %scan3A_44 : i32 to index
      %get3A_90 = arith.constant 48 : index
      %get3A_91 = tpu.vector_load %arg11[%get3A_89, %get3A_90] {strides = array<i32>} : memref<80x256xf32, #tpu.memory_space<vmem>>, vector<1x16xf32>,
      %get3A_92 = vector.shape_cast %get3A_91 : vector<1x16xf32> to vector<16xf32>
      %mul3A_93 = arith.mulf %get3A_88, %get3A_92 : vector<16xf32>
      %swap3A_94 = arith.index_cast %scan3A_44 : i32 to index
      %swap3A_95 = arith.constant 48 : index
      %swap3A_96 = tpu.vector_load %arg14[%swap3A_94, %swap3A_95] {strides = array<i32>} : memref<80x192xf32, #tpu.memory_space<vmem>>, vector<1x16xf32>,
      %swap3A_97 = vector.shape_cast %swap3A_96 : vector<1x16xf32> to vector<16xf32>
      %swap3A_98 = vector.shape_cast %mul3A_93 : vector<16xf32> to vector<1x16xf32>
      tpu.vector_store %arg14[%swap3A_94, %swap3A_95], %swap3A_98 {strides = array<i32>} : memref<80x192xf32, #tpu.memory_space<vmem>>, vector<1x16xf32>,
      %get3A_99 = arith.index_cast %scan3A_44 : i32 to index
      %get3A_100 = arith.constant 64 : index
      %get3A_101 = tpu.vector_load %arg10[%get3A_99, %get3A_100] {strides = array<i32>} : memref<80x256xf32, #tpu.memory_space<vmem>>, vector<1x16xf32>,
      %get3A_102 = vector.shape_cast %get3A_101 : vector<1x16xf32> to vector<16xf32>
      %get3A_103 = arith.index_cast %scan3A_44 : i32 to index
      %get3A_104 = arith.constant 64 : index
      %get3A_105 = tpu.vector_load %arg11[%get3A_103, %get3A_104] {strides = array<i32>} : memref<80x256xf32, #tpu.memory_space<vmem>>, vector<1x16xf32>,
      %get3A_106 = vector.shape_cast %get3A_105 : vector<1x16xf32> to vector<16xf32>
      %mul3A_107 = arith.mulf %get3A_102, %get3A_106 : vector<16xf32>
      %swap3A_108 = arith.index_cast %scan3A_44 : i32 to index
      %swap3A_109 = arith.constant 64 : index
      %swap3A_110 = tpu.vector_load %arg14[%swap3A_108, %swap3A_109] {strides = array<i32>} : memref<80x192xf32, #tpu.memory_space<vmem>>, vector<1x16xf32>,
      %swap3A_111 = vector.shape_cast %swap3A_110 : vector<1x16xf32> to vector<16xf32>
      %swap3A_112 = vector.shape_cast %mul3A_107 : vector<16xf32> to vector<1x16xf32>
      tpu.vector_store %arg14[%swap3A_108, %swap3A_109], %swap3A_112 {strides = array<i32>} : memref<80x192xf32, #tpu.memory_space<vmem>>, vector<1x16xf32>,
      %get3A_113 = arith.index_cast %scan3A_44 : i32 to index
      %get3A_114 = arith.constant 80 : index
      %get3A_115 = tpu.vector_load %arg10[%get3A_113, %get3A_114] {strides = array<i32>} : memref<80x256xf32, #tpu.memory_space<vmem>>, vector<1x16xf32>,
      %get3A_116 = vector.shape_cast %get3A_115 : vector<1x16xf32> to vector<16xf32>
      %get3A_117 = arith.index_cast %scan3A_44 : i32 to index
      %get3A_118 = arith.constant 80 : index
      %get3A_119 = tpu.vector_load %arg11[%get3A_117, %get3A_118] {strides = array<i32>} : memref<80x256xf32, #tpu.memory_space<vmem>>, vector<1x16xf32>,
      %get3A_120 = vector.shape_cast %get3A_119 : vector<1x16xf32> to vector<16xf32>
      %mul3A_121 = arith.mulf %get3A_116, %get3A_120 : vector<16xf32>
      %swap3A_122 = arith.index_cast %scan3A_44 : i32 to index
      %swap3A_123 = arith.constant 80 : index
      %swap3A_124 = tpu.vector_load %arg14[%swap3A_122, %swap3A_123] {strides = array<i32>} : memref<80x192xf32, #tpu.memory_space<vmem>>, vector<1x16xf32>,
      %swap3A_125 = vector.shape_cast %swap3A_124 : vector<1x16xf32> to vector<16xf32>
      %swap3A_126 = vector.shape_cast %mul3A_121 : vector<16xf32> to vector<1x16xf32>
      tpu.vector_store %arg14[%swap3A_122, %swap3A_123], %swap3A_126 {strides = array<i32>} : memref<80x192xf32, #tpu.memory_space<vmem>>, vector<1x16xf32>,
      %get3A_127 = arith.index_cast %scan3A_44 : i32 to index
      %get3A_128 = arith.constant 96 : index
      %get3A_129 = tpu.vector_load %arg10[%get3A_127, %get3A_128] {strides = array<i32>} : memref<80x256xf32, #tpu.memory_space<vmem>>, vector<1x16xf32>,
      %get3A_130 = vector.shape_cast %get3A_129 : vector<1x16xf32> to vector<16xf32>
      %get3A_131 = arith.index_cast %scan3A_44 : i32 to index
      %get3A_132 = arith.constant 96 : index
      %get3A_133 = tpu.vector_load %arg11[%get3A_131, %get3A_132] {strides = array<i32>} : memref<80x256xf32, #tpu.memory_space<vmem>>, vector<1x16xf32>,
      %get3A_134 = vector.shape_cast %get3A_133 : vector<1x16xf32> to vector<16xf32>
      %mul3A_135 = arith.mulf %get3A_130, %get3A_134 : vector<16xf32>
      %swap3A_136 = arith.index_cast %scan3A_44 : i32 to index
      %swap3A_137 = arith.constant 96 : index
      %swap3A_138 = tpu.vector_load %arg14[%swap3A_136, %swap3A_137] {strides = array<i32>} : memref<80x192xf32, #tpu.memory_space<vmem>>, vector<1x16xf32>,
      %swap3A_139 = vector.shape_cast %swap3A_138 : vector<1x16xf32> to vector<16xf32>
      %swap3A_140 = vector.shape_cast %mul3A_135 : vector<16xf32> to vector<1x16xf32>
      tpu.vector_store %arg14[%swap3A_136, %swap3A_137], %swap3A_140 {strides = array<i32>} : memref<80x192xf32, #tpu.memory_space<vmem>>, vector<1x16xf32>,
      %get3A_141 = arith.index_cast %scan3A_44 : i32 to index
      %get3A_142 = arith.constant 112 : index
      %get3A_143 = tpu.vector_load %arg10[%get3A_141, %get3A_142] {strides = array<i32>} : memref<80x256xf32, #tpu.memory_space<vmem>>, vector<1x16xf32>,
      %get3A_144 = vector.shape_cast %get3A_143 : vector<1x16xf32> to vector<16xf32>
      %get3A_145 = arith.index_cast %scan3A_44 : i32 to index
      %get3A_146 = arith.constant 112 : index
      %get3A_147 = tpu.vector_load %arg11[%get3A_145, %get3A_146] {strides = array<i32>} : memref<80x256xf32, #tpu.memory_space<vmem>>, vector<1x16xf32>,
      %get3A_148 = vector.shape_cast %get3A_147 : vector<1x16xf32> to vector<16xf32>
      %mul3A_149 = arith.mulf %get3A_144, %get3A_148 : vector<16xf32>
      %swap3A_150 = arith.index_cast %scan3A_44 : i32 to index
      %swap3A_151 = arith.constant 112 : index
      %swap3A_152 = tpu.vector_load %arg14[%swap3A_150, %swap3A_151] {strides = array<i32>} : memref<80x192xf32, #tpu.memory_space<vmem>>, vector<1x16xf32>,
      %swap3A_153 = vector.shape_cast %swap3A_152 : vector<1x16xf32> to vector<16xf32>
      %swap3A_154 = vector.shape_cast %mul3A_149 : vector<16xf32> to vector<1x16xf32>
      tpu.vector_store %arg14[%swap3A_150, %swap3A_151], %swap3A_154 {strides = array<i32>} : memref<80x192xf32, #tpu.memory_space<vmem>>, vector<1x16xf32>,
      %get3A_155 = arith.index_cast %scan3A_44 : i32 to index
      %get3A_156 = arith.constant 128 : index
      %get3A_157 = tpu.vector_load %arg10[%get3A_155, %get3A_156] {strides = array<i32>} : memref<80x256xf32, #tpu.memory_space<vmem>>, vector<1x16xf32>,
      %get3A_158 = vector.shape_cast %get3A_157 : vector<1x16xf32> to vector<16xf32>
      %get3A_159 = arith.index_cast %scan3A_44 : i32 to index
      %get3A_160 = arith.constant 128 : index
      %get3A_161 = tpu.vector_load %arg11[%get3A_159, %get3A_160] {strides = array<i32>} : memref<80x256xf32, #tpu.memory_space<vmem>>, vector<1x16xf32>,
      %get3A_162 = vector.shape_cast %get3A_161 : vector<1x16xf32> to vector<16xf32>
      %mul3A_163 = arith.mulf %get3A_158, %get3A_162 : vector<16xf32>
      %swap3A_164 = arith.index_cast %scan3A_44 : i32 to index
      %swap3A_165 = arith.constant 128 : index
      %swap3A_166 = tpu.vector_load %arg14[%swap3A_164, %swap3A_165] {strides = array<i32>} : memref<80x192xf32, #tpu.memory_space<vmem>>, vector<1x16xf32>,
      %swap3A_167 = vector.shape_cast %swap3A_166 : vector<1x16xf32> to vector<16xf32>
      %swap3A_168 = vector.shape_cast %mul3A_163 : vector<16xf32> to vector<1x16xf32>
      tpu.vector_store %arg14[%swap3A_164, %swap3A_165], %swap3A_168 {strides = array<i32>} : memref<80x192xf32, #tpu.memory_space<vmem>>, vector<1x16xf32>,
      %get3A_169 = arith.index_cast %scan3A_44 : i32 to index
      %get3A_170 = arith.constant 144 : index
      %get3A_171 = tpu.vector_load %arg10[%get3A_169, %get3A_170] {strides = array<i32>} : memref<80x256xf32, #tpu.memory_space<vmem>>, vector<1x16xf32>,
      %get3A_172 = vector.shape_cast %get3A_171 : vector<1x16xf32> to vector<16xf32>
      %get3A_173 = arith.index_cast %scan3A_44 : i32 to index
      %get3A_174 = arith.constant 144 : index
      %get3A_175 = tpu.vector_load %arg11[%get3A_173, %get3A_174] {strides = array<i32>} : memref<80x256xf32, #tpu.memory_space<vmem>>, vector<1x16xf32>,
      %get3A_176 = vector.shape_cast %get3A_175 : vector<1x16xf32> to vector<16xf32>
      %mul3A_177 = arith.mulf %get3A_172, %get3A_176 : vector<16xf32>
      %swap3A_178 = arith.index_cast %scan3A_44 : i32 to index
      %swap3A_179 = arith.constant 144 : index
      %swap3A_180 = tpu.vector_load %arg14[%swap3A_178, %swap3A_179] {strides = array<i32>} : memref<80x192xf32, #tpu.memory_space<vmem>>, vector<1x16xf32>,
      %swap3A_181 = vector.shape_cast %swap3A_180 : vector<1x16xf32> to vector<16xf32>
      %swap3A_182 = vector.shape_cast %mul3A_177 : vector<16xf32> to vector<1x16xf32>
      tpu.vector_store %arg14[%swap3A_178, %swap3A_179], %swap3A_182 {strides = array<i32>} : memref<80x192xf32, #tpu.memory_space<vmem>>, vector<1x16xf32>,
      %get3A_183 = arith.index_cast %scan3A_44 : i32 to index
      %get3A_184 = arith.constant 160 : index
      %get3A_185 = tpu.vector_load %arg10[%get3A_183, %get3A_184] {strides = array<i32>} : memref<80x256xf32, #tpu.memory_space<vmem>>, vector<1x16xf32>,
      %get3A_186 = vector.shape_cast %get3A_185 : vector<1x16xf32> to vector<16xf32>
      %get3A_187 = arith.index_cast %scan3A_44 : i32 to index
      %get3A_188 = arith.constant 160 : index
      %get3A_189 = tpu.vector_load %arg11[%get3A_187, %get3A_188] {strides = array<i32>} : memref<80x256xf32, #tpu.memory_space<vmem>>, vector<1x16xf32>,
      %get3A_190 = vector.shape_cast %get3A_189 : vector<1x16xf32> to vector<16xf32>
      %mul3A_191 = arith.mulf %get3A_186, %get3A_190 : vector<16xf32>
      %swap3A_192 = arith.index_cast %scan3A_44 : i32 to index
      %swap3A_193 = arith.constant 160 : index
      %swap3A_194 = tpu.vector_load %arg14[%swap3A_192, %swap3A_193] {strides = array<i32>} : memref<80x192xf32, #tpu.memory_space<vmem>>, vector<1x16xf32>,
      %swap3A_195 = vector.shape_cast %swap3A_194 : vector<1x16xf32> to vector<16xf32>
      %swap3A_196 = vector.shape_cast %mul3A_191 : vector<16xf32> to vector<1x16xf32>
      tpu.vector_store %arg14[%swap3A_192, %swap3A_193], %swap3A_196 {strides = array<i32>} : memref<80x192xf32, #tpu.memory_space<vmem>>, vector<1x16xf32>,
      %get3A_197 = arith.index_cast %scan3A_44 : i32 to index
      %get3A_198 = arith.constant 176 : index
      %get3A_199 = tpu.vector_load %arg10[%get3A_197, %get3A_198] {strides = array<i32>} : memref<80x256xf32, #tpu.memory_space<vmem>>, vector<1x16xf32>,
      %get3A_200 = vector.shape_cast %get3A_199 : vector<1x16xf32> to vector<16xf32>
      %get3A_201 = arith.index_cast %scan3A_44 : i32 to index
      %get3A_202 = arith.constant 176 : index
      %get3A_203 = tpu.vector_load %arg11[%get3A_201, %get3A_202] {strides = array<i32>} : memref<80x256xf32, #tpu.memory_space<vmem>>, vector<1x16xf32>,
      %get3A_204 = vector.shape_cast %get3A_203 : vector<1x16xf32> to vector<16xf32>
      %mul3A_205 = arith.mulf %get3A_200, %get3A_204 : vector<16xf32>
      %swap3A_206 = arith.index_cast %scan3A_44 : i32 to index
      %swap3A_207 = arith.constant 176 : index
      %swap3A_208 = tpu.vector_load %arg14[%swap3A_206, %swap3A_207] {strides = array<i32>} : memref<80x192xf32, #tpu.memory_space<vmem>>, vector<1x16xf32>,
      %swap3A_209 = vector.shape_cast %swap3A_208 : vector<1x16xf32> to vector<16xf32>
      %swap3A_210 = vector.shape_cast %mul3A_205 : vector<16xf32> to vector<1x16xf32>
      tpu.vector_store %arg14[%swap3A_206, %swap3A_207], %swap3A_210 {strides = array<i32>} : memref<80x192xf32, #tpu.memory_space<vmem>>, vector<1x16xf32>,
    }
    %scan3A_29 = arith.constant 80 : i32
    %add3A_30 = arith.constant 9920 : i32
    %add3A_31 = arith.addi %mul3A_2, %add3A_30 : i32
    %dma_start3A_32 = arith.constant 0 : i32
    %dma_start3A_33 = tpu.memref_slice %arg5[%add3A_31, %dma_start3A_32] : memref<320000x192xf32, #tpu.memory_space<hbm>> -> memref<80x192xf32, #tpu.memory_space<hbm>>
    %dma_start3A_34 = arith.constant 0 : i32
    %dma_start3A_35 = tpu.memref_slice %arg5[%add3A_31, %dma_start3A_34] : memref<320000x192xf32, #tpu.memory_space<hbm>> -> memref<80x192xf32, #tpu.memory_space<hbm>>
    tpu.enqueue_dma source(%arg14 : memref<80x192xf32, #tpu.memory_space<vmem>>) target(%dma_start3A_35 : memref<80x192xf32, #tpu.memory_space<hbm>>) target_semaphore(%arg18 : memref<!tpu.dma_semaphore, #tpu.memory_space<semaphore_mem>>)
    %dma_wait3A_36 = arith.constant 0 : i32
    %dma_wait3A_37 = tpu.memref_slice %arg5[%mul3A_2, %dma_wait3A_36] : memref<320000x192xf32, #tpu.memory_space<hbm>> -> memref<80x192xf32, #tpu.memory_space<hbm>>
    %dma_wait3A_38 = arith.constant 0 : i32
    %dma_wait3A_39 = tpu.memref_slice %arg5[%mul3A_2, %dma_wait3A_38] : memref<320000x192xf32, #tpu.memory_space<hbm>> -> memref<80x192xf32, #tpu.memory_space<hbm>>
    tpu.wait_dma2 semaphore(%arg19 : memref<!tpu.dma_semaphore, #tpu.memory_space<semaphore_mem>>) src(%arg15 : memref<80x192xf32, #tpu.memory_space<vmem>>) dst(%dma_wait3A_39 : memref<80x192xf32, #tpu.memory_space<hbm>>)
    %dma_wait3A_40 = arith.constant 0 : i32
    %dma_wait3A_41 = tpu.memref_slice %arg5[%mul3A_2, %dma_wait3A_40] : memref<320000x192xf32, #tpu.memory_space<hbm>> -> memref<80x192xf32, #tpu.memory_space<hbm>>
    %dma_wait3A_42 = arith.constant 0 : i32
    %dma_wait3A_43 = tpu.memref_slice %arg5[%mul3A_2, %dma_wait3A_42] : memref<320000x192xf32, #tpu.memory_space<hbm>> -> memref<80x192xf32, #tpu.memory_space<hbm>>
    tpu.wait_dma2 semaphore(%arg18 : memref<!tpu.dma_semaphore, #tpu.memory_space<semaphore_mem>>) src(%arg14 : memref<80x192xf32, #tpu.memory_space<vmem>>) dst(%dma_wait3A_43 : memref<80x192xf32, #tpu.memory_space<hbm>>)
    return
  }
}

module attributes {stable_mosaic.version = 14 : i64} {
  func.func @_gate_body(%arg0: i32, %arg1: memref<512x192xf32, #tpu.memory_space<vmem>>, %arg2: memref<192x192xf32, #tpu.memory_space<vmem>>, %arg3: memref<1x192xf32, #tpu.memory_space<vmem>>, %arg4: memref<1x1xf32, #tpu.memory_space<vmem>>, %arg5: memref<1x192xf32, #tpu.memory_space<vmem>>, %arg6: memref<1x1xf32, #tpu.memory_space<vmem>>, %arg7: memref<1x512xf32, #tpu.memory_space<vmem>>, %arg8: memref<512x16xf32, #tpu.memory_space<vmem>>) attributes {dimension_semantics = [#tpu.dimension_semantics<arbitrary>], iteration_bounds = array<i64: 625>, scalar_prefetch = 0 : i64, scratch_operands = 0 : i64, tpu.core_type = #tpu.core_type<tc>, window_params = [{transform_indices = @transform_0, window_bounds = array<i64: 512, 192>}, {pipeline_mode = #tpu.pipeline_mode<synchronous>, transform_indices = @transform_1, window_bounds = array<i64: 192, 192>}, {pipeline_mode = #tpu.pipeline_mode<synchronous>, transform_indices = @transform_2, window_bounds = array<i64: 1, 192>}, {pipeline_mode = #tpu.pipeline_mode<synchronous>, transform_indices = @transform_3, window_bounds = array<i64: 1, 1>}, {pipeline_mode = #tpu.pipeline_mode<synchronous>, transform_indices = @transform_4, window_bounds = array<i64: 1, 192>}, {pipeline_mode = #tpu.pipeline_mode<synchronous>, transform_indices = @transform_5, window_bounds = array<i64: 1, 1>}, {transform_indices = @transform_6, window_bounds = array<i64: 1, 512>}, {transform_indices = @transform_7, window_bounds = array<i64: 512, 16>}]} {
    %get3A = arith.constant 0 : index
    %get3A_0 = arith.constant 0 : index
    %get3A_1 = vector.load %arg1[%get3A, %get3A_0] : memref<512x192xf32, #tpu.memory_space<vmem>>, vector<512x192xf32>
    %get3A_2 = arith.constant 0 : index
    %get3A_3 = arith.constant 0 : index
    %get3A_4 = vector.load %arg2[%get3A_2, %get3A_3] : memref<192x192xf32, #tpu.memory_space<vmem>>, vector<192x192xf32>
    %dot_general3A = arith.constant dense<0.000000e+00> : vector<512x192xf32>
    %dot_general3A_5 = tpu.matmul %get3A_1, %get3A_4, %dot_general3A {dimension_numbers = #tpu.dot_dimension_numbers<[1], [0], [0], [1], [0, 0, 1, 1], [], []>, transpose_lhs_hint = false} : vector<512x192xf32>, vector<192x192xf32>, vector<512x192xf32> -> vector<512x192xf32>
    %get3A_6 = arith.constant 0 : index
    %get3A_7 = arith.constant 0 : index
    %get3A_8 = vector.load %arg3[%get3A_6, %get3A_7] : memref<1x192xf32, #tpu.memory_space<vmem>>, vector<1x192xf32>
    %add3A = vector.broadcast %get3A_8 : vector<1x192xf32> to vector<512x192xf32>
    %add3A_9 = arith.addf %dot_general3A_5, %add3A : vector<512x192xf32>
    %get3A_10 = arith.constant 0 : index
    %get3A_11 = arith.constant 0 : index
    %get3A_12 = vector.load %arg4[%get3A_10, %get3A_11] : memref<1x1xf32, #tpu.memory_space<vmem>>, vector<1x1xf32>
    %get3A_13 = vector.extract %get3A_12[0, 0] : f32 from vector<1x1xf32>
    %ge3A = arith.constant 0.000000e+00 : f32
    %ge3A_14 = vector.broadcast %ge3A : f32 to vector<512x192xf32>
    %ge3A_15 = arith.cmpf oge, %add3A_9, %ge3A_14 : vector<512x192xf32>
    %mul3A = vector.broadcast %get3A_13 : f32 to vector<512x192xf32>
    %mul3A_16 = arith.mulf %mul3A, %add3A_9 : vector<512x192xf32>
    %select_n3A = arith.select %ge3A_15, %add3A_9, %mul3A_16 : vector<512x192xi1>, vector<512x192xf32>
    %get3A_17 = arith.constant 0 : index
    %get3A_18 = arith.constant 0 : index
    %get3A_19 = vector.load %arg5[%get3A_17, %get3A_18] : memref<1x192xf32, #tpu.memory_space<vmem>>, vector<1x192xf32>
    %dot_general3A_20 = arith.constant dense<0.000000e+00> : vector<1x512xf32>
    %dot_general3A_21 = tpu.matmul %get3A_19, %select_n3A, %dot_general3A_20 {dimension_numbers = #tpu.dot_dimension_numbers<[1], [1], [0], [0], [0, 0, 1, 0], [], []>, transpose_lhs_hint = false} : vector<1x192xf32>, vector<512x192xf32>, vector<1x512xf32> -> vector<1x512xf32>
    %get3A_22 = arith.constant 0 : index
    %get3A_23 = arith.constant 0 : index
    %get3A_24 = vector.load %arg6[%get3A_22, %get3A_23] : memref<1x1xf32, #tpu.memory_space<vmem>>, vector<1x1xf32>
    %get3A_25 = vector.extract %get3A_24[0, 0] : f32 from vector<1x1xf32>
    %add3A_26 = vector.broadcast %get3A_25 : f32 to vector<1x512xf32>
    %add3A_27 = arith.addf %dot_general3A_21, %add3A_26 : vector<1x512xf32>
    %tanh3A = math.tanh %add3A_27 : vector<1x512xf32>
    %swap3A = arith.constant 0 : index
    %swap3A_28 = arith.constant 0 : index
    %swap3A_29 = vector.load %arg7[%swap3A, %swap3A_28] : memref<1x512xf32, #tpu.memory_space<vmem>>, vector<1x512xf32>
    tpu.vector_store %arg7[%swap3A, %swap3A_28], %tanh3A {strides = array<i32>} : memref<1x512xf32, #tpu.memory_space<vmem>>, vector<1x512xf32>,
    %reshape3A = vector.shape_cast %tanh3A : vector<1x512xf32> to vector<512x1xf32>
    %broadcast_in_dim3A = vector.shape_cast %reshape3A : vector<512x1xf32> to vector<512x1xf32>
    %broadcast_in_dim3A_30 = vector.broadcast %broadcast_in_dim3A : vector<512x1xf32> to vector<512x16xf32>
    %swap3A_31 = arith.constant 0 : index
    %swap3A_32 = arith.constant 0 : index
    %swap3A_33 = vector.load %arg8[%swap3A_31, %swap3A_32] : memref<512x16xf32, #tpu.memory_space<vmem>>, vector<512x16xf32>
    tpu.vector_store %arg8[%swap3A_31, %swap3A_32], %broadcast_in_dim3A_30 {strides = array<i32>} : memref<512x16xf32, #tpu.memory_space<vmem>>, vector<512x16xf32>,
    return
  }
  func.func @transform_0(%arg0: i32) -> (i32, i32) {
    %c0_i32 = arith.constant 0 : i32
    %c0_i32_0 = arith.constant 0 : i32
    return %arg0, %c0_i32 : i32, i32
  }
  func.func @transform_1(%arg0: i32) -> (i32, i32) {
    %c0_i32 = arith.constant 0 : i32
    %c0_i32_0 = arith.constant 0 : i32
    %c0_i32_1 = arith.constant 0 : i32
    return %c0_i32, %c0_i32_0 : i32, i32
  }
  func.func @transform_2(%arg0: i32) -> (i32, i32) {
    %c0_i32 = arith.constant 0 : i32
    %c0_i32_0 = arith.constant 0 : i32
    %c0_i32_1 = arith.constant 0 : i32
    return %c0_i32, %c0_i32_0 : i32, i32
  }
  func.func @transform_3(%arg0: i32) -> (i32, i32) {
    %c0_i32 = arith.constant 0 : i32
    %c0_i32_0 = arith.constant 0 : i32
    %c0_i32_1 = arith.constant 0 : i32
    return %c0_i32, %c0_i32_0 : i32, i32
  }
  func.func @transform_4(%arg0: i32) -> (i32, i32) {
    %c0_i32 = arith.constant 0 : i32
    %c0_i32_0 = arith.constant 0 : i32
    %c0_i32_1 = arith.constant 0 : i32
    return %c0_i32, %c0_i32_0 : i32, i32
  }
  func.func @transform_5(%arg0: i32) -> (i32, i32) {
    %c0_i32 = arith.constant 0 : i32
    %c0_i32_0 = arith.constant 0 : i32
    %c0_i32_1 = arith.constant 0 : i32
    return %c0_i32, %c0_i32_0 : i32, i32
  }
  func.func @transform_6(%arg0: i32) -> (i32, i32) {
    %c0_i32 = arith.constant 0 : i32
    %c0_i32_0 = arith.constant 0 : i32
    return %c0_i32, %arg0 : i32, i32
  }
  func.func @transform_7(%arg0: i32) -> (i32, i32) {
    %c0_i32 = arith.constant 0 : i32
    %c0_i32_0 = arith.constant 0 : i32
    return %arg0, %c0_i32 : i32, i32
  }
}

</mosaic_0001>

<sc_bundles>
// kernel: kernel.5.cloned.1.call-start
scs
__scs_entry_jumppad:
0x0: {  	(pc) =	sbr.rel $0x88, $3  }
0x1: {  	(tag) =	ssettag $0x0;
	lr =	simm.s32 $0x1  }
0x2: {  	[smem:$0x3F9A] =	sst lr;
	_ =	strace $0xD0000000  }
0x3: {  	_ = 	snop  }
0x4: {  	_ = 	snop  }
0x5: {  	_ = 	snop  }
0x6: {  	_ = 	snop  }
0x7: {  	_ = 	snop  }
__scs_overlays_trampoline_lowered:
0x8: {  	[smem:$0x3FA9] =	sst s0  }
0x9: {  	[smem:$0x3FAA] =	sst s1  }
0xa: {  	[smem:$0x3FAB] =	sst s2  }
0xb: {  	[smem:$0x3FAC] =	sst s3  }
0xc: {  	[smem:$0x3FAD] =	sst s4  }
0xd: {  	[smem:$0x3FAE] =	sst s5  }
0xe: {  	[smem:$0x3FAF] =	sst s6  }
0xf: {  	[smem:$0x3FB0] =	sst s7  }
0x10: {  	[smem:$0x3FB1] =	sst s8  }
0x11: {  	[smem:$0x3FB2] =	sst s9;
	s0 =	simm.s32 @!p0 $0x0  }
0x12: {  	s1 =	sld [smem:$0x3F98];
	s0 =	simm.s32 @p0 $0x1  }
0x13: {  	[smem:$0x3FB3] =	sst s0;
	s0 =	simm.s32 @!p1 $0x0  }
0x14: {  	s2 =	sld [smem:$0x3F97];
	s0 =	simm.s32 @p1 $0x1  }
0x15: {  	[smem:$0x3FB4] =	sst s0;
	s0 =	simm.s32 @!p2 $0x0  }
0x16: {  	s3 =	sld [smem:$0x3FDB];
	s0 =	simm.s32 @p2 $0x1  }
0x17: {  	s4 =	simm.s32 $0x1BF5;
	[smem:$0x3FB6] =	sst s0  }
0x18: {  	s0 =	sld [smem:$0x3F99];
	_ =	swait.ge [sflag:s4], $0x0  }
0x19: {  	s7 =	sld [smem:$0x3F9A]  }
0x1a: {  	s8 =	sadd.s32 $0xFFFFE003, lr  }
0x1b: {  	s9 =	sadd.s32 $0xFFFFFEF7, lr;
	s5 =	simm.s32 $0xFFFFFFFF;
	p2 =	slt.u32 s8, $0xFFFFF086  }
0x1c: {  	p1 =	slt.u32 s9, $0xF7A;
	s5 =	simm.s32 @!p2 $0x0  }
0x1d: {  	s5 =	simm.s32 @p1 $0x1;
	p0 =	seq.s32 s7, s2  }
0x1e: {  	s7 =	smul.u32 @!p0 $0xF7A, s2;
	p2 =	seq.s32 @!p0 s5, $0x0  }
0x1f: {  	s9 =	smul.u32 $0xF7A, s1;
	s8 =	simm.s32 @!p0 $0x1BF5;
	p2 =	por !p2, p0  }
0x20: {  	[sflag:s8] =	ssyncset.s32 @!p0 $0xFFFFF086;
	s6 =	sadd.s32 @!p0 s3, s7;
	s7 =	simm.s32 @!p0 $0x108  }
0x21: {  	s3 =	sadd.s32 s3, s9;
	s6 =	sadd.s32 @!p0 $0x88, s6;
	s7 =	simm.s32 @p2 $0x1082  }
0x22: {  	[simem:s7], [sflag:s8] =	dma.local @!p0 [hbm:s6], $0xF7A  }
0x23: {  	s9 =	sor.u32 $0xD0000000, s2;
	s6 =	simm.s32 $0x108;
	_ =	swait.ge @!p0 [sflag:s8], $0x0  }
0x24: {  	s3 =	sadd.s32 $0x88, s3;
	s6 =	simm.s32 @!p1 $0x1082;
	[sflag:s4] =	ssyncset.s32 $0xFFFFF086  }
0x25: {  	[simem:s6], [sflag:s4] =	dma.local [hbm:s3], $0xF7A  }
0x26: {  	[smem:$0x3F9A] =	sst s1;
	(tag) =	ssettag s2;
	_ =	strace s9  }
0x27: {  	s1 =	sld [smem:$0x3FAA]  }
0x28: {  	s2 =	sld [smem:$0x3FAB]  }
0x29: {  	s4 =	sld [smem:$0x3FAD]  }
0x2a: {  	p0 =	seq.s32 s5, $0x0;
	s5 =	sld [smem:$0x3FAE]  }
0x2b: {  	s6 =	sld [smem:$0x3FAF]  }
0x2c: {  	s7 =	sld [smem:$0x3FB0]  }
0x2d: {  	s3 =	simm.s32 $0x108;
	s8 =	sld [smem:$0x3FB1]  }
0x2e: {  	s3 =	simm.s32 @!p0 $0x1082;
	s9 =	sld [smem:$0x3FB2]  }
0x2f: {  	lr =	sadd.s32 s0, s3;
	s0 =	sld [smem:$0x3FA9]  }
0x30: {  	s3 =	sld [smem:$0x3FAC]  }
0x31: {  	[smem:$0x3FB5] =	sst s10  }
0x32: {  	s10 =	sld [smem:$0x3FB3];
	_ =	sdelay $0x3  }
0x33: {  	p0 =	seq.s32 s10, $0x1;
	s10 =	sld [smem:$0x3FB5];
	_ =	sdelay $0x3  }
0x34: {  	[smem:$0x3FB5] =	sst s10  }
0x35: {  	s10 =	sld [smem:$0x3FB4];
	_ =	sdelay $0x3  }
0x36: {  	p1 =	seq.s32 s10, $0x1;
	s10 =	sld [smem:$0x3FB5];
	_ =	sdelay $0x3  }
0x37: {  	[smem:$0x3FB5] =	sst s10  }
0x38: {  	s10 =	sld [smem:$0x3FB6]  }
0x39: {  	_ = 	snop;
	(pc) =	sbr.ind lr, $3  }
0x3a: {  	_ = 	snop  }
0x3b: {  	_ = 	snop  }
0x3c: {  	p2 =	seq.s32 s10, $0x1;
	s10 =	sld [smem:$0x3FB5]  }
0x3d: {  	_ =	shalt  }
0x3e: {  	_ =	shalt  }
0x3f: {  	_ =	shalt  }
0x40: {  	_ =	shalt  }
0x41: {  	_ =	shalt  }
0x42: {  	_ =	shalt  }
0x43: {  	_ =	shalt  }
0x44: {  	_ =	shalt  }
0x45: {  	_ =	shalt  }
0x46: {  	_ =	shalt  }
0x47: {  	_ =	shalt  }
0x48: {  	_ =	shalt  }
0x49: {  	_ =	shalt  }
0x4a: {  	_ =	shalt  }
0x4b: {  	_ =	shalt  }
0x4c: {  	_ =	shalt  }
0x4d: {  	_ =	shalt  }
0x4e: {  	_ =	shalt  }
0x4f: {  	_ =	shalt  }
0x50: {  	_ =	shalt  }
0x51: {  	_ =	shalt  }
0x52: {  	_ =	shalt  }
0x53: {  	_ =	shalt  }
0x54: {  	_ =	shalt  }
0x55: {  	_ =	shalt  }
0x56: {  	_ =	shalt  }
0x57: {  	_ =	shalt  }
0x58: {  	_ =	shalt  }
0x59: {  	_ =	shalt  }
0x5a: {  	_ =	shalt  }
0x5b: {  	_ =	shalt  }
0x5c: {  	_ =	shalt  }
0x5d: {  	_ =	shalt  }
0x5e: {  	_ =	shalt  }
0x5f: {  	_ =	shalt  }
0x60: {  	_ =	shalt  }
0x61: {  	_ =	shalt  }
0x62: {  	_ =	shalt  }
0x63: {  	_ =	shalt  }
0x64: {  	_ =	shalt  }
0x65: {  	_ =	shalt  }
0x66: {  	_ =	shalt  }
0x67: {  	_ =	shalt  }
0x68: {  	_ =	shalt  }
0x69: {  	_ =	shalt  }
0x6a: {  	_ =	shalt  }
0x6b: {  	_ =	shalt  }
0x6c: {  	_ =	shalt  }
0x6d: {  	_ =	shalt  }
0x6e: {  	_ =	shalt  }
0x6f: {  	_ =	shalt  }
0x70: {  	_ =	shalt  }
0x71: {  	_ =	shalt  }
0x72: {  	_ =	shalt  }
0x73: {  	_ =	shalt  }
0x74: {  	_ =	shalt  }
0x75: {  	_ =	shalt  }
0x76: {  	_ =	shalt  }
0x77: {  	_ =	shalt  }
0x78: {  	_ =	shalt  }
0x79: {  	_ =	shalt  }
0x7a: {  	_ =	shalt  }
0x7b: {  	_ =	shalt  }
0x7c: {  	_ =	shalt  }
0x7d: {  	_ =	shalt  }
0x7e: {  	_ =	shalt  }
0x7f: {  	_ =	shalt  }
0x80: {  	_ =	shalt  }
0x81: {  	_ =	shalt  }
0x82: {  	_ =	shalt  }
0x83: {  	_ =	shalt  }
0x84: {  	_ =	shalt  }
0x85: {  	_ =	shalt  }
0x86: {  	_ =	shalt  }
0x87: {  	_ =	shalt  }
.Lfunc_end0:
.L_simem_size_0:
called_computation_lowered:
.L_overlay_start_0:
0x88: {  	s2 =	sld [smem:$0x3FD9]  }
0x89: {  	s3 =	sld [smem:$0x3FFE];
	_ =	sdelay $0x1  }
0x8a: {  	s1 =	srdreg.scid  }
0x8b: {  	s0 =	sand.u32 $0x1, s1  }
0x8c: {  	s14 =	sshll.u32 s0, $0xA;
	s2 =	sadd.s32 s3, s2  }
0x8d: {  	s2 =	sadd.s32 s2, s14  }
0x8e: {  	[smem:$0x3FC1] =	sst s2  }
0x8f: {  	_ = 	snop  }
0x90: {  	s2 =	sld [smem:$0x3FD0];
	_ =	sdelay $0x2  }
0x91: {  	s15 =	simm.s32 $0xA;
	s4 =	simm.s32 $0x10  }
0x92: {  	[smem:s4], [sflag:s15] =	dma.local [hbm:s2], $0x1  }
0x93: {  	_ =	swait.eq [sflag:s15], $0x1  }
0x94: {  	[sflag:s15] =	ssyncset.done $0x0  }
0x95: {  	[sflag:s15] =	ssyncadd.s32 $0xFFFFFFFF  }
0x96: {  	s16 =	sld [smem:$0x10];
	(tm) =	ssettm $0x1  }
0x97: {  	s17 =	sld [smem:$0x3FFB];
	_ =	sdelay $0x3  }
0x98: {  	_ =	strace s17  }
0x99: {  	s3 =	sld [smem:$0x3FFC];
	_ =	sdelay $0x3  }
0x9a: {  	_ =	strace s3  }
0x9b: {  	s3 =	sld [smem:$0x3FFD];
	_ =	sdelay $0x3  }
0x9c: {  	_ =	strace s3  }
0x9d: {  	_ =	strace $0x8FFFFFFF  }
0x9e: {  	s18 =	sld [smem:$0x3FDB];
	_ =	sdelay $0x1  }
0x9f: {  	s19 =	simm.s32 $_scs_section_size  }
0xa0: {  	s5 =	simm.s32 $_size__tile_overlayer_lowered;
	s6 =	simm.s32 $_tile_overlayer_lowered  }
0xa1: {  	s22 =	simm.s32 $0x1BFF;
	s21 =	sshll.u32 s6, $0x1;
	s3 =	sadd.s32 s19, s18  }
0xa2: {  	s7 =	simm.s32 $0x0;
	s20 =	sshll.u32 s5, $0x1;
	s5 =	sadd.s32 s21, s3  }
0xa3: {  	[timem:s7], [sflag:s22] =	dma.local [hbm:s5], s20  }
0xa4: {  	_ =	swait.ge [sflag:s22], s20  }
0xa5: {  	s4 =	ssub.s32 $0x0, s20;
	[sflag:s22] =	ssyncset.done $0x0  }
0xa6: {  	[sflag:s22] =	ssyncadd.s32 s4;
	_ =	sdelay $0x1  }
0xa7: {  	s23 =	simm.s32 $0x1B8B  }
0xa8: {  	_ =	swait.ge [sflag:s23], $0x1  }
0xa9: {  	[sflag:s23] =	ssyncset.done $0x0  }
0xaa: {  	s25 =	simm.s32 $0x1B8E;
	s24 =	sld [smem:$0x3FFE];
	[sflag:s23] =	ssyncadd.s32 $0xFFFFFFFF  }
0xab: {  	s26 =	simm.s32 $execute0_lowered;
	[smem:$0x3FD2] =	sst s25  }
0xac: {  	s5 =	sshll.u32 s26, $0x1;
	_ =	strace $0x80000046;
	[dreg:$0x1] =	wrdreg $0xFFFFFFFF  }
0xad: {  	s28 =	simm.s32 $_size_execute0_lowered;
	s3 =	sadd.s32 s3, s5;
	[dreg:$0x0] =	wrdreg $0x0  }
0xae: {  	s5 =	sshll.u32 s28, $0x1;
	[dreg:$0x2] =	wrdreg s3  }
0xaf: {  	[dreg:$0x3] =	wrdreg s5  }
0xb0: {  	[dreg:$0x4] =	wrdreg $0xC0  }
0xb1: {  	_ =	task [dreg:s7], $0x5FFFF  }
0xb2: {  	[dreg:$0x1] =	wrdreg $0xFFFFFFFF  }
0xb3: {  	[dreg:$0x0] =	wrdreg $0x60  }
0xb4: {  	[dreg:$0x2] =	wrdreg s24  }
0xb5: {  	[dreg:$0x3] =	wrdreg s16  }
0xb6: {  	[dreg:$0x4] =	wrdreg $0x9  }
0xb7: {  	_ =	task.clear_ibuf [dreg:s7], $0x5FFFF;
	_ =	strace $0x90000046  }
0xb8: {  	s29 =	simm.s32 $0x9;
	_ =	strace $0x80000048  }
0xb9: {  	_ =	swait.ge [sflag:s29], $0x1  }
0xba: {  	[sflag:s29] =	ssyncadd.s32 $0xFFFFFFFF  }
0xbb: {  	_ =	strace $0x90000048  }
0xbc: {  	_ =	sfence  }
0xbd: {  	s30 =	sld [smem:$0x0];
	_ =	sdelay $0x2  }
0xbe: {  	s31 =	sshll.u32 s1, $0xD;
	s1 =	sshrl.u32 s1, $0x2  }
0xbf: {  	s3 =	sand.u32 $0x4000, s31;
	s1 =	sadd.s32 s1, s30  }
0xc0: {  	s0 =	sor.u32 s3, s0;
	s1 =	sshll.u32 s1, $0x11  }
0xc1: {  	s0 =	sor.u32 s1, s0  }
0xc2: {  	s0 =	sadd.s32 $0x8F2B, s0  }
0xc3: {  	[sflag:s0] =	ssyncadd.remote.s32 $0x1  }
0xc4: {  	_ =	sfence.sel $0xFFFF  }
0xc5: {  	[dreg:$0x0] =	wrdreg $0xFFFFFFFF;
	(pc) =	sbr.abs _section_cstart, $3  }
0xc6: {  	[dreg:$0x1] =	wrdreg $0xFFFFFFFF  }
0xc7: {  	_ =	task.clear_ibuf [dreg:s7], $0x2FFFF;
	_ =	strace $0x9FFFFFFF  }
0xc8: {  	(tm) =	ssettm $0x7FFFFFFF  }
0xc9: {  	_ =	shalt  }
tec
execute0_lowered:
.L_overlay_start_1:
0x0: {  	(tag) =	ssettag $0x1  }
0x1: {  	s0 =	rddreg [dreg:$0x0]  }
0x2: {  	s2 =	rddreg [dreg:$0x1]  }
0x3: {  	s1 =	srdreg.scid;
	s4 =	stileid.u32;
	s3 =	simm.s32 $0x0  }
0x4: {  	s14 =	simm.s32 $0x5;
	s28 =	simm.s32 $0x5A00;
	s29 =	simm.s32 $0x6200  }
0x5: {  	s30 =	simm.s32 $0x6A00;
	s31 =	simm.s32 $0x7200;
	s12 =	simm.s32 $0x9A00  }
0x6: {  	s19 =	simm.s32 $0x13A00;
	s15 =	simm.s32 $0x1;
	s20 =	simm.s32 $0x14200  }
0x7: {  	s17 =	simm.s32 $0x2;
	s1 =	sand.u32 $0x1, s1;
	s4 =	sshll.u32 s4, $0x1  }
0x8: {  	s21 =	simm.s32 $0x19200;
	s16 =	simm.s32 $0x0;
	s7 =	sor.u32 s1, s4  }
0x9: {  	[smem:$0x7FF] =	sst s3;
	s6 =	sadd.s32 $0xAC00, s0;
	s5 =	smul.u32 $0x2710, s7  }
0xa: {  	_ =	strace $0x80000047;
	s1 =	ssub.s32 $0x2, s1;
	s8 =	smul.u32 $0x271000, s7  }
0xb: {  	s4 =	sadd.s32 $0xE00, s0;
	s7 =	sadd.s32 $0x58E00, s0;
	s23 =	sshrl.u32 s1, $0x1  }
0xc: {  	s0 =	ssub.s32 s1, s23;
	s9 =	sshrl.u32 s5, $0x3;
	s25 =	sshrl.u32 s8, $0x3  }
0xd: {  	s10 =	sadd.s32 $0x50, s5;
	s11 =	sadd.s32 $0xA0, s5;
	s0 =	smax.u32 s0, $0x1  }
0xe: {  	s8 =	simm.s32 $0x8A00;
	s24 =	sadd.s32 s4, s9;
	[dreg:$0x6] =	wrdreg s0  }
0xf: {  	v2 =	vlaneseq.u32;
	s26 =	sadd.s32 s2, s9;
	s1 =	sadd.s32 s7, s25;
	[dreg:$0x3] =	wrdreg s24  }
0x10: {  	vm0 =	vmmov $0xffff;
	v1 =	vshrl.u32 v2, $0x3;
	s0 =	simm.s32 $0x7A00;
	[dreg:$0x4] =	wrdreg s26;
	s1 =	sadd.s32 $0x4D800, s1  }
0x11: {  	v0 =	vand.u32 $0x7, v2;
	v2 =	vor.u32 $0x8, v2;
	v1 =	vmul.u32 $0x8, v1;
	s9 =	simm.s32 $0x9200;
	[dreg:$0x5] =	wrdreg s1;
	s1 =	simm.s32 $0x8200  }
.LBB2_1:
0x12: {  	[dreg:$0x7] =	wrdreg s16  }
0x13: {  	s13 =	rddreg [dreg:$0x3]  }
0x14: {  	[tilespmem:s3], [sflag:$0x5] =	stream.linear.gather [hbm4b:s13+s3], $0x50, $0x38;
	[tilespmem:$0x1E200] =	vst v63  }
0x15: {  	_ =	swait.ge [sflag:s14], $0x50  }
0x16: {  	[sflag:s14] =	ssyncset.done $0x0  }
0x17: {  	s22 =	simm.s32 $0x80;
	s18 =	rddreg [dreg:$0x4];
	[sflag:s14] =	ssyncadd.s32 $0xFFFFFFB0  }
0x18: {  	[tilespmem:s22], [sflag:$0x5] =	stream.linear.gather [hbm4b:s18+s3], $0x50, $0x38;
	[tilespmem:$0x1E200] =	vst v63  }
0x19: {  	_ =	swait.ge [sflag:s14], $0x50  }
0x1a: {  	[sflag:s14] =	ssyncset.done $0x0  }
0x1b: {  	[sflag:s14] =	ssyncadd.s32 $0xFFFFFFB0  }
0x1c: {  	v3 =	vld [tilespmem:$0x0];
	_ =	sdelay $0x4  }
0x1d: {  	v4 =	vshll.u32 v3, $0x1  }
0x1e: {  	v3 =	vand.u32 $0x7, v3;
	v4 =	vand.u32 $0xFFFFFFF0, v4  }
0x1f: {  	v3 =	vor.u32 v3, v4  }
0x20: {  	v4 =	vperm.xlane v3, v0;
	_ =	sdelay $0x1  }
0x21: {  	v3 =	vperm.xlane v3, v2;
	v4 =	vadd.s32 v1, v4;
	_ =	sdelay $0x1  }
0x22: {  	v3 =	vadd.s32 v1, v3;
	_ =	sdelay $0x1  }
0x23: {  	s23 =	simm.s32 $0x200  }
0x24: {  	[tilespmem:s23], [sflag:$0x1] =	stream.indirect_vreg.gather [hbm4b:s6+s3], $0x80, v4, vm0, $0xb8;
	[tilespmem:$0x1E200] =	vst v63  }
0x25: {  	s24 =	simm.s32 $0xA00  }
0x26: {  	[tilespmem:s24], [sflag:$0x1] =	stream.indirect_vreg.gather [hbm4b:s6+s3], $0x80, v3, vm0, $0xb8;
	[tilespmem:$0x1E200] =	vst v63  }
0x27: {  	v3 =	vld [tilespmem:$0x10];
	_ =	sdelay $0x4  }
0x28: {  	v55 =	vshll.u32 v3, $0x1  }
0x29: {  	v3 =	vand.u32 $0x7, v3;
	v4 =	vand.u32 $0xFFFFFFF0, v55  }
0x2a: {  	v3 =	vor.u32 v3, v4  }
0x2b: {  	v4 =	vperm.xlane v3, v0;
	_ =	sdelay $0x1  }
0x2c: {  	v3 =	vperm.xlane v3, v2;
	v4 =	vadd.s32 v1, v4;
	_ =	sdelay $0x1  }
0x2d: {  	v3 =	vadd.s32 v1, v3;
	_ =	sdelay $0x1  }
0x2e: {  	s25 =	simm.s32 $0x1200  }
0x2f: {  	[tilespmem:s25], [sflag:$0x1] =	stream.indirect_vreg.gather [hbm4b:s6+s3], $0x80, v4, vm0, $0xb8;
	[tilespmem:$0x1E200] =	vst v63  }
0x30: {  	s26 =	simm.s32 $0x1A00  }
0x31: {  	[tilespmem:s26], [sflag:$0x1] =	stream.indirect_vreg.gather [hbm4b:s6+s3], $0x80, v3, vm0, $0xb8;
	[tilespmem:$0x1E200] =	vst v63  }
0x32: {  	v3 =	vld [tilespmem:$0x20];
	_ =	sdelay $0x4  }
0x33: {  	v56 =	vshll.u32 v3, $0x1  }
0x34: {  	v3 =	vand.u32 $0x7, v3;
	v4 =	vand.u32 $0xFFFFFFF0, v56  }
0x35: {  	v3 =	vor.u32 v3, v4  }
0x36: {  	v4 =	vperm.xlane v3, v0;
	_ =	sdelay $0x1  }
0x37: {  	v3 =	vperm.xlane v3, v2;
	v4 =	vadd.s32 v1, v4;
	_ =	sdelay $0x1  }
0x38: {  	v3 =	vadd.s32 v1, v3;
	_ =	sdelay $0x1  }
0x39: {  	s16 =	simm.s32 $0x2200  }
0x3a: {  	[tilespmem:s16], [sflag:$0x1] =	stream.indirect_vreg.gather [hbm4b:s6+s3], $0x80, v4, vm0, $0xb8;
	[tilespmem:$0x1E200] =	vst v63  }
0x3b: {  	s18 =	simm.s32 $0x2A00  }
0x3c: {  	[tilespmem:s18], [sflag:$0x1] =	stream.indirect_vreg.gather [hbm4b:s6+s3], $0x80, v3, vm0, $0xb8;
	[tilespmem:$0x1E200] =	vst v63  }
0x3d: {  	v3 =	vld [tilespmem:$0x30];
	_ =	sdelay $0x4  }
0x3e: {  	v57 =	vshll.u32 v3, $0x1  }
0x3f: {  	v3 =	vand.u32 $0x7, v3;
	v4 =	vand.u32 $0xFFFFFFF0, v57  }
0x40: {  	v3 =	vor.u32 v3, v4  }
0x41: {  	v4 =	vperm.xlane v3, v0;
	_ =	sdelay $0x1  }
0x42: {  	v3 =	vperm.xlane v3, v2;
	v4 =	vadd.s32 v1, v4;
	_ =	sdelay $0x1  }
0x43: {  	v3 =	vadd.s32 v1, v3;
	_ =	sdelay $0x1  }
0x44: {  	s22 =	simm.s32 $0x3200  }
0x45: {  	[tilespmem:s22], [sflag:$0x1] =	stream.indirect_vreg.gather [hbm4b:s6+s3], $0x80, v4, vm0, $0xb8;
	[tilespmem:$0x1E200] =	vst v63  }
0x46: {  	s23 =	simm.s32 $0x3A00  }
0x47: {  	[tilespmem:s23], [sflag:$0x1] =	stream.indirect_vreg.gather [hbm4b:s6+s3], $0x80, v3, vm0, $0xb8;
	[tilespmem:$0x1E200] =	vst v63  }
0x48: {  	v3 =	vld [tilespmem:$0x40];
	_ =	sdelay $0x4  }
0x49: {  	v58 =	vshll.u32 v3, $0x1  }
0x4a: {  	v3 =	vand.u32 $0x7, v3;
	v4 =	vand.u32 $0xFFFFFFF0, v58  }
0x4b: {  	v3 =	vor.u32 v3, v4  }
0x4c: {  	v4 =	vperm.xlane v3, v0;
	_ =	sdelay $0x1  }
0x4d: {  	v3 =	vperm.xlane v3, v2;
	v4 =	vadd.s32 v1, v4;
	_ =	sdelay $0x1  }
0x4e: {  	v3 =	vadd.s32 v1, v3;
	_ =	sdelay $0x1  }
0x4f: {  	s24 =	simm.s32 $0x4200  }
0x50: {  	[tilespmem:s24], [sflag:$0x1] =	stream.indirect_vreg.gather [hbm4b:s6+s3], $0x80, v4, vm0, $0xb8;
	[tilespmem:$0x1E200] =	vst v63  }
0x51: {  	s25 =	simm.s32 $0x4A00  }
0x52: {  	[tilespmem:s25], [sflag:$0x1] =	stream.indirect_vreg.gather [hbm4b:s6+s3], $0x80, v3, vm0, $0xb8;
	[tilespmem:$0x1E200] =	vst v63  }
0x53: {  	v3 =	vld [tilespmem:$0x80];
	_ =	sdelay $0x4  }
0x54: {  	v59 =	vshll.u32 v3, $0x1  }
0x55: {  	v3 =	vand.u32 $0x7, v3;
	v4 =	vand.u32 $0xFFFFFFF0, v59  }
0x56: {  	v3 =	vor.u32 v3, v4  }
0x57: {  	v4 =	vperm.xlane v3, v0;
	_ =	sdelay $0x1  }
0x58: {  	v3 =	vperm.xlane v3, v2;
	v4 =	vadd.s32 v1, v4;
	_ =	sdelay $0x1  }
0x59: {  	v3 =	vadd.s32 v1, v3;
	_ =	sdelay $0x1  }
0x5a: {  	s26 =	simm.s32 $0x5200  }
0x5b: {  	[tilespmem:s26], [sflag:$0x1] =	stream.indirect_vreg.gather [hbm4b:s6+s3], $0x80, v4, vm0, $0xb8;
	[tilespmem:$0x1E200] =	vst v63  }
0x5c: {  	_ = 	snop  }
0x5d: {  	[tilespmem:s28], [sflag:$0x1] =	stream.indirect_vreg.gather [hbm4b:s6+s3], $0x80, v3, vm0, $0xb8;
	[tilespmem:$0x1E200] =	vst v63  }
0x5e: {  	v3 =	vld [tilespmem:$0x90];
	_ =	sdelay $0x4  }
0x5f: {  	v60 =	vshll.u32 v3, $0x1  }
0x60: {  	v3 =	vand.u32 $0x7, v3;
	v4 =	vand.u32 $0xFFFFFFF0, v60  }
0x61: {  	v3 =	vor.u32 v3, v4  }
0x62: {  	v4 =	vperm.xlane v3, v0;
	_ =	sdelay $0x1  }
0x63: {  	v3 =	vperm.xlane v3, v2;
	v4 =	vadd.s32 v1, v4;
	_ =	sdelay $0x1  }
0x64: {  	v3 =	vadd.s32 v1, v3;
	_ =	sdelay $0x2  }
0x65: {  	[tilespmem:s29], [sflag:$0x1] =	stream.indirect_vreg.gather [hbm4b:s6+s3], $0x80, v4, vm0, $0xb8;
	[tilespmem:$0x1E200] =	vst v63  }
0x66: {  	_ = 	snop  }
0x67: {  	[tilespmem:s30], [sflag:$0x1] =	stream.indirect_vreg.gather [hbm4b:s6+s3], $0x80, v3, vm0, $0xb8;
	[tilespmem:$0x1E200] =	vst v63  }
0x68: {  	v3 =	vld [tilespmem:$0xA0];
	_ =	sdelay $0x4  }
0x69: {  	v61 =	vshll.u32 v3, $0x1  }
0x6a: {  	v3 =	vand.u32 $0x7, v3;
	v4 =	vand.u32 $0xFFFFFFF0, v61  }
0x6b: {  	v3 =	vor.u32 v3, v4  }
0x6c: {  	v4 =	vperm.xlane v3, v0;
	_ =	sdelay $0x1  }
0x6d: {  	v3 =	vperm.xlane v3, v2;
	v4 =	vadd.s32 v1, v4;
	_ =	sdelay $0x1  }
0x6e: {  	v3 =	vadd.s32 v1, v3;
	_ =	sdelay $0x2  }
0x6f: {  	[tilespmem:s31], [sflag:$0x1] =	stream.indirect_vreg.gather [hbm4b:s6+s3], $0x80, v4, vm0, $0xb8;
	[tilespmem:$0x1E200] =	vst v63  }
0x70: {  	_ = 	snop  }
0x71: {  	[tilespmem:s0], [sflag:$0x1] =	stream.indirect_vreg.gather [hbm4b:s6+s3], $0x80, v3, vm0, $0xb8;
	[tilespmem:$0x1E200] =	vst v63  }
0x72: {  	v3 =	vld [tilespmem:$0xB0];
	_ =	sdelay $0x4  }
0x73: {  	v62 =	vshll.u32 v3, $0x1  }
0x74: {  	v3 =	vand.u32 $0x7, v3;
	v4 =	vand.u32 $0xFFFFFFF0, v62  }
0x75: {  	v3 =	vor.u32 v3, v4  }
0x76: {  	v4 =	vperm.xlane v3, v0;
	_ =	sdelay $0x1  }
0x77: {  	v3 =	vperm.xlane v3, v2;
	v4 =	vadd.s32 v1, v4;
	_ =	sdelay $0x1  }
0x78: {  	v3 =	vadd.s32 v1, v3;
	_ =	sdelay $0x2  }
0x79: {  	[tilespmem:s1], [sflag:$0x1] =	stream.indirect_vreg.gather [hbm4b:s6+s3], $0x80, v4, vm0, $0xb8;
	[tilespmem:$0x1E200] =	vst v63  }
0x7a: {  	_ = 	snop  }
0x7b: {  	[tilespmem:s8], [sflag:$0x1] =	stream.indirect_vreg.gather [hbm4b:s6+s3], $0x80, v3, vm0, $0xb8;
	[tilespmem:$0x1E200] =	vst v63  }
0x7c: {  	v3 =	vld [tilespmem:$0xC0];
	_ =	sdelay $0x4  }
0x7d: {  	v63 =	vshll.u32 v3, $0x1  }
0x7e: {  	v3 =	vand.u32 $0x7, v3;
	v4 =	vand.u32 $0xFFFFFFF0, v63  }
0x7f: {  	v3 =	vor.u32 v3, v4  }
0x80: {  	v4 =	vperm.xlane v3, v0;
	_ =	sdelay $0x1  }
0x81: {  	v3 =	vperm.xlane v3, v2;
	v4 =	vadd.s32 v1, v4;
	_ =	sdelay $0x1  }
0x82: {  	v3 =	vadd.s32 v1, v3;
	_ =	sdelay $0x2  }
0x83: {  	[tilespmem:s9], [sflag:$0x1] =	stream.indirect_vreg.gather [hbm4b:s6+s3], $0x80, v4, vm0, $0xb8;
	[tilespmem:$0x1E200] =	vst v63  }
0x84: {  	s13 =	simm.s32 $0x0  }
0x85: {  	[tilespmem:s12], [sflag:$0x1] =	stream.indirect_vreg.gather [hbm4b:s6+s3], $0x80, v3, vm0, $0xb8;
	[tilespmem:$0x1E200] =	vst v63  }
.LBB2_2:
0x86: {  	s18 =	smul.u32 $0xA0, s13;
	_ =	sdelay $0x1  }
0x87: {  	s22 =	sadd.s32 s18, s10  }
0x88: {  	s16 =	sshrl.u32 s22, $0x3  }
0x89: {  	s24 =	simm.s32 $0x100;
	s23 =	sadd.s32 s4, s16  }
0x8a: {  	[tilespmem:s24], [sflag:$0x5] =	stream.linear.gather [hbm4b:s23+s3], $0x50, $0x38;
	[tilespmem:$0x1E200] =	vst v63  }
0x8b: {  	_ =	swait.ge [sflag:s14], $0x50  }
0x8c: {  	[sflag:s14] =	ssyncset.done $0x0  }
0x8d: {  	s16 =	sadd.s32 s2, s16;
	s24 =	simm.s32 $0x180;
	[sflag:s14] =	ssyncadd.s32 $0xFFFFFFB0  }
0x8e: {  	[tilespmem:s24], [sflag:$0x5] =	stream.linear.gather [hbm4b:s16+s3], $0x50, $0x38;
	[tilespmem:$0x1E200] =	vst v63  }
0x8f: {  	_ =	swait.ge [sflag:s14], $0x50  }
0x90: {  	[sflag:s14] =	ssyncset.done $0x0  }
0x91: {  	[sflag:s14] =	ssyncadd.s32 $0xFFFFFFB0  }
0x92: {  	v3 =	vld [tilespmem:$0x100];
	_ =	sdelay $0x4  }
0x93: {  	v4 =	vshll.u32 v3, $0x1  }
0x94: {  	v3 =	vand.u32 $0x7, v3;
	v4 =	vand.u32 $0xFFFFFFF0, v4  }
0x95: {  	v3 =	vor.u32 v3, v4  }
0x96: {  	v4 =	vperm.xlane v3, v0;
	_ =	sdelay $0x1  }
0x97: {  	v3 =	vperm.xlane v3, v2;
	v4 =	vadd.s32 v1, v4;
	_ =	sdelay $0x1  }
0x98: {  	v3 =	vadd.s32 v1, v3;
	_ =	sdelay $0x1  }
0x99: {  	s25 =	simm.s32 $0xA200  }
0x9a: {  	[tilespmem:s25], [sflag:$0x2] =	stream.indirect_vreg.gather [hbm4b:s6+s3], $0x80, v4, vm0, $0xb8;
	[tilespmem:$0x1E200] =	vst v63  }
0x9b: {  	s26 =	simm.s32 $0xAA00  }
0x9c: {  	[tilespmem:s26], [sflag:$0x2] =	stream.indirect_vreg.gather [hbm4b:s6+s3], $0x80, v3, vm0, $0xb8;
	[tilespmem:$0x1E200] =	vst v63  }
0x9d: {  	v3 =	vld [tilespmem:$0x110];
	_ =	sdelay $0x4  }
0x9e: {  	v4 =	vshll.u32 v3, $0x1  }
0x9f: {  	v3 =	vand.u32 $0x7, v3;
	v4 =	vand.u32 $0xFFFFFFF0, v4  }
0xa0: {  	v3 =	vor.u32 v3, v4  }
0xa1: {  	v4 =	vperm.xlane v3, v0;
	_ =	sdelay $0x1  }
0xa2: {  	v3 =	vperm.xlane v3, v2;
	v4 =	vadd.s32 v1, v4;
	_ =	sdelay $0x1  }
0xa3: {  	v3 =	vadd.s32 v1, v3;
	_ =	sdelay $0x1  }
0xa4: {  	s23 =	simm.s32 $0xB200  }
0xa5: {  	[tilespmem:s23], [sflag:$0x2] =	stream.indirect_vreg.gather [hbm4b:s6+s3], $0x80, v4, vm0, $0xb8;
	[tilespmem:$0x1E200] =	vst v63  }
0xa6: {  	s24 =	simm.s32 $0xBA00  }
0xa7: {  	[tilespmem:s24], [sflag:$0x2] =	stream.indirect_vreg.gather [hbm4b:s6+s3], $0x80, v3, vm0, $0xb8;
	[tilespmem:$0x1E200] =	vst v63  }
0xa8: {  	v3 =	vld [tilespmem:$0x120];
	_ =	sdelay $0x4  }
0xa9: {  	v4 =	vshll.u32 v3, $0x1  }
0xaa: {  	v3 =	vand.u32 $0x7, v3;
	v4 =	vand.u32 $0xFFFFFFF0, v4  }
0xab: {  	v3 =	vor.u32 v3, v4  }
0xac: {  	v4 =	vperm.xlane v3, v0;
	_ =	sdelay $0x1  }
0xad: {  	v3 =	vperm.xlane v3, v2;
	v4 =	vadd.s32 v1, v4;
	_ =	sdelay $0x1  }
0xae: {  	v3 =	vadd.s32 v1, v3;
	_ =	sdelay $0x1  }
0xaf: {  	s25 =	simm.s32 $0xC200  }
0xb0: {  	[tilespmem:s25], [sflag:$0x2] =	stream.indirect_vreg.gather [hbm4b:s6+s3], $0x80, v4, vm0, $0xb8;
	[tilespmem:$0x1E200] =	vst v63  }
0xb1: {  	s26 =	simm.s32 $0xCA00  }
0xb2: {  	[tilespmem:s26], [sflag:$0x2] =	stream.indirect_vreg.gather [hbm4b:s6+s3], $0x80, v3, vm0, $0xb8;
	[tilespmem:$0x1E200] =	vst v63  }
0xb3: {  	v3 =	vld [tilespmem:$0x130];
	_ =	sdelay $0x4  }
0xb4: {  	v4 =	vshll.u32 v3, $0x1  }
0xb5: {  	v3 =	vand.u32 $0x7, v3;
	v4 =	vand.u32 $0xFFFFFFF0, v4  }
0xb6: {  	v3 =	vor.u32 v3, v4  }
0xb7: {  	v4 =	vperm.xlane v3, v0;
	_ =	sdelay $0x1  }
0xb8: {  	v3 =	vperm.xlane v3, v2;
	v4 =	vadd.s32 v1, v4;
	_ =	sdelay $0x1  }
0xb9: {  	v3 =	vadd.s32 v1, v3;
	_ =	sdelay $0x1  }
0xba: {  	s23 =	simm.s32 $0xD200  }
0xbb: {  	[tilespmem:s23], [sflag:$0x2] =	stream.indirect_vreg.gather [hbm4b:s6+s3], $0x80, v4, vm0, $0xb8;
	[tilespmem:$0x1E200] =	vst v63  }
0xbc: {  	s24 =	simm.s32 $0xDA00  }
0xbd: {  	[tilespmem:s24], [sflag:$0x2] =	stream.indirect_vreg.gather [hbm4b:s6+s3], $0x80, v3, vm0, $0xb8;
	[tilespmem:$0x1E200] =	vst v63  }
0xbe: {  	v3 =	vld [tilespmem:$0x140];
	_ =	sdelay $0x4  }
0xbf: {  	v4 =	vshll.u32 v3, $0x1  }
0xc0: {  	v3 =	vand.u32 $0x7, v3;
	v4 =	vand.u32 $0xFFFFFFF0, v4  }
0xc1: {  	v3 =	vor.u32 v3, v4  }
0xc2: {  	v4 =	vperm.xlane v3, v0;
	_ =	sdelay $0x1  }
0xc3: {  	v3 =	vperm.xlane v3, v2;
	v4 =	vadd.s32 v1, v4;
	_ =	sdelay $0x1  }
0xc4: {  	v3 =	vadd.s32 v1, v3;
	_ =	sdelay $0x1  }
0xc5: {  	s25 =	simm.s32 $0xE200  }
0xc6: {  	[tilespmem:s25], [sflag:$0x2] =	stream.indirect_vreg.gather [hbm4b:s6+s3], $0x80, v4, vm0, $0xb8;
	[tilespmem:$0x1E200] =	vst v63  }
0xc7: {  	s26 =	simm.s32 $0xEA00  }
0xc8: {  	[tilespmem:s26], [sflag:$0x2] =	stream.indirect_vreg.gather [hbm4b:s6+s3], $0x80, v3, vm0, $0xb8;
	[tilespmem:$0x1E200] =	vst v63  }
0xc9: {  	v3 =	vld [tilespmem:$0x180];
	_ =	sdelay $0x4  }
0xca: {  	v4 =	vshll.u32 v3, $0x1  }
0xcb: {  	v3 =	vand.u32 $0x7, v3;
	v4 =	vand.u32 $0xFFFFFFF0, v4  }
0xcc: {  	v3 =	vor.u32 v3, v4  }
0xcd: {  	v4 =	vperm.xlane v3, v0;
	_ =	sdelay $0x1  }
0xce: {  	v3 =	vperm.xlane v3, v2;
	v4 =	vadd.s32 v1, v4;
	_ =	sdelay $0x1  }
0xcf: {  	v3 =	vadd.s32 v1, v3;
	_ =	sdelay $0x1  }
0xd0: {  	s23 =	simm.s32 $0xF200  }
0xd1: {  	[tilespmem:s23], [sflag:$0x2] =	stream.indirect_vreg.gather [hbm4b:s6+s3], $0x80, v4, vm0, $0xb8;
	[tilespmem:$0x1E200] =	vst v63  }
0xd2: {  	s24 =	simm.s32 $0xFA00  }
0xd3: {  	[tilespmem:s24], [sflag:$0x2] =	stream.indirect_vreg.gather [hbm4b:s6+s3], $0x80, v3, vm0, $0xb8;
	[tilespmem:$0x1E200] =	vst v63  }
0xd4: {  	v3 =	vld [tilespmem:$0x190];
	_ =	sdelay $0x4  }
0xd5: {  	v4 =	vshll.u32 v3, $0x1  }
0xd6: {  	v3 =	vand.u32 $0x7, v3;
	v4 =	vand.u32 $0xFFFFFFF0, v4  }
0xd7: {  	v3 =	vor.u32 v3, v4  }
0xd8: {  	v4 =	vperm.xlane v3, v0;
	_ =	sdelay $0x1  }
0xd9: {  	v3 =	vperm.xlane v3, v2;
	v4 =	vadd.s32 v1, v4;
	_ =	sdelay $0x1  }
0xda: {  	v3 =	vadd.s32 v1, v3;
	_ =	sdelay $0x1  }
0xdb: {  	s25 =	simm.s32 $0x10200  }
0xdc: {  	[tilespmem:s25], [sflag:$0x2] =	stream.indirect_vreg.gather [hbm4b:s6+s3], $0x80, v4, vm0, $0xb8;
	[tilespmem:$0x1E200] =	vst v63  }
0xdd: {  	s26 =	simm.s32 $0x10A00  }
0xde: {  	[tilespmem:s26], [sflag:$0x2] =	stream.indirect_vreg.gather [hbm4b:s6+s3], $0x80, v3, vm0, $0xb8;
	[tilespmem:$0x1E200] =	vst v63  }
0xdf: {  	v3 =	vld [tilespmem:$0x1A0];
	_ =	sdelay $0x4  }
0xe0: {  	v4 =	vshll.u32 v3, $0x1  }
0xe1: {  	v3 =	vand.u32 $0x7, v3;
	v4 =	vand.u32 $0xFFFFFFF0, v4  }
0xe2: {  	v3 =	vor.u32 v3, v4  }
0xe3: {  	v4 =	vperm.xlane v3, v0;
	_ =	sdelay $0x1  }
0xe4: {  	v3 =	vperm.xlane v3, v2;
	v4 =	vadd.s32 v1, v4;
	_ =	sdelay $0x1  }
0xe5: {  	v3 =	vadd.s32 v1, v3;
	_ =	sdelay $0x1  }
0xe6: {  	s23 =	simm.s32 $0x11200  }
0xe7: {  	[tilespmem:s23], [sflag:$0x2] =	stream.indirect_vreg.gather [hbm4b:s6+s3], $0x80, v4, vm0, $0xb8;
	[tilespmem:$0x1E200] =	vst v63  }
0xe8: {  	s24 =	simm.s32 $0x11A00  }
0xe9: {  	[tilespmem:s24], [sflag:$0x2] =	stream.indirect_vreg.gather [hbm4b:s6+s3], $0x80, v3, vm0, $0xb8;
	[tilespmem:$0x1E200] =	vst v63  }
0xea: {  	v3 =	vld [tilespmem:$0x1B0];
	_ =	sdelay $0x4  }
0xeb: {  	v4 =	vshll.u32 v3, $0x1  }
0xec: {  	v3 =	vand.u32 $0x7, v3;
	v4 =	vand.u32 $0xFFFFFFF0, v4  }
0xed: {  	v3 =	vor.u32 v3, v4  }
0xee: {  	v4 =	vperm.xlane v3, v0;
	_ =	sdelay $0x1  }
0xef: {  	v3 =	vperm.xlane v3, v2;
	v4 =	vadd.s32 v1, v4;
	_ =	sdelay $0x1  }
0xf0: {  	v3 =	vadd.s32 v1, v3;
	_ =	sdelay $0x1  }
0xf1: {  	s25 =	simm.s32 $0x12200  }
0xf2: {  	[tilespmem:s25], [sflag:$0x2] =	stream.indirect_vreg.gather [hbm4b:s6+s3], $0x80, v4, vm0, $0xb8;
	[tilespmem:$0x1E200] =	vst v63  }
0xf3: {  	s26 =	simm.s32 $0x12A00  }
0xf4: {  	[tilespmem:s26], [sflag:$0x2] =	stream.indirect_vreg.gather [hbm4b:s6+s3], $0x80, v3, vm0, $0xb8;
	[tilespmem:$0x1E200] =	vst v63  }
0xf5: {  	v3 =	vld [tilespmem:$0x1C0];
	_ =	sdelay $0x4  }
0xf6: {  	v4 =	vshll.u32 v3, $0x1  }
0xf7: {  	v3 =	vand.u32 $0x7, v3;
	v4 =	vand.u32 $0xFFFFFFF0, v4  }
0xf8: {  	v3 =	vor.u32 v3, v4  }
0xf9: {  	v4 =	vperm.xlane v3, v0;
	_ =	sdelay $0x1  }
0xfa: {  	v3 =	vperm.xlane v3, v2;
	v4 =	vadd.s32 v1, v4;
	_ =	sdelay $0x1  }
0xfb: {  	v3 =	vadd.s32 v1, v3;
	_ =	sdelay $0x1  }
0xfc: {  	s23 =	simm.s32 $0x13200  }
0xfd: {  	[tilespmem:s23], [sflag:$0x2] =	stream.indirect_vreg.gather [hbm4b:s6+s3], $0x80, v4, vm0, $0xb8;
	[tilespmem:$0x1E200] =	vst v63  }
0xfe: {  	_ = 	snop  }
0xff: {  	[tilespmem:s19], [sflag:$0x2] =	stream.indirect_vreg.gather [hbm4b:s6+s3], $0x80, v3, vm0, $0xb8;
	[tilespmem:$0x1E200] =	vst v63  }
0x100: {  	_ =	swait.ge [sflag:s15], $0x5000  }
0x101: {  	[sflag:s15] =	ssyncset.done $0x0  }
0x102: {  	[sflag:s15] =	ssyncadd.s32 $0xFFFFB000  }
0x103: {  	_ =	swait.ge [sflag:s15], $0x5000  }
0x104: {  	p0 =	seq.s32 s13, $0x0;
	[sflag:s15] =	ssyncset.done $0x0  }
0x105: {  	s16 =	simm.s32 @!p0 $0x3;
	[sflag:s15] =	ssyncadd.s32 $0xFFFFB000  }
0x106: {  	s24 =	simm.s32 $0x0;
	_ =	swait.ge @!p0 [sflag:s16], $0x5000  }
0x107: {  	s25 =	sand.u32 $0x7800, s24;
	s23 =	sand.u32 $0x380, s24;
	[sflag:s16] =	ssyncset.done @!p0 $0x0  }
0x108: {  	s23 =	sor.u32 s23, s25;
	[sflag:s16] =	ssyncadd.s32 @!p0 $0xFFFFB000  }
0x109: {  	v3 =	vld [tilespmem:s23+$0x630]  }
0x10a: {  	v4 =	vld [tilespmem:s23+$0x5630]  }
0x10b: {  	v5 =	vld [tilespmem:s23+$0x200]  }
0x10c: {  	v6 =	vld [tilespmem:s23+$0x5200]  }
0x10d: {  	v7 =	vld [tilespmem:s23+$0x210]  }
0x10e: {  	v8 =	vld [tilespmem:s23+$0x5210]  }
0x10f: {  	v9 =	vld [tilespmem:s23+$0x220]  }
0x110: {  	v10 =	vld [tilespmem:s23+$0x230]  }
0x111: {  	v3 =	vmul.f32 v4, v3;
	v4 =	vld [tilespmem:s23+$0x5220]  }
0x112: {  	v5 =	vmul.f32 v6, v5;
	v6 =	vld [tilespmem:s23+$0x240]  }
0x113: {  	[tilespmem:s23+$0x14630] =	vst v3;
	v3 =	vld [tilespmem:s23+$0x5230]  }
0x114: {  	[tilespmem:s23+$0x14200] =	vst v5;
	v5 =	vmul.f32 v8, v7;
	v7 =	vld [tilespmem:s23+$0x5240]  }
0x115: {  	v8 =	vld [tilespmem:s23+$0x5250]  }
0x116: {  	[tilespmem:s23+$0x14210] =	vst v5;
	v5 =	vld [tilespmem:s23+$0x250]  }
0x117: {  	v11 =	vld [tilespmem:s23+$0x5270];
	v4 =	vmul.f32 v4, v9  }
0x118: {  	v9 =	vld [tilespmem:s23+$0x5260];
	v3 =	vmul.f32 v3, v10  }
0x119: {  	[tilespmem:s23+$0x14220] =	vst v4;
	v4 =	vld [tilespmem:s23+$0x260]  }
0x11a: {  	v10 =	vld [tilespmem:s23+$0x270];
	[tilespmem:s23+$0x14230] =	vst v3;
	v3 =	vmul.f32 v7, v6  }
0x11b: {  	v6 =	vmul.f32 v8, v5;
	v5 =	vld [tilespmem:s23+$0x5600]  }
0x11c: {  	[tilespmem:s23+$0x14240] =	vst v3;
	v3 =	vld [tilespmem:s23+$0x600]  }
0x11d: {  	[tilespmem:s23+$0x14250] =	vst v6;
	v6 =	vld [tilespmem:s23+$0x5610]  }
0x11e: {  	s26 =	simm.s32 $0x100;
	s24 =	simm.s32 $0x80;
	v7 =	vmul.f32 v9, v4;
	v4 =	vld [tilespmem:s23+$0x610]  }
0x11f: {  	s25 =	sand.u32 $0x380, s24;
	s16 =	sand.u32 $0x7800, s26;
	v8 =	vld [tilespmem:s23+$0x5620];
	v9 =	vmul.f32 v11, v10  }
0x120: {  	s25 =	sor.u32 s25, s16;
	s16 =	simm.s32 $0x200;
	[tilespmem:s23+$0x14260] =	vst v7;
	v7 =	vld [tilespmem:s23+$0x620]  }
.LBB2_3:
0x121: {  	p1 =	sne.s32 s16, $0x4F00;
	v10 =	vld [tilespmem:s25+$0x630];
	[tilespmem:s23+$0x14270] =	vst v9;
	v3 =	vmul.f32 v5, v3  }
0x122: {  	v5 =	vld [tilespmem:s25+$0x5630]  }
0x123: {  	v9 =	vld [tilespmem:s25+$0x200];
	[tilespmem:s23+$0x14600] =	vst v3;
	v3 =	vmul.f32 v6, v4  }
0x124: {  	v4 =	vld [tilespmem:s25+$0x5200]  }
0x125: {  	v6 =	vld [tilespmem:s25+$0x210];
	[tilespmem:s23+$0x14610] =	vst v3;
	v3 =	vmul.f32 v8, v7  }
0x126: {  	v7 =	vld [tilespmem:s25+$0x5210]  }
0x127: {  	v8 =	vld [tilespmem:s25+$0x220];
	v5 =	vmul.f32 v5, v10;
	[tilespmem:s23+$0x14620] =	vst v3;
	s23 =	smov.u32 s25  }
0x128: {  	v3 =	vld [tilespmem:s23+$0x5220]  }
0x129: {  	v4 =	vmul.f32 v4, v9;
	v9 =	vld [tilespmem:s23+$0x230];
	[tilespmem:s23+$0x14630] =	vst v5  }
0x12a: {  	v5 =	vld [tilespmem:s23+$0x5230]  }
0x12b: {  	[tilespmem:s23+$0x14200] =	vst v4;
	v4 =	vmul.f32 v7, v6;
	v6 =	vld [tilespmem:s23+$0x240]  }
0x12c: {  	v7 =	vld [tilespmem:s23+$0x5240]  }
0x12d: {  	[tilespmem:s23+$0x14210] =	vst v4;
	v3 =	vmul.f32 v3, v8;
	v4 =	vld [tilespmem:s23+$0x250]  }
0x12e: {  	v8 =	vld [tilespmem:s23+$0x5250]  }
0x12f: {  	[tilespmem:s23+$0x14220] =	vst v3;
	v3 =	vmul.f32 v5, v9;
	v9 =	vld [tilespmem:s23+$0x260]  }
0x130: {  	v10 =	vld [tilespmem:s23+$0x5260]  }
0x131: {  	[tilespmem:s23+$0x14230] =	vst v3;
	v3 =	vmul.f32 v7, v6;
	v7 =	vld [tilespmem:s23+$0x270]  }
0x132: {  	v11 =	vld [tilespmem:s23+$0x5270]  }
0x133: {  	[tilespmem:s23+$0x14240] =	vst v3;
	v4 =	vmul.f32 v8, v4;
	v3 =	vld [tilespmem:s23+$0x600]  }
.Ltmp0:
0x134: {  	v5 =	vld [tilespmem:s23+$0x5600];
	(pc) =	sbr.rel @p1 .LBB2_3-.Ltmp0, $4  }
0x135: {  	[tilespmem:s23+$0x14250] =	vst v4;
	v8 =	vmul.f32 v10, v9;
	v4 =	vld [tilespmem:s23+$0x610]  }
0x136: {  	s24 =	sadd.s32 $0x80, s24;
	v6 =	vld [tilespmem:s23+$0x5610]  }
0x137: {  	s26 =	sand.u32 $0x380, s24;
	s25 =	sand.u32 $0x7800, s16;
	[tilespmem:s23+$0x14260] =	vst v8;
	v9 =	vmul.f32 v11, v7;
	v7 =	vld [tilespmem:s23+$0x620]  }
0x138: {  	s16 =	sadd.s32 $0x100, s16;
	s25 =	sor.u32 s26, s25;
	v8 =	vld [tilespmem:s23+$0x5620]  }
0x139: {  	v10 =	vld [tilespmem:s25+$0x630];
	[tilespmem:s23+$0x14270] =	vst v9;
	v3 =	vmul.f32 v5, v3  }
0x13a: {  	v5 =	vld [tilespmem:s25+$0x5630]  }
0x13b: {  	v9 =	vld [tilespmem:s25+$0x200];
	[tilespmem:s23+$0x14600] =	vst v3;
	v3 =	vmul.f32 v6, v4  }
0x13c: {  	v4 =	vld [tilespmem:s25+$0x5200]  }
0x13d: {  	v6 =	vld [tilespmem:s25+$0x210];
	[tilespmem:s23+$0x14610] =	vst v3;
	v3 =	vmul.f32 v8, v7  }
0x13e: {  	v7 =	vld [tilespmem:s25+$0x5210]  }
0x13f: {  	v8 =	vld [tilespmem:s25+$0x220];
	[tilespmem:s23+$0x14620] =	vst v3  }
0x140: {  	v3 =	vmul.f32 v5, v10;
	v5 =	vld [tilespmem:s25+$0x5220]  }
0x141: {  	v10 =	vld [tilespmem:s25+$0x230]  }
0x142: {  	v4 =	vmul.f32 v4, v9;
	[tilespmem:s25+$0x14630] =	vst v3;
	v3 =	vld [tilespmem:s25+$0x5230]  }
0x143: {  	v9 =	vld [tilespmem:s25+$0x5260]  }
0x144: {  	[tilespmem:s25+$0x14200] =	vst v4;
	v4 =	vmul.f32 v7, v6;
	v6 =	vld [tilespmem:s25+$0x240]  }
0x145: {  	v7 =	vld [tilespmem:s25+$0x5240]  }
0x146: {  	[tilespmem:s25+$0x14210] =	vst v4;
	v4 =	vmul.f32 v5, v8;
	v5 =	vld [tilespmem:s25+$0x250]  }
0x147: {  	v8 =	vld [tilespmem:s25+$0x5250]  }
0x148: {  	v3 =	vmul.f32 v3, v10;
	v10 =	vld [tilespmem:s25+$0x5620]  }
0x149: {  	[tilespmem:s25+$0x14220] =	vst v4;
	v4 =	vld [tilespmem:s25+$0x260]  }
0x14a: {  	[tilespmem:s25+$0x14230] =	vst v3;
	v3 =	vmul.f32 v7, v6;
	v6 =	vld [tilespmem:s25+$0x270]  }
0x14b: {  	v7 =	vld [tilespmem:s25+$0x5270]  }
0x14c: {  	[tilespmem:s25+$0x14240] =	vst v3;
	v3 =	vmul.f32 v8, v5;
	v5 =	vld [tilespmem:s25+$0x600]  }
0x14d: {  	v8 =	vld [tilespmem:s25+$0x5600]  }
0x14e: {  	[tilespmem:s25+$0x14250] =	vst v3;
	v3 =	vmul.f32 v9, v4;
	v4 =	vld [tilespmem:s25+$0x610]  }
0x14f: {  	v9 =	vld [tilespmem:s25+$0x5610]  }
0x150: {  	[tilespmem:s25+$0x14260] =	vst v3;
	v3 =	vld [tilespmem:s25+$0x620];
	_ =	sdelay $0x1  }
0x151: {  	v6 =	vmul.f32 v7, v6  }
0x152: {  	v5 =	vmul.f32 v8, v5  }
0x153: {  	[tilespmem:s25+$0x14270] =	vst v6;
	v4 =	vmul.f32 v9, v4  }
0x154: {  	s16 =	sadd.s32 s5, s18;
	[tilespmem:s25+$0x14600] =	vst v5;
	v3 =	vmul.f32 v10, v3  }
0x155: {  	s16 =	sshll.u32 s16, $0x5;
	[tilespmem:s25+$0x14610] =	vst v4  }
0x156: {  	s24 =	sadd.s32 s18, s11;
	s16 =	sadd.s32 s7, s16;
	[tilespmem:s25+$0x14620] =	vst v3  }
0x157: {  	[hbm4b:s16+s3] =	stream.linear.scatter [tilespmem:s20], [sflag:$0x3], $0x5000, $0x38;
	[tilespmem:$0x1E200] =	vst v63  }
0x158: {  	s16 =	sshrl.u32 s24, $0x3  }
0x159: {  	s25 =	sadd.s32 s4, s16  }
0x15a: {  	[tilespmem:s3], [sflag:$0x5] =	stream.linear.gather [hbm4b:s25+s3], $0x50, $0x38;
	[tilespmem:$0x1E200] =	vst v63  }
0x15b: {  	_ =	swait.ge [sflag:s14], $0x50  }
0x15c: {  	[sflag:s14] =	ssyncset.done $0x0  }
0x15d: {  	s26 =	simm.s32 $0x80;
	s16 =	sadd.s32 s2, s16;
	[sflag:s14] =	ssyncadd.s32 $0xFFFFFFB0  }
0x15e: {  	[tilespmem:s26], [sflag:$0x5] =	stream.linear.gather [hbm4b:s16+s3], $0x50, $0x38;
	[tilespmem:$0x1E200] =	vst v63  }
0x15f: {  	_ =	swait.ge [sflag:s14], $0x50  }
0x160: {  	[sflag:s14] =	ssyncset.done $0x0  }
0x161: {  	[sflag:s14] =	ssyncadd.s32 $0xFFFFFFB0  }
0x162: {  	v3 =	vld [tilespmem:$0x0];
	_ =	sdelay $0x4  }
0x163: {  	v4 =	vshll.u32 v3, $0x1  }
0x164: {  	v3 =	vand.u32 $0x7, v3;
	v4 =	vand.u32 $0xFFFFFFF0, v4  }
0x165: {  	v3 =	vor.u32 v3, v4  }
0x166: {  	v4 =	vperm.xlane v3, v0;
	_ =	sdelay $0x1  }
0x167: {  	v3 =	vperm.xlane v3, v2;
	v4 =	vadd.s32 v1, v4;
	_ =	sdelay $0x1  }
0x168: {  	v3 =	vadd.s32 v1, v3;
	_ =	sdelay $0x1  }
0x169: {  	s23 =	simm.s32 $0x200  }
0x16a: {  	[tilespmem:s23], [sflag:$0x1] =	stream.indirect_vreg.gather [hbm4b:s6+s3], $0x80, v4, vm0, $0xb8;
	[tilespmem:$0x1E200] =	vst v63  }
0x16b: {  	s24 =	simm.s32 $0xA00  }
0x16c: {  	[tilespmem:s24], [sflag:$0x1] =	stream.indirect_vreg.gather [hbm4b:s6+s3], $0x80, v3, vm0, $0xb8;
	[tilespmem:$0x1E200] =	vst v63  }
0x16d: {  	v3 =	vld [tilespmem:$0x10];
	_ =	sdelay $0x4  }
0x16e: {  	v4 =	vshll.u32 v3, $0x1  }
0x16f: {  	v3 =	vand.u32 $0x7, v3;
	v4 =	vand.u32 $0xFFFFFFF0, v4  }
0x170: {  	v3 =	vor.u32 v3, v4  }
0x171: {  	v4 =	vperm.xlane v3, v0;
	_ =	sdelay $0x1  }
0x172: {  	v3 =	vperm.xlane v3, v2;
	v4 =	vadd.s32 v1, v4;
	_ =	sdelay $0x1  }
0x173: {  	v3 =	vadd.s32 v1, v3;
	_ =	sdelay $0x1  }
0x174: {  	s25 =	simm.s32 $0x1200  }
0x175: {  	[tilespmem:s25], [sflag:$0x1] =	stream.indirect_vreg.gather [hbm4b:s6+s3], $0x80, v4, vm0, $0xb8;
	[tilespmem:$0x1E200] =	vst v63  }
0x176: {  	s26 =	simm.s32 $0x1A00  }
0x177: {  	[tilespmem:s26], [sflag:$0x1] =	stream.indirect_vreg.gather [hbm4b:s6+s3], $0x80, v3, vm0, $0xb8;
	[tilespmem:$0x1E200] =	vst v63  }
0x178: {  	v3 =	vld [tilespmem:$0x20];
	_ =	sdelay $0x4  }
0x179: {  	v4 =	vshll.u32 v3, $0x1  }
0x17a: {  	v3 =	vand.u32 $0x7, v3;
	v4 =	vand.u32 $0xFFFFFFF0, v4  }
0x17b: {  	v3 =	vor.u32 v3, v4  }
0x17c: {  	v4 =	vperm.xlane v3, v0;
	_ =	sdelay $0x1  }
0x17d: {  	v3 =	vperm.xlane v3, v2;
	v4 =	vadd.s32 v1, v4;
	_ =	sdelay $0x1  }
0x17e: {  	v3 =	vadd.s32 v1, v3;
	_ =	sdelay $0x1  }
0x17f: {  	s18 =	simm.s32 $0x2200  }
0x180: {  	[tilespmem:s18], [sflag:$0x1] =	stream.indirect_vreg.gather [hbm4b:s6+s3], $0x80, v4, vm0, $0xb8;
	[tilespmem:$0x1E200] =	vst v63  }
0x181: {  	s23 =	simm.s32 $0x2A00  }
0x182: {  	[tilespmem:s23], [sflag:$0x1] =	stream.indirect_vreg.gather [hbm4b:s6+s3], $0x80, v3, vm0, $0xb8;
	[tilespmem:$0x1E200] =	vst v63  }
0x183: {  	v3 =	vld [tilespmem:$0x30];
	_ =	sdelay $0x4  }
0x184: {  	v4 =	vshll.u32 v3, $0x1  }
0x185: {  	v3 =	vand.u32 $0x7, v3;
	v4 =	vand.u32 $0xFFFFFFF0, v4  }
0x186: {  	v3 =	vor.u32 v3, v4  }
0x187: {  	v4 =	vperm.xlane v3, v0;
	_ =	sdelay $0x1  }
0x188: {  	v3 =	vperm.xlane v3, v2;
	v4 =	vadd.s32 v1, v4;
	_ =	sdelay $0x1  }
0x189: {  	v3 =	vadd.s32 v1, v3;
	_ =	sdelay $0x1  }
0x18a: {  	s24 =	simm.s32 $0x3200  }
0x18b: {  	[tilespmem:s24], [sflag:$0x1] =	stream.indirect_vreg.gather [hbm4b:s6+s3], $0x80, v4, vm0, $0xb8;
	[tilespmem:$0x1E200] =	vst v63  }
0x18c: {  	s25 =	simm.s32 $0x3A00  }
0x18d: {  	[tilespmem:s25], [sflag:$0x1] =	stream.indirect_vreg.gather [hbm4b:s6+s3], $0x80, v3, vm0, $0xb8;
	[tilespmem:$0x1E200] =	vst v63  }
0x18e: {  	v3 =	vld [tilespmem:$0x40];
	_ =	sdelay $0x4  }
0x18f: {  	v4 =	vshll.u32 v3, $0x1  }
0x190: {  	v3 =	vand.u32 $0x7, v3;
	v4 =	vand.u32 $0xFFFFFFF0, v4  }
0x191: {  	v3 =	vor.u32 v3, v4  }
0x192: {  	v4 =	vperm.xlane v3, v0;
	_ =	sdelay $0x1  }
0x193: {  	v3 =	vperm.xlane v3, v2;
	v4 =	vadd.s32 v1, v4;
	_ =	sdelay $0x1  }
0x194: {  	v3 =	vadd.s32 v1, v3;
	_ =	sdelay $0x1  }
0x195: {  	s26 =	simm.s32 $0x4200  }
0x196: {  	[tilespmem:s26], [sflag:$0x1] =	stream.indirect_vreg.gather [hbm4b:s6+s3], $0x80, v4, vm0, $0xb8;
	[tilespmem:$0x1E200] =	vst v63  }
0x197: {  	s18 =	simm.s32 $0x4A00  }
0x198: {  	[tilespmem:s18], [sflag:$0x1] =	stream.indirect_vreg.gather [hbm4b:s6+s3], $0x80, v3, vm0, $0xb8;
	[tilespmem:$0x1E200] =	vst v63  }
0x199: {  	v3 =	vld [tilespmem:$0x80];
	_ =	sdelay $0x4  }
0x19a: {  	v4 =	vshll.u32 v3, $0x1  }
0x19b: {  	v3 =	vand.u32 $0x7, v3;
	v4 =	vand.u32 $0xFFFFFFF0, v4  }
0x19c: {  	v3 =	vor.u32 v3, v4  }
0x19d: {  	v4 =	vperm.xlane v3, v0;
	_ =	sdelay $0x1  }
0x19e: {  	v3 =	vperm.xlane v3, v2;
	v4 =	vadd.s32 v1, v4;
	_ =	sdelay $0x1  }
0x19f: {  	v3 =	vadd.s32 v1, v3;
	_ =	sdelay $0x1  }
0x1a0: {  	s23 =	simm.s32 $0x5200  }
0x1a1: {  	[tilespmem:s23], [sflag:$0x1] =	stream.indirect_vreg.gather [hbm4b:s6+s3], $0x80, v4, vm0, $0xb8;
	[tilespmem:$0x1E200] =	vst v63  }
0x1a2: {  	_ = 	snop  }
0x1a3: {  	[tilespmem:s28], [sflag:$0x1] =	stream.indirect_vreg.gather [hbm4b:s6+s3], $0x80, v3, vm0, $0xb8;
	[tilespmem:$0x1E200] =	vst v63  }
0x1a4: {  	v3 =	vld [tilespmem:$0x90];
	_ =	sdelay $0x4  }
0x1a5: {  	v4 =	vshll.u32 v3, $0x1  }
0x1a6: {  	v3 =	vand.u32 $0x7, v3;
	v4 =	vand.u32 $0xFFFFFFF0, v4  }
0x1a7: {  	v3 =	vor.u32 v3, v4  }
0x1a8: {  	v4 =	vperm.xlane v3, v0;
	_ =	sdelay $0x1  }
0x1a9: {  	v3 =	vperm.xlane v3, v2;
	v4 =	vadd.s32 v1, v4;
	_ =	sdelay $0x1  }
0x1aa: {  	v3 =	vadd.s32 v1, v3;
	_ =	sdelay $0x2  }
0x1ab: {  	[tilespmem:s29], [sflag:$0x1] =	stream.indirect_vreg.gather [hbm4b:s6+s3], $0x80, v4, vm0, $0xb8;
	[tilespmem:$0x1E200] =	vst v63  }
0x1ac: {  	_ = 	snop  }
0x1ad: {  	[tilespmem:s30], [sflag:$0x1] =	stream.indirect_vreg.gather [hbm4b:s6+s3], $0x80, v3, vm0, $0xb8;
	[tilespmem:$0x1E200] =	vst v63  }
0x1ae: {  	v3 =	vld [tilespmem:$0xA0];
	_ =	sdelay $0x4  }
0x1af: {  	v4 =	vshll.u32 v3, $0x1  }
0x1b0: {  	v3 =	vand.u32 $0x7, v3;
	v4 =	vand.u32 $0xFFFFFFF0, v4  }
0x1b1: {  	v3 =	vor.u32 v3, v4  }
0x1b2: {  	v4 =	vperm.xlane v3, v0;
	_ =	sdelay $0x1  }
0x1b3: {  	v3 =	vperm.xlane v3, v2;
	v4 =	vadd.s32 v1, v4;
	_ =	sdelay $0x1  }
0x1b4: {  	v3 =	vadd.s32 v1, v3;
	_ =	sdelay $0x2  }
0x1b5: {  	[tilespmem:s31], [sflag:$0x1] =	stream.indirect_vreg.gather [hbm4b:s6+s3], $0x80, v4, vm0, $0xb8;
	[tilespmem:$0x1E200] =	vst v63  }
0x1b6: {  	_ = 	snop  }
0x1b7: {  	[tilespmem:s0], [sflag:$0x1] =	stream.indirect_vreg.gather [hbm4b:s6+s3], $0x80, v3, vm0, $0xb8;
	[tilespmem:$0x1E200] =	vst v63  }
0x1b8: {  	v3 =	vld [tilespmem:$0xB0];
	_ =	sdelay $0x4  }
0x1b9: {  	v4 =	vshll.u32 v3, $0x1  }
0x1ba: {  	v3 =	vand.u32 $0x7, v3;
	v4 =	vand.u32 $0xFFFFFFF0, v4  }
0x1bb: {  	v3 =	vor.u32 v3, v4  }
0x1bc: {  	v4 =	vperm.xlane v3, v0;
	_ =	sdelay $0x1  }
0x1bd: {  	v3 =	vperm.xlane v3, v2;
	v4 =	vadd.s32 v1, v4;
	_ =	sdelay $0x1  }
0x1be: {  	v3 =	vadd.s32 v1, v3;
	_ =	sdelay $0x2  }
0x1bf: {  	[tilespmem:s1], [sflag:$0x1] =	stream.indirect_vreg.gather [hbm4b:s6+s3], $0x80, v4, vm0, $0xb8;
	[tilespmem:$0x1E200] =	vst v63  }
0x1c0: {  	_ = 	snop  }
0x1c1: {  	[tilespmem:s8], [sflag:$0x1] =	stream.indirect_vreg.gather [hbm4b:s6+s3], $0x80, v3, vm0, $0xb8;
	[tilespmem:$0x1E200] =	vst v63  }
0x1c2: {  	v3 =	vld [tilespmem:$0xC0];
	_ =	sdelay $0x4  }
0x1c3: {  	v4 =	vshll.u32 v3, $0x1  }
0x1c4: {  	v3 =	vand.u32 $0x7, v3;
	v4 =	vand.u32 $0xFFFFFFF0, v4  }
0x1c5: {  	v3 =	vor.u32 v3, v4  }
0x1c6: {  	v4 =	vperm.xlane v3, v0;
	_ =	sdelay $0x1  }
0x1c7: {  	v3 =	vperm.xlane v3, v2;
	v4 =	vadd.s32 v1, v4;
	_ =	sdelay $0x1  }
0x1c8: {  	v3 =	vadd.s32 v1, v3;
	_ =	sdelay $0x2  }
0x1c9: {  	[tilespmem:s9], [sflag:$0x1] =	stream.indirect_vreg.gather [hbm4b:s6+s3], $0x80, v4, vm0, $0xb8;
	[tilespmem:$0x1E200] =	vst v63  }
0x1ca: {  	_ = 	snop  }
0x1cb: {  	[tilespmem:s12], [sflag:$0x1] =	stream.indirect_vreg.gather [hbm4b:s6+s3], $0x80, v3, vm0, $0xb8;
	[tilespmem:$0x1E200] =	vst v63  }
0x1cc: {  	_ =	swait.ge [sflag:s17], $0x5000  }
0x1cd: {  	[sflag:s17] =	ssyncset.done $0x0  }
0x1ce: {  	[sflag:s17] =	ssyncadd.s32 $0xFFFFB000  }
0x1cf: {  	_ =	swait.ge [sflag:s17], $0x5000  }
0x1d0: {  	[sflag:s17] =	ssyncset.done $0x0  }
0x1d1: {  	s16 =	simm.s32 @!p0 $0x4;
	[sflag:s17] =	ssyncadd.s32 $0xFFFFB000  }
0x1d2: {  	s24 =	simm.s32 $0x0;
	_ =	swait.ge @!p0 [sflag:s16], $0x5000  }
0x1d3: {  	s25 =	sand.u32 $0x7800, s24;
	s18 =	sand.u32 $0x380, s24;
	[sflag:s16] =	ssyncset.done @!p0 $0x0  }
0x1d4: {  	s18 =	sor.u32 s18, s25;
	[sflag:s16] =	ssyncadd.s32 @!p0 $0xFFFFB000  }
0x1d5: {  	v3 =	vld [tilespmem:s18+$0xA630]  }
0x1d6: {  	v4 =	vld [tilespmem:s18+$0xF630]  }
0x1d7: {  	v5 =	vld [tilespmem:s18+$0xA200]  }
0x1d8: {  	v6 =	vld [tilespmem:s18+$0xF200]  }
0x1d9: {  	v7 =	vld [tilespmem:s18+$0xA210]  }
0x1da: {  	v8 =	vld [tilespmem:s18+$0xF210]  }
0x1db: {  	v9 =	vld [tilespmem:s18+$0xA220]  }
0x1dc: {  	v10 =	vld [tilespmem:s18+$0xA230]  }
0x1dd: {  	v3 =	vmul.f32 v4, v3;
	v4 =	vld [tilespmem:s18+$0xF220]  }
0x1de: {  	v5 =	vmul.f32 v6, v5;
	v6 =	vld [tilespmem:s18+$0xA240]  }
0x1df: {  	[tilespmem:s18+$0x19630] =	vst v3;
	v3 =	vld [tilespmem:s18+$0xF230]  }
0x1e0: {  	[tilespmem:s18+$0x19200] =	vst v5;
	v5 =	vmul.f32 v8, v7;
	v7 =	vld [tilespmem:s18+$0xF240]  }
0x1e1: {  	v8 =	vld [tilespmem:s18+$0xF250]  }
0x1e2: {  	[tilespmem:s18+$0x19210] =	vst v5;
	v5 =	vld [tilespmem:s18+$0xA250]  }
0x1e3: {  	v11 =	vld [tilespmem:s18+$0xF270];
	v4 =	vmul.f32 v4, v9  }
0x1e4: {  	v9 =	vld [tilespmem:s18+$0xF260];
	v3 =	vmul.f32 v3, v10  }
0x1e5: {  	[tilespmem:s18+$0x19220] =	vst v4;
	v4 =	vld [tilespmem:s18+$0xA260]  }
0x1e6: {  	v10 =	vld [tilespmem:s18+$0xA270];
	[tilespmem:s18+$0x19230] =	vst v3;
	v3 =	vmul.f32 v7, v6  }
0x1e7: {  	v6 =	vmul.f32 v8, v5;
	v5 =	vld [tilespmem:s18+$0xF600]  }
0x1e8: {  	[tilespmem:s18+$0x19240] =	vst v3;
	v3 =	vld [tilespmem:s18+$0xA600]  }
0x1e9: {  	[tilespmem:s18+$0x19250] =	vst v6;
	v6 =	vld [tilespmem:s18+$0xF610]  }
0x1ea: {  	s26 =	simm.s32 $0x100;
	s23 =	simm.s32 $0x80;
	v7 =	vmul.f32 v9, v4;
	v4 =	vld [tilespmem:s18+$0xA610]  }
0x1eb: {  	s24 =	sand.u32 $0x380, s23;
	s16 =	sand.u32 $0x7800, s26;
	v8 =	vld [tilespmem:s18+$0xF620];
	v9 =	vmul.f32 v11, v10  }
0x1ec: {  	s24 =	sor.u32 s24, s16;
	s16 =	simm.s32 $0x200;
	[tilespmem:s18+$0x19260] =	vst v7;
	v7 =	vld [tilespmem:s18+$0xA620]  }
.LBB2_5:
0x1ed: {  	p0 =	sne.s32 s16, $0x4F00;
	v10 =	vld [tilespmem:s24+$0xA630];
	[tilespmem:s18+$0x19270] =	vst v9;
	v3 =	vmul.f32 v5, v3  }
0x1ee: {  	v5 =	vld [tilespmem:s24+$0xF630]  }
0x1ef: {  	v9 =	vld [tilespmem:s24+$0xA200];
	[tilespmem:s18+$0x19600] =	vst v3;
	v3 =	vmul.f32 v6, v4  }
0x1f0: {  	v4 =	vld [tilespmem:s24+$0xF200]  }
0x1f1: {  	v6 =	vld [tilespmem:s24+$0xA210];
	[tilespmem:s18+$0x19610] =	vst v3;
	v3 =	vmul.f32 v8, v7  }
0x1f2: {  	v7 =	vld [tilespmem:s24+$0xF210]  }
0x1f3: {  	v8 =	vld [tilespmem:s24+$0xA220];
	v5 =	vmul.f32 v5, v10;
	[tilespmem:s18+$0x19620] =	vst v3;
	s18 =	smov.u32 s24  }
0x1f4: {  	v3 =	vld [tilespmem:s18+$0xF220]  }
0x1f5: {  	v4 =	vmul.f32 v4, v9;
	v9 =	vld [tilespmem:s18+$0xA230];
	[tilespmem:s18+$0x19630] =	vst v5  }
0x1f6: {  	v5 =	vld [tilespmem:s18+$0xF230]  }
0x1f7: {  	[tilespmem:s18+$0x19200] =	vst v4;
	v4 =	vmul.f32 v7, v6;
	v6 =	vld [tilespmem:s18+$0xA240]  }
0x1f8: {  	v7 =	vld [tilespmem:s18+$0xF240]  }
0x1f9: {  	[tilespmem:s18+$0x19210] =	vst v4;
	v3 =	vmul.f32 v3, v8;
	v4 =	vld [tilespmem:s18+$0xA250]  }
0x1fa: {  	v8 =	vld [tilespmem:s18+$0xF250]  }
0x1fb: {  	[tilespmem:s18+$0x19220] =	vst v3;
	v3 =	vmul.f32 v5, v9;
	v9 =	vld [tilespmem:s18+$0xA260]  }
0x1fc: {  	v10 =	vld [tilespmem:s18+$0xF260]  }
0x1fd: {  	[tilespmem:s18+$0x19230] =	vst v3;
	v3 =	vmul.f32 v7, v6;
	v7 =	vld [tilespmem:s18+$0xA270]  }
0x1fe: {  	v11 =	vld [tilespmem:s18+$0xF270]  }
0x1ff: {  	[tilespmem:s18+$0x19240] =	vst v3;
	v4 =	vmul.f32 v8, v4;
	v3 =	vld [tilespmem:s18+$0xA600]  }
.Ltmp1:
0x200: {  	v5 =	vld [tilespmem:s18+$0xF600];
	(pc) =	sbr.rel @p0 .LBB2_5-.Ltmp1, $4  }
0x201: {  	[tilespmem:s18+$0x19250] =	vst v4;
	v8 =	vmul.f32 v10, v9;
	v4 =	vld [tilespmem:s18+$0xA610]  }
0x202: {  	s23 =	sadd.s32 $0x80, s23;
	v6 =	vld [tilespmem:s18+$0xF610]  }
0x203: {  	s25 =	sand.u32 $0x380, s23;
	s24 =	sand.u32 $0x7800, s16;
	[tilespmem:s18+$0x19260] =	vst v8;
	v9 =	vmul.f32 v11, v7;
	v7 =	vld [tilespmem:s18+$0xA620]  }
0x204: {  	s16 =	sadd.s32 $0x100, s16;
	s24 =	sor.u32 s25, s24;
	v8 =	vld [tilespmem:s18+$0xF620]  }
0x205: {  	v10 =	vld [tilespmem:s24+$0xA630];
	[tilespmem:s18+$0x19270] =	vst v9;
	v3 =	vmul.f32 v5, v3  }
0x206: {  	v42 =	vld [tilespmem:s24+$0xF630]  }
0x207: {  	v9 =	vld [tilespmem:s24+$0xA200];
	[tilespmem:s18+$0x19600] =	vst v3;
	v3 =	vmul.f32 v6, v4  }
0x208: {  	v43 =	vld [tilespmem:s24+$0xF200]  }
0x209: {  	v44 =	vld [tilespmem:s24+$0xA210];
	[tilespmem:s18+$0x19610] =	vst v3;
	v3 =	vmul.f32 v8, v7  }
0x20a: {  	v45 =	vld [tilespmem:s24+$0xF210]  }
0x20b: {  	v46 =	vld [tilespmem:s24+$0xA220];
	[tilespmem:s18+$0x19620] =	vst v3  }
0x20c: {  	v47 =	vld [tilespmem:s24+$0xF220]  }
0x20d: {  	v3 =	vmul.f32 v42, v10;
	v48 =	vld [tilespmem:s24+$0xA230]  }
0x20e: {  	v50 =	vld [tilespmem:s24+$0xA240]  }
0x20f: {  	[tilespmem:s24+$0x19630] =	vst v3;
	v3 =	vld [tilespmem:s24+$0xF230]  }
0x210: {  	v51 =	vld [tilespmem:s24+$0xF240]  }
0x211: {  	v53 =	vld [tilespmem:s24+$0xA250]  }
0x212: {  	v54 =	vld [tilespmem:s24+$0xF250]  }
0x213: {  	v55 =	vld [tilespmem:s24+$0xA260]  }
0x214: {  	v56 =	vld [tilespmem:s24+$0xF260];
	v3 =	vmul.f32 v3, v48  }
0x215: {  	v57 =	vld [tilespmem:s24+$0xA270]  }
0x216: {  	v58 =	vld [tilespmem:s24+$0xF270];
	[tilespmem:s24+$0x19230] =	vst v3;
	v3 =	vmul.f32 v51, v50  }
0x217: {  	v59 =	vld [tilespmem:s24+$0xA600]  }
0x218: {  	v60 =	vld [tilespmem:s24+$0xF600];
	[tilespmem:s24+$0x19240] =	vst v3;
	v3 =	vmul.f32 v54, v53  }
0x219: {  	v61 =	vld [tilespmem:s24+$0xA610]  }
0x21a: {  	v62 =	vld [tilespmem:s24+$0xF610];
	[tilespmem:s24+$0x19250] =	vst v3;
	v3 =	vmul.f32 v56, v55  }
0x21b: {  	v63 =	vld [tilespmem:s24+$0xF620];
	v4 =	vmul.f32 v43, v9  }
0x21c: {  	v49 =	vmul.f32 v45, v44;
	[tilespmem:s24+$0x19260] =	vst v3;
	v3 =	vld [tilespmem:s24+$0xA620]  }
0x21d: {  	[tilespmem:s24+$0x19200] =	vst v4;
	v52 =	vmul.f32 v47, v46  }
0x21e: {  	s13 =	sadd.s32 $0x1, s13;
	[tilespmem:s24+$0x19210] =	vst v49;
	v6 =	vmul.f32 v58, v57  }
0x21f: {  	p0 =	sne.s32 s13, $0x3E;
	v5 =	vmul.f32 v60, v59;
	[tilespmem:s24+$0x19220] =	vst v52  }
.Ltmp2:
0x220: {  	v4 =	vmul.f32 v62, v61;
	[tilespmem:s24+$0x19270] =	vst v6;
	(pc) =	sbr.rel @p0 .LBB2_2-.Ltmp2, $4  }
0x221: {  	[tilespmem:s24+$0x19600] =	vst v5;
	v3 =	vmul.f32 v63, v3  }
0x222: {  	s16 =	sshll.u32 s22, $0x5;
	[tilespmem:s24+$0x19610] =	vst v4  }
0x223: {  	s16 =	sadd.s32 s7, s16;
	[tilespmem:s24+$0x19620] =	vst v3  }
0x224: {  	[hbm4b:s16+s3] =	stream.linear.scatter [tilespmem:s21], [sflag:$0x4], $0x5000, $0x38;
	[tilespmem:$0x1E200] =	vst v63  }
0x225: {  	_ =	swait.ge [sflag:s15], $0x5000  }
0x226: {  	[sflag:s15] =	ssyncset.done $0x0  }
0x227: {  	[sflag:s15] =	ssyncadd.s32 $0xFFFFB000  }
0x228: {  	_ =	swait.ge [sflag:s15], $0x5000  }
0x229: {  	[sflag:s15] =	ssyncset.done $0x0  }
0x22a: {  	s24 =	simm.s32 $0x3;
	[sflag:s15] =	ssyncadd.s32 $0xFFFFB000  }
0x22b: {  	s13 =	simm.s32 $0x0;
	_ =	swait.ge [sflag:s24], $0x5000  }
0x22c: {  	s16 =	sand.u32 $0x7800, s13;
	s13 =	sand.u32 $0x380, s13;
	[sflag:s24] =	ssyncset.done $0x0  }
0x22d: {  	s13 =	sor.u32 s13, s16;
	[sflag:s24] =	ssyncadd.s32 $0xFFFFB000  }
0x22e: {  	v3 =	vld [tilespmem:s13+$0x630]  }
0x22f: {  	v4 =	vld [tilespmem:s13+$0x5630]  }
0x230: {  	v5 =	vld [tilespmem:s13+$0x200]  }
0x231: {  	v6 =	vld [tilespmem:s13+$0x5200]  }
0x232: {  	v7 =	vld [tilespmem:s13+$0x210]  }
0x233: {  	v8 =	vld [tilespmem:s13+$0x5210]  }
0x234: {  	v9 =	vld [tilespmem:s13+$0x220]  }
0x235: {  	v10 =	vld [tilespmem:s13+$0x230]  }
0x236: {  	v3 =	vmul.f32 v4, v3;
	v4 =	vld [tilespmem:s13+$0x5220]  }
0x237: {  	v5 =	vmul.f32 v6, v5;
	v6 =	vld [tilespmem:s13+$0x240]  }
0x238: {  	[tilespmem:s13+$0x14630] =	vst v3;
	v3 =	vld [tilespmem:s13+$0x5230]  }
0x239: {  	[tilespmem:s13+$0x14200] =	vst v5;
	v5 =	vmul.f32 v8, v7;
	v7 =	vld [tilespmem:s13+$0x5240]  }
0x23a: {  	v8 =	vld [tilespmem:s13+$0x5250]  }
0x23b: {  	[tilespmem:s13+$0x14210] =	vst v5;
	v5 =	vld [tilespmem:s13+$0x250]  }
0x23c: {  	v11 =	vld [tilespmem:s13+$0x5270];
	v4 =	vmul.f32 v4, v9  }
0x23d: {  	v9 =	vld [tilespmem:s13+$0x5260];
	v3 =	vmul.f32 v3, v10  }
0x23e: {  	[tilespmem:s13+$0x14220] =	vst v4;
	v4 =	vld [tilespmem:s13+$0x260]  }
0x23f: {  	v10 =	vld [tilespmem:s13+$0x270];
	[tilespmem:s13+$0x14230] =	vst v3;
	v3 =	vmul.f32 v7, v6  }
0x240: {  	v6 =	vmul.f32 v8, v5;
	v5 =	vld [tilespmem:s13+$0x5600]  }
0x241: {  	[tilespmem:s13+$0x14240] =	vst v3;
	v3 =	vld [tilespmem:s13+$0x600]  }
0x242: {  	[tilespmem:s13+$0x14250] =	vst v6;
	v6 =	vld [tilespmem:s13+$0x5610]  }
0x243: {  	s26 =	simm.s32 $0x100;
	s18 =	simm.s32 $0x80;
	v7 =	vmul.f32 v9, v4;
	v4 =	vld [tilespmem:s13+$0x610]  }
0x244: {  	s22 =	sand.u32 $0x380, s18;
	s16 =	sand.u32 $0x7800, s26;
	v8 =	vld [tilespmem:s13+$0x5620];
	v9 =	vmul.f32 v11, v10  }
0x245: {  	s22 =	sor.u32 s22, s16;
	s16 =	simm.s32 $0x200;
	[tilespmem:s13+$0x14260] =	vst v7;
	v7 =	vld [tilespmem:s13+$0x620]  }
.LBB2_8:
0x246: {  	p0 =	sne.s32 s16, $0x4F00;
	v10 =	vld [tilespmem:s22+$0x630];
	[tilespmem:s13+$0x14270] =	vst v9;
	v3 =	vmul.f32 v5, v3  }
0x247: {  	v5 =	vld [tilespmem:s22+$0x5630]  }
0x248: {  	v9 =	vld [tilespmem:s22+$0x200];
	[tilespmem:s13+$0x14600] =	vst v3;
	v3 =	vmul.f32 v6, v4  }
0x249: {  	v4 =	vld [tilespmem:s22+$0x5200]  }
0x24a: {  	v6 =	vld [tilespmem:s22+$0x210];
	[tilespmem:s13+$0x14610] =	vst v3;
	v3 =	vmul.f32 v8, v7  }
0x24b: {  	v7 =	vld [tilespmem:s22+$0x5210]  }
0x24c: {  	v8 =	vld [tilespmem:s22+$0x220];
	v5 =	vmul.f32 v5, v10;
	[tilespmem:s13+$0x14620] =	vst v3;
	s13 =	smov.u32 s22  }
0x24d: {  	v3 =	vld [tilespmem:s13+$0x5220]  }
0x24e: {  	v4 =	vmul.f32 v4, v9;
	v9 =	vld [tilespmem:s13+$0x230];
	[tilespmem:s13+$0x14630] =	vst v5  }
0x24f: {  	v5 =	vld [tilespmem:s13+$0x5230]  }
0x250: {  	[tilespmem:s13+$0x14200] =	vst v4;
	v4 =	vmul.f32 v7, v6;
	v6 =	vld [tilespmem:s13+$0x240]  }
0x251: {  	v7 =	vld [tilespmem:s13+$0x5240]  }
0x252: {  	[tilespmem:s13+$0x14210] =	vst v4;
	v3 =	vmul.f32 v3, v8;
	v4 =	vld [tilespmem:s13+$0x250]  }
0x253: {  	v8 =	vld [tilespmem:s13+$0x5250]  }
0x254: {  	[tilespmem:s13+$0x14220] =	vst v3;
	v3 =	vmul.f32 v5, v9;
	v9 =	vld [tilespmem:s13+$0x260]  }
0x255: {  	v10 =	vld [tilespmem:s13+$0x5260]  }
0x256: {  	[tilespmem:s13+$0x14230] =	vst v3;
	v3 =	vmul.f32 v7, v6;
	v7 =	vld [tilespmem:s13+$0x270]  }
0x257: {  	v11 =	vld [tilespmem:s13+$0x5270]  }
0x258: {  	[tilespmem:s13+$0x14240] =	vst v3;
	v4 =	vmul.f32 v8, v4;
	v3 =	vld [tilespmem:s13+$0x600]  }
.Ltmp3:
0x259: {  	v5 =	vld [tilespmem:s13+$0x5600];
	(pc) =	sbr.rel @p0 .LBB2_8-.Ltmp3, $4  }
0x25a: {  	[tilespmem:s13+$0x14250] =	vst v4;
	v8 =	vmul.f32 v10, v9;
	v4 =	vld [tilespmem:s13+$0x610]  }
0x25b: {  	s18 =	sadd.s32 $0x80, s18;
	v6 =	vld [tilespmem:s13+$0x5610]  }
0x25c: {  	s23 =	sand.u32 $0x380, s18;
	s22 =	sand.u32 $0x7800, s16;
	[tilespmem:s13+$0x14260] =	vst v8;
	v9 =	vmul.f32 v11, v7;
	v7 =	vld [tilespmem:s13+$0x620]  }
0x25d: {  	s16 =	sadd.s32 $0x100, s16;
	s22 =	sor.u32 s23, s22;
	v8 =	vld [tilespmem:s13+$0x5620]  }
0x25e: {  	v10 =	vld [tilespmem:s22+$0x630];
	[tilespmem:s13+$0x14270] =	vst v9;
	v3 =	vmul.f32 v5, v3  }
0x25f: {  	v42 =	vld [tilespmem:s22+$0x5630]  }
0x260: {  	v9 =	vld [tilespmem:s22+$0x200];
	[tilespmem:s13+$0x14600] =	vst v3;
	v3 =	vmul.f32 v6, v4  }
0x261: {  	v43 =	vld [tilespmem:s22+$0x5200]  }
0x262: {  	v44 =	vld [tilespmem:s22+$0x210];
	[tilespmem:s13+$0x14610] =	vst v3;
	v3 =	vmul.f32 v8, v7  }
0x263: {  	v45 =	vld [tilespmem:s22+$0x5210]  }
0x264: {  	v46 =	vld [tilespmem:s22+$0x220];
	[tilespmem:s13+$0x14620] =	vst v3  }
0x265: {  	v47 =	vld [tilespmem:s22+$0x5220]  }
0x266: {  	v3 =	vmul.f32 v42, v10;
	v48 =	vld [tilespmem:s22+$0x230]  }
0x267: {  	v50 =	vld [tilespmem:s22+$0x240]  }
0x268: {  	[tilespmem:s22+$0x14630] =	vst v3;
	v3 =	vld [tilespmem:s22+$0x5230]  }
0x269: {  	v51 =	vld [tilespmem:s22+$0x5240]  }
0x26a: {  	v53 =	vld [tilespmem:s22+$0x250]  }
0x26b: {  	v54 =	vld [tilespmem:s22+$0x5250]  }
0x26c: {  	v55 =	vld [tilespmem:s22+$0x260]  }
0x26d: {  	v56 =	vld [tilespmem:s22+$0x5260];
	v3 =	vmul.f32 v3, v48  }
0x26e: {  	v57 =	vld [tilespmem:s22+$0x270]  }
0x26f: {  	v58 =	vld [tilespmem:s22+$0x5270];
	[tilespmem:s22+$0x14230] =	vst v3;
	v3 =	vmul.f32 v51, v50  }
0x270: {  	v59 =	vld [tilespmem:s22+$0x600]  }
0x271: {  	v60 =	vld [tilespmem:s22+$0x5600];
	[tilespmem:s22+$0x14240] =	vst v3;
	v3 =	vmul.f32 v54, v53  }
0x272: {  	v61 =	vld [tilespmem:s22+$0x610]  }
0x273: {  	v62 =	vld [tilespmem:s22+$0x5610];
	[tilespmem:s22+$0x14250] =	vst v3;
	v3 =	vmul.f32 v56, v55  }
0x274: {  	v63 =	vld [tilespmem:s22+$0x5620];
	v4 =	vmul.f32 v43, v9  }
0x275: {  	v49 =	vmul.f32 v45, v44;
	[tilespmem:s22+$0x14260] =	vst v3;
	v3 =	vld [tilespmem:s22+$0x620]  }
0x276: {  	[tilespmem:s22+$0x14200] =	vst v4;
	v52 =	vmul.f32 v47, v46  }
0x277: {  	[tilespmem:s22+$0x14210] =	vst v49;
	v6 =	vmul.f32 v58, v57  }
0x278: {  	v5 =	vmul.f32 v60, v59;
	[tilespmem:s22+$0x14220] =	vst v52  }
0x279: {  	v4 =	vmul.f32 v62, v61;
	[tilespmem:s22+$0x14270] =	vst v6  }
0x27a: {  	[tilespmem:s22+$0x14600] =	vst v5;
	v3 =	vmul.f32 v63, v3  }
0x27b: {  	[tilespmem:s22+$0x14610] =	vst v4  }
0x27c: {  	s23 =	rddreg [dreg:$0x5];
	s25 =	simm.s32 $0x4;
	[tilespmem:s22+$0x14620] =	vst v3  }
0x27d: {  	[hbm4b:s23+s3] =	stream.linear.scatter [tilespmem:s20], [sflag:$0x3], $0x5000, $0x38;
	[tilespmem:$0x1E200] =	vst v63  }
0x27e: {  	_ =	swait.ge [sflag:s25], $0x5000  }
0x27f: {  	[sflag:s25] =	ssyncset.done $0x0  }
0x280: {  	[sflag:s25] =	ssyncadd.s32 $0xFFFFB000  }
0x281: {  	_ =	swait.ge [sflag:s24], $0x5000  }
0x282: {  	s16 =	rddreg [dreg:$0x7]  }
0x283: {  	s26 =	rddreg [dreg:$0x6];
	s16 =	sadd.s32 $0x1, s16  }
0x284: {  	p0 =	sne.s32 s16, s26  }
.Ltmp4:
0x285: {  	_ = 	snop;
	(pc) =	sbr.rel @p0 .LBB2_1-.Ltmp4, $3  }
0x286: {  	_ =	sdelay $0x1  }
0x287: {  	[sflag:s24] =	ssyncset.done $0x0  }
0x288: {  	[sflag:s24] =	ssyncadd.s32 $0xFFFFB000  }
0x289: {  	_ =	sfence.sel $0x180000  }
0x28a: {  	[bflag:$0x0] =	sbarrier.arrive $0xFFFF  }
0x28b: {  	_ =	strace $0x90000047  }
0x28c: {  	s0 =	stileid.u32;
	[bflag:$0x2] =	sbarrier.arrive $0xFFFF  }
0x28d: {  	p0 =	sne.s32 s0, $0x0;
	s0 =	rddreg [dreg:$0x2]  }
0x28e: {  	s0 =	sadd.s32 @!p0 $0x100000, s0  }
0x28f: {  	[sflag:s0] =	ssyncadd.tile.s32 @!p0 $0x1;
	_ =	shalt  }
.Lfunc_end2:
_tile_overlayer_lowered:
.L_overlay_start_2:
0x290: {  	(tag) =	ssettag $0x2  }
0x291: {  	s0 =	rddreg [dreg:$0x0];
	s2 =	stileid.u32  }
0x292: {  	s1 =	rddreg [dreg:$0x1];
	p0 =	sne.s32 s2, $0x0  }
0x293: {  	s3 =	rddreg [dreg:$0x2];
	[bflag:$0x3] =	sbarrier.arrive $0xFFFF;
	s2 =	simm.s32 @!p0 $0x1C05  }
0x294: {  	[timem:s3], [sflag:s2] =	dma.local @!p0 [hbm:s0], s1  }
0x295: {  	s0 =	simm.s32 @!p0 $0x5  }
0x296: {  	_ =	swait.ge @!p0 [sflag:s0], s1  }
0x297: {  	s1 =	ssub.s32 @!p0 $0x0, s1;
	[sflag:s0] =	ssyncset.done @!p0 $0x0  }
0x298: {  	[sflag:s0] =	ssyncadd.s32 @!p0 s1  }
0x299: {  	[bflag:$0x3] =	sbarrier.arrive $0xFFFF  }
0x29a: {  	_ =	shalt  }

// kernel: kernel.8.cloned.1.call-start
scs
__scs_entry_jumppad:
0x0: {  	(pc) =	sbr.rel $0x88, $3  }
0x1: {  	(tag) =	ssettag $0x0;
	lr =	simm.s32 $0x1  }
0x2: {  	[smem:$0x3F9A] =	sst lr;
	_ =	strace $0xD0000000  }
0x3: {  	_ = 	snop  }
0x4: {  	_ = 	snop  }
0x5: {  	_ = 	snop  }
0x6: {  	_ = 	snop  }
0x7: {  	_ = 	snop  }
__scs_overlays_trampoline_lowered:
0x8: {  	[smem:$0x3FA9] =	sst s0  }
0x9: {  	[smem:$0x3FAA] =	sst s1  }
0xa: {  	[smem:$0x3FAB] =	sst s2  }
0xb: {  	[smem:$0x3FAC] =	sst s3  }
0xc: {  	[smem:$0x3FAD] =	sst s4  }
0xd: {  	[smem:$0x3FAE] =	sst s5  }
0xe: {  	[smem:$0x3FAF] =	sst s6  }
0xf: {  	[smem:$0x3FB0] =	sst s7  }
0x10: {  	[smem:$0x3FB1] =	sst s8  }
0x11: {  	[smem:$0x3FB2] =	sst s9;
	s0 =	simm.s32 @!p0 $0x0  }
0x12: {  	s1 =	sld [smem:$0x3F98];
	s0 =	simm.s32 @p0 $0x1  }
0x13: {  	[smem:$0x3FB3] =	sst s0;
	s0 =	simm.s32 @!p1 $0x0  }
0x14: {  	s2 =	sld [smem:$0x3F97];
	s0 =	simm.s32 @p1 $0x1  }
0x15: {  	[smem:$0x3FB4] =	sst s0;
	s0 =	simm.s32 @!p2 $0x0  }
0x16: {  	s3 =	sld [smem:$0x3FDB];
	s0 =	simm.s32 @p2 $0x1  }
0x17: {  	s4 =	simm.s32 $0x1BF5;
	[smem:$0x3FB6] =	sst s0  }
0x18: {  	s0 =	sld [smem:$0x3F99];
	_ =	swait.ge [sflag:s4], $0x0  }
0x19: {  	s7 =	sld [smem:$0x3F9A]  }
0x1a: {  	s8 =	sadd.s32 $0xFFFFE003, lr  }
0x1b: {  	s9 =	sadd.s32 $0xFFFFFEF7, lr;
	s5 =	simm.s32 $0xFFFFFFFF;
	p2 =	slt.u32 s8, $0xFFFFF086  }
0x1c: {  	p1 =	slt.u32 s9, $0xF7A;
	s5 =	simm.s32 @!p2 $0x0  }
0x1d: {  	s5 =	simm.s32 @p1 $0x1;
	p0 =	seq.s32 s7, s2  }
0x1e: {  	s7 =	smul.u32 @!p0 $0xF7A, s2;
	p2 =	seq.s32 @!p0 s5, $0x0  }
0x1f: {  	s9 =	smul.u32 $0xF7A, s1;
	s8 =	simm.s32 @!p0 $0x1BF5;
	p2 =	por !p2, p0  }
0x20: {  	[sflag:s8] =	ssyncset.s32 @!p0 $0xFFFFF086;
	s6 =	sadd.s32 @!p0 s3, s7;
	s7 =	simm.s32 @!p0 $0x108  }
0x21: {  	s3 =	sadd.s32 s3, s9;
	s6 =	sadd.s32 @!p0 $0x88, s6;
	s7 =	simm.s32 @p2 $0x1082  }
0x22: {  	[simem:s7], [sflag:s8] =	dma.local @!p0 [hbm:s6], $0xF7A  }
0x23: {  	s9 =	sor.u32 $0xD0000000, s2;
	s6 =	simm.s32 $0x108;
	_ =	swait.ge @!p0 [sflag:s8], $0x0  }
0x24: {  	s3 =	sadd.s32 $0x88, s3;
	s6 =	simm.s32 @!p1 $0x1082;
	[sflag:s4] =	ssyncset.s32 $0xFFFFF086  }
0x25: {  	[simem:s6], [sflag:s4] =	dma.local [hbm:s3], $0xF7A  }
0x26: {  	[smem:$0x3F9A] =	sst s1;
	(tag) =	ssettag s2;
	_ =	strace s9  }
0x27: {  	s1 =	sld [smem:$0x3FAA]  }
0x28: {  	s2 =	sld [smem:$0x3FAB]  }
0x29: {  	s4 =	sld [smem:$0x3FAD]  }
0x2a: {  	p0 =	seq.s32 s5, $0x0;
	s5 =	sld [smem:$0x3FAE]  }
0x2b: {  	s6 =	sld [smem:$0x3FAF]  }
0x2c: {  	s7 =	sld [smem:$0x3FB0]  }
0x2d: {  	s3 =	simm.s32 $0x108;
	s8 =	sld [smem:$0x3FB1]  }
0x2e: {  	s3 =	simm.s32 @!p0 $0x1082;
	s9 =	sld [smem:$0x3FB2]  }
0x2f: {  	lr =	sadd.s32 s0, s3;
	s0 =	sld [smem:$0x3FA9]  }
0x30: {  	s3 =	sld [smem:$0x3FAC]  }
0x31: {  	[smem:$0x3FB5] =	sst s10  }
0x32: {  	s10 =	sld [smem:$0x3FB3];
	_ =	sdelay $0x3  }
0x33: {  	p0 =	seq.s32 s10, $0x1;
	s10 =	sld [smem:$0x3FB5];
	_ =	sdelay $0x3  }
0x34: {  	[smem:$0x3FB5] =	sst s10  }
0x35: {  	s10 =	sld [smem:$0x3FB4];
	_ =	sdelay $0x3  }
0x36: {  	p1 =	seq.s32 s10, $0x1;
	s10 =	sld [smem:$0x3FB5];
	_ =	sdelay $0x3  }
0x37: {  	[smem:$0x3FB5] =	sst s10  }
0x38: {  	s10 =	sld [smem:$0x3FB6]  }
0x39: {  	_ = 	snop;
	(pc) =	sbr.ind lr, $3  }
0x3a: {  	_ = 	snop  }
0x3b: {  	_ = 	snop  }
0x3c: {  	p2 =	seq.s32 s10, $0x1;
	s10 =	sld [smem:$0x3FB5]  }
0x3d: {  	_ =	shalt  }
0x3e: {  	_ =	shalt  }
0x3f: {  	_ =	shalt  }
0x40: {  	_ =	shalt  }
0x41: {  	_ =	shalt  }
0x42: {  	_ =	shalt  }
0x43: {  	_ =	shalt  }
0x44: {  	_ =	shalt  }
0x45: {  	_ =	shalt  }
0x46: {  	_ =	shalt  }
0x47: {  	_ =	shalt  }
0x48: {  	_ =	shalt  }
0x49: {  	_ =	shalt  }
0x4a: {  	_ =	shalt  }
0x4b: {  	_ =	shalt  }
0x4c: {  	_ =	shalt  }
0x4d: {  	_ =	shalt  }
0x4e: {  	_ =	shalt  }
0x4f: {  	_ =	shalt  }
0x50: {  	_ =	shalt  }
0x51: {  	_ =	shalt  }
0x52: {  	_ =	shalt  }
0x53: {  	_ =	shalt  }
0x54: {  	_ =	shalt  }
0x55: {  	_ =	shalt  }
0x56: {  	_ =	shalt  }
0x57: {  	_ =	shalt  }
0x58: {  	_ =	shalt  }
0x59: {  	_ =	shalt  }
0x5a: {  	_ =	shalt  }
0x5b: {  	_ =	shalt  }
0x5c: {  	_ =	shalt  }
0x5d: {  	_ =	shalt  }
0x5e: {  	_ =	shalt  }
0x5f: {  	_ =	shalt  }
0x60: {  	_ =	shalt  }
0x61: {  	_ =	shalt  }
0x62: {  	_ =	shalt  }
0x63: {  	_ =	shalt  }
0x64: {  	_ =	shalt  }
0x65: {  	_ =	shalt  }
0x66: {  	_ =	shalt  }
0x67: {  	_ =	shalt  }
0x68: {  	_ =	shalt  }
0x69: {  	_ =	shalt  }
0x6a: {  	_ =	shalt  }
0x6b: {  	_ =	shalt  }
0x6c: {  	_ =	shalt  }
0x6d: {  	_ =	shalt  }
0x6e: {  	_ =	shalt  }
0x6f: {  	_ =	shalt  }
0x70: {  	_ =	shalt  }
0x71: {  	_ =	shalt  }
0x72: {  	_ =	shalt  }
0x73: {  	_ =	shalt  }
0x74: {  	_ =	shalt  }
0x75: {  	_ =	shalt  }
0x76: {  	_ =	shalt  }
0x77: {  	_ =	shalt  }
0x78: {  	_ =	shalt  }
0x79: {  	_ =	shalt  }
0x7a: {  	_ =	shalt  }
0x7b: {  	_ =	shalt  }
0x7c: {  	_ =	shalt  }
0x7d: {  	_ =	shalt  }
0x7e: {  	_ =	shalt  }
0x7f: {  	_ =	shalt  }
0x80: {  	_ =	shalt  }
0x81: {  	_ =	shalt  }
0x82: {  	_ =	shalt  }
0x83: {  	_ =	shalt  }
0x84: {  	_ =	shalt  }
0x85: {  	_ =	shalt  }
0x86: {  	_ =	shalt  }
0x87: {  	_ =	shalt  }
.Lfunc_end0:
.L_simem_size_0:
called_computation.1_lowered:
.L_overlay_start_0:
0x88: {  	s2 =	sld [smem:$0x3FD9]  }
0x89: {  	s3 =	sld [smem:$0x3FFE];
	_ =	sdelay $0x1  }
0x8a: {  	s1 =	srdreg.scid  }
0x8b: {  	s0 =	sand.u32 $0x1, s1  }
0x8c: {  	s14 =	sshll.u32 s0, $0xA;
	s2 =	sadd.s32 s3, s2  }
0x8d: {  	s2 =	sadd.s32 s2, s14  }
0x8e: {  	[smem:$0x3FC1] =	sst s2  }
0x8f: {  	_ = 	snop  }
0x90: {  	s2 =	sld [smem:$0x3FD0];
	_ =	sdelay $0x2  }
0x91: {  	s15 =	simm.s32 $0xA;
	s4 =	simm.s32 $0x10  }
0x92: {  	[smem:s4], [sflag:s15] =	dma.local [hbm:s2], $0x1  }
0x93: {  	_ =	swait.eq [sflag:s15], $0x1  }
0x94: {  	[sflag:s15] =	ssyncset.done $0x0  }
0x95: {  	[sflag:s15] =	ssyncadd.s32 $0xFFFFFFFF  }
0x96: {  	s16 =	sld [smem:$0x10];
	(tm) =	ssettm $0x1  }
0x97: {  	s17 =	sld [smem:$0x3FFB];
	_ =	sdelay $0x3  }
0x98: {  	_ =	strace s17  }
0x99: {  	s3 =	sld [smem:$0x3FFC];
	_ =	sdelay $0x3  }
0x9a: {  	_ =	strace s3  }
0x9b: {  	s3 =	sld [smem:$0x3FFD];
	_ =	sdelay $0x3  }
0x9c: {  	_ =	strace s3  }
0x9d: {  	_ =	strace $0x8FFFFFFF  }
0x9e: {  	s18 =	sld [smem:$0x3FDB];
	_ =	sdelay $0x1  }
0x9f: {  	s19 =	simm.s32 $_scs_section_size  }
0xa0: {  	s5 =	simm.s32 $_size__tile_overlayer_lowered;
	s6 =	simm.s32 $_tile_overlayer_lowered  }
0xa1: {  	s22 =	simm.s32 $0x1BFF;
	s21 =	sshll.u32 s6, $0x1;
	s3 =	sadd.s32 s19, s18  }
0xa2: {  	s7 =	simm.s32 $0x0;
	s20 =	sshll.u32 s5, $0x1;
	s5 =	sadd.s32 s21, s3  }
0xa3: {  	[timem:s7], [sflag:s22] =	dma.local [hbm:s5], s20  }
0xa4: {  	_ =	swait.ge [sflag:s22], s20  }
0xa5: {  	s4 =	ssub.s32 $0x0, s20;
	[sflag:s22] =	ssyncset.done $0x0  }
0xa6: {  	[sflag:s22] =	ssyncadd.s32 s4;
	_ =	sdelay $0x1  }
0xa7: {  	s23 =	simm.s32 $0x1B8B  }
0xa8: {  	_ =	swait.ge [sflag:s23], $0x1  }
0xa9: {  	[sflag:s23] =	ssyncset.done $0x0  }
0xaa: {  	s25 =	simm.s32 $0x1B8E;
	s24 =	sld [smem:$0x3FFE];
	[sflag:s23] =	ssyncadd.s32 $0xFFFFFFFF  }
0xab: {  	s26 =	simm.s32 $execute0_lowered;
	[smem:$0x3FD2] =	sst s25  }
0xac: {  	s5 =	sshll.u32 s26, $0x1;
	_ =	strace $0x80000049;
	[dreg:$0x1] =	wrdreg $0xFFFFFFFF  }
0xad: {  	s28 =	simm.s32 $_size_execute0_lowered;
	s3 =	sadd.s32 s3, s5;
	[dreg:$0x0] =	wrdreg $0x0  }
0xae: {  	s5 =	sshll.u32 s28, $0x1;
	[dreg:$0x2] =	wrdreg s3  }
0xaf: {  	[dreg:$0x3] =	wrdreg s5  }
0xb0: {  	[dreg:$0x4] =	wrdreg $0xC0  }
0xb1: {  	_ =	task [dreg:s7], $0x5FFFF  }
0xb2: {  	[dreg:$0x1] =	wrdreg $0xFFFFFFFF  }
0xb3: {  	[dreg:$0x0] =	wrdreg $0x60  }
0xb4: {  	[dreg:$0x2] =	wrdreg s24  }
0xb5: {  	[dreg:$0x3] =	wrdreg s16  }
0xb6: {  	[dreg:$0x4] =	wrdreg $0x7A000  }
0xb7: {  	[dreg:$0x5] =	wrdreg $0x9  }
0xb8: {  	_ =	task.clear_ibuf [dreg:s7], $0x6FFFF;
	_ =	strace $0x90000049  }
0xb9: {  	s29 =	simm.s32 $0x9;
	_ =	strace $0x8000004B  }
0xba: {  	_ =	swait.ge [sflag:s29], $0x1  }
0xbb: {  	[sflag:s29] =	ssyncadd.s32 $0xFFFFFFFF  }
0xbc: {  	_ =	strace $0x9000004B  }
0xbd: {  	_ =	sfence  }
0xbe: {  	s30 =	sld [smem:$0x0];
	_ =	sdelay $0x2  }
0xbf: {  	s31 =	sshll.u32 s1, $0xD;
	s1 =	sshrl.u32 s1, $0x2  }
0xc0: {  	s3 =	sand.u32 $0x4000, s31;
	s1 =	sadd.s32 s1, s30  }
0xc1: {  	s0 =	sor.u32 s3, s0;
	s1 =	sshll.u32 s1, $0x11  }
0xc2: {  	s0 =	sor.u32 s1, s0  }
0xc3: {  	s0 =	sadd.s32 $0x8F2B, s0  }
0xc4: {  	[sflag:s0] =	ssyncadd.remote.s32 $0x1  }
0xc5: {  	_ =	sfence.sel $0xFFFF  }
0xc6: {  	[dreg:$0x0] =	wrdreg $0xFFFFFFFF;
	(pc) =	sbr.abs _section_cstart, $3  }
0xc7: {  	[dreg:$0x1] =	wrdreg $0xFFFFFFFF  }
0xc8: {  	_ =	task.clear_ibuf [dreg:s7], $0x2FFFF;
	_ =	strace $0x9FFFFFFF  }
0xc9: {  	(tm) =	ssettm $0x7FFFFFFF  }
tec
execute0_lowered:
.L_overlay_start_1:
0x0: {  	(tag) =	ssettag $0x1  }
0x1: {  	s4 =	rddreg [dreg:$0x0]  }
0x2: {  	s1 =	rddreg [dreg:$0x1]  }
0x3: {  	s2 =	rddreg [dreg:$0x2];
	s3 =	simm.s32 $0x0;
	s22 =	stileid.u32  }
0x4: {  	s0 =	srdreg.scid;
	s30 =	simm.s32 $0x0;
	s8 =	smul.u32 $0xA000, s22  }
0x5: {  	[smem:$0x7FF] =	sst s3;
	s10 =	sor.u32 $0x10, s22;
	s12 =	smul.u32 $0x2800, s22  }
0x6: {  	s6 =	sand.u32 $0x1, s0;
	s11 =	sor.u32 $0x20, s22;
	s14 =	smul.u32 $0x2800, s10  }
0x7: {  	s5 =	sadd.s32 $0xA7F000, s4;
	s13 =	sor.u32 $0x30, s22;
	s15 =	smul.u32 $0x2800, s11  }
0x8: {  	s9 =	sadd.s32 $0x1400, s4;
	s17 =	sor.u32 $0x40, s22;
	s31 =	smul.u32 $0x2800, s13  }
0x9: {  	s19 =	sor.u32 $0x50, s22;
	s0 =	ssub.s32 $0x2, s6;
	s16 =	smul.u32 $0x2800, s17  }
0xa: {  	s20 =	sor.u32 $0x60, s22;
	s23 =	smul.u32 $0x2800, s19;
	s7 =	sshrl.u32 s0, $0x1  }
0xb: {  	s21 =	sor.u32 $0x70, s22;
	s0 =	ssub.s32 s0, s7;
	s7 =	smul.u32 $0x138800, s6  }
0xc: {  	_ =	strace $0x8000004A;
	p0 =	seq.s32 s6, $0x0;
	s13 =	smul.u32 $0xA000, s13  }
0xd: {  	s0 =	smax.u32 s0, $0x1;
	s12 =	sadd.s32 s12, s7;
	s25 =	sadd.s32 s7, s14  }
0xe: {  	s26 =	sadd.s32 s7, s15;
	s18 =	sadd.s32 s7, s31;
	s14 =	sadd.s32 s7, s23  }
0xf: {  	s23 =	sshll.u32 s22, $0x6;
	[dreg:$0x16] =	wrdreg s0;
	s12 =	sshrl.u32 s12, $0x3  }
0x10: {  	s6 =	sshrl.u32 s25, $0x3;
	s15 =	sshrl.u32 s26, $0x3;
	s26 =	sshrl.u32 s14, $0x3  }
0x11: {  	s14 =	sadd.s32 $0xA1CE00, s4;
	s24 =	sadd.s32 s9, s12;
	s6 =	sadd.s32 s9, s6  }
0x12: {  	s12 =	sadd.s32 s7, s16;
	s16 =	smul.u32 $0x2800, s21;
	[dreg:$0x4] =	wrdreg s24  }
0x13: {  	[dreg:$0x5] =	wrdreg s6;
	s6 =	sadd.s32 s9, s15;
	s24 =	smul.u32 $0x2800, s20  }
0x14: {  	s12 =	sshrl.u32 s12, $0x3;
	[dreg:$0x6] =	wrdreg s6;
	s6 =	sshrl.u32 s18, $0x3  }
0x15: {  	s25 =	sadd.s32 s9, s12;
	s12 =	simm.s32 $0xA75200;
	s18 =	sor.u32 $0x1C05, s23  }
0x16: {  	s6 =	sadd.s32 s9, s6;
	[dreg:$0x8] =	wrdreg s25;
	s31 =	sadd.s32 s7, s24  }
0x17: {  	s7 =	sadd.s32 s7, s16;
	s12 =	simm.s32 @!p0 $0xA6B400;
	s24 =	smul.u32 $0xA000, s17  }
0x18: {  	s16 =	sadd.s32 $0xE00, s4;
	s15 =	sadd.s32 s12, s4;
	s12 =	smul.u32 $0xA000, s11  }
0x19: {  	[dreg:$0x7] =	wrdreg s6;
	s6 =	sadd.s32 s9, s26;
	s26 =	smul.u32 $0xA000, s19  }
0x1a: {  	p0 =	sgt.u32 s22, $0xC;
	s7 =	sshrl.u32 s7, $0x3;
	s11 =	smul.u32 $0x4E20, s22  }
0x1b: {  	[dreg:$0x9] =	wrdreg s6;
	s6 =	sshrl.u32 s31, $0x3;
	s7 =	sadd.s32 s9, s7  }
0x1c: {  	s31 =	smul.u32 $0xA000, s20;
	s6 =	sadd.s32 s9, s6;
	[dreg:$0xb] =	wrdreg s7  }
0x1d: {  	s9 =	smul.u32 $0xA000, s10;
	s10 =	sshrl.u32 s8, $0x2;
	s25 =	sshrl.u32 s12, $0x2  }
0x1e: {  	s8 =	sshrl.u32 s24, $0x2;
	s12 =	smul.u32 $0x4E200, s22;
	s20 =	sshrl.u32 s11, $0x3  }
0x1f: {  	s28 =	sadd.s32 $0x28, s11;
	s29 =	sadd.s32 $0x50, s11;
	s22 =	simm.s32 $0x5200  }
0x20: {  	[dreg:$0xa] =	wrdreg s6;
	s4 =	sadd.s32 s10, s2;
	s10 =	sshrl.u32 s26, $0x2  }
0x21: {  	s24 =	sadd.s32 s1, s20;
	[dreg:$0xc] =	wrdreg s4;
	s6 =	sshrl.u32 s9, $0x2  }
0x22: {  	s4 =	sshrl.u32 s13, $0x2;
	s9 =	smul.u32 $0xA000, s21;
	s19 =	sadd.s32 s5, s12  }
0x23: {  	s21 =	sadd.s32 $0x4DF8, s11;
	[dreg:$0x17] =	wrdreg s24;
	s11 =	simm.s32 $0x2A00  }
0x24: {  	s12 =	simm.s32 $0x100;
	s24 =	simm.s32 $0x3;
	s6 =	sadd.s32 s6, s2  }
0x25: {  	s4 =	sadd.s32 s4, s2;
	[dreg:$0x14] =	wrdreg s19;
	s23 =	sshll.u32 s21, $0x4  }
0x26: {  	s19 =	simm.s32 $0x3E00;
	[dreg:$0xd] =	wrdreg s6;
	s6 =	sadd.s32 s25, s2  }
0x27: {  	[dreg:$0xf] =	wrdreg s4;
	s4 =	sadd.s32 s8, s2;
	s8 =	sshrl.u32 s9, $0x2  }
0x28: {  	s7 =	sadd.s32 s5, s23;
	s25 =	sadd.s32 s15, s20;
	[dreg:$0xe] =	wrdreg s6  }
0x29: {  	s9 =	simm.s32 $0x200;
	s20 =	simm.s32 $0x1;
	[dreg:$0x10] =	wrdreg s4  }
0x2a: {  	s23 =	simm.s32 $0x2;
	s6 =	sshrl.u32 s31, $0x2;
	[dreg:$0x15] =	wrdreg s7  }
0x2b: {  	s4 =	sadd.s32 s10, s2;
	s17 =	sadd.s32 s8, s2;
	[dreg:$0x18] =	wrdreg s25  }
0x2c: {  	s8 =	simm.s32 $0x5;
	s10 =	simm.s32 $0x28;
	[dreg:$0x11] =	wrdreg s4  }
0x2d: {  	s13 =	sadd.s32 s6, s2;
	[dreg:$0x13] =	wrdreg s17;
	s6 =	sshrl.u32 s21, $0x3  }
0x2e: {  	s25 =	simm.s32 $0x6600;
	[dreg:$0x12] =	wrdreg s13;
	s26 =	sadd.s32 s1, s6  }
0x2f: {  	s17 =	simm.s32 $0x1600;
	s31 =	sadd.s32 s15, s6;
	[dreg:$0x19] =	wrdreg s26  }
0x30: {  	s21 =	simm.s32 $0x180;
	s13 =	simm.s32 $0x80;
	[dreg:$0x1a] =	wrdreg s31  }
.LBB2_1:
0x31: {  	s0 =	rddreg [dreg:$0xc]  }
0x32: {  	s0 =	sshrl.u32 s0, $0x3  }
0x33: {  	[dreg:$0x1b] =	wrdreg s0  }
0x34: {  	[spmem:s0], [sflag:s18] =	dma.local [hbm:s16], $0x500  }
0x35: {  	_ =	swait.ge [sflag:s8], $0x500  }
0x36: {  	s6 =	rddreg [dreg:$0xd]  }
0x37: {  	[sflag:s8] =	ssyncset.done $0x0;
	s0 =	sshrl.u32 s6, $0x3  }
0x38: {  	[sflag:s8] =	ssyncadd.s32 $0xFFFFFB00;
	[dreg:$0x1c] =	wrdreg s0  }
0x39: {  	[spmem:s0], [sflag:s18] =	dma.local [hbm:s16], $0x500  }
0x3a: {  	_ =	swait.ge [sflag:s8], $0x500  }
0x3b: {  	s7 =	rddreg [dreg:$0xe]  }
0x3c: {  	[sflag:s8] =	ssyncset.done $0x0;
	s0 =	sshrl.u32 s7, $0x3  }
0x3d: {  	[sflag:s8] =	ssyncadd.s32 $0xFFFFFB00;
	[dreg:$0x1d] =	wrdreg s0  }
0x3e: {  	[spmem:s0], [sflag:s18] =	dma.local [hbm:s16], $0x500  }
0x3f: {  	_ =	swait.ge [sflag:s8], $0x500  }
0x40: {  	s26 =	rddreg [dreg:$0xf]  }
0x41: {  	[sflag:s8] =	ssyncset.done $0x0;
	s0 =	sshrl.u32 s26, $0x3  }
0x42: {  	[sflag:s8] =	ssyncadd.s32 $0xFFFFFB00;
	[dreg:$0x1e] =	wrdreg s0  }
0x43: {  	[spmem:s0], [sflag:s18] =	dma.local [hbm:s16], $0x500  }
0x44: {  	_ =	swait.ge [sflag:s8], $0x500  }
0x45: {  	s31 =	rddreg [dreg:$0x10]  }
0x46: {  	[sflag:s8] =	ssyncset.done $0x0;
	s0 =	sshrl.u32 s31, $0x3  }
0x47: {  	[sflag:s8] =	ssyncadd.s32 $0xFFFFFB00;
	[dreg:$0x1f] =	wrdreg s0  }
0x48: {  	[spmem:s0], [sflag:s18] =	dma.local [hbm:s16], $0x500  }
0x49: {  	_ =	swait.ge [sflag:s8], $0x500  }
0x4a: {  	s4 =	rddreg [dreg:$0x11]  }
0x4b: {  	[sflag:s8] =	ssyncset.done $0x0;
	s0 =	sshrl.u32 s4, $0x3  }
0x4c: {  	[sflag:s8] =	ssyncadd.s32 $0xFFFFFB00;
	[smem:$0x7FB] =	sst s0  }
0x4d: {  	[spmem:s0], [sflag:s18] =	dma.local [hbm:s16], $0x500  }
0x4e: {  	_ =	swait.ge [sflag:s8], $0x500  }
0x4f: {  	s6 =	rddreg [dreg:$0x12]  }
0x50: {  	[sflag:s8] =	ssyncset.done $0x0;
	s0 =	sshrl.u32 s6, $0x3  }
0x51: {  	[sflag:s8] =	ssyncadd.s32 $0xFFFFFB00;
	[smem:$0x7FC] =	sst s0  }
0x52: {  	[spmem:s0], [sflag:s18] =	dma.local [hbm:s16], $0x500  }
0x53: {  	_ =	swait.ge [sflag:s8], $0x500  }
0x54: {  	s0 =	rddreg [dreg:$0x13]  }
0x55: {  	[sflag:s8] =	ssyncset.done $0x0;
	s0 =	sshrl.u32 @!p0 s0, $0x3  }
0x56: {  	[sflag:s8] =	ssyncadd.s32 $0xFFFFFB00;
	[smem:$0x7FD] =	sst s0  }
0x57: {  	[spmem:s0], [sflag:s18] =	dma.local @!p0 [hbm:s16], $0x500  }
0x58: {  	s0 =	simm.s32 @!p0 $0x5  }
0x59: {  	_ =	swait.ge @!p0 [sflag:s0], $0x500  }
0x5a: {  	[sflag:s0] =	ssyncset.done @!p0 $0x0  }
0x5b: {  	[sflag:s0] =	ssyncadd.s32 @!p0 $0xFFFFFB00  }
0x5c: {  	[bflag:$0x0] =	sbarrier.arrive $0xFFFF  }
0x5d: {  	s7 =	rddreg [dreg:$0x18]  }
0x5e: {  	[tilespmem:s3], [sflag:$0x5] =	stream.linear.gather [hbm4b:s7+s3], $0x28, $0x38;
	[tilespmem:$0x1B280] =	vst v63  }
0x5f: {  	_ =	swait.ge [sflag:s8], $0x28  }
0x60: {  	[sflag:s8] =	ssyncset.done $0x0  }
0x61: {  	s26 =	rddreg [dreg:$0x14];
	[sflag:s8] =	ssyncadd.s32 $0xFFFFFFD8  }
0x62: {  	[tilespmem:s9], [sflag:$0x5] =	stream.linear.gather [hbm4b:s26+s3], $0x1400, $0x38;
	[tilespmem:$0x1B280] =	vst v63  }
0x63: {  	_ =	swait.ge [sflag:s8], $0x1400  }
0x64: {  	[sflag:s8] =	ssyncset.done $0x0  }
0x65: {  	[sflag:s8] =	ssyncadd.s32 $0xFFFFEC00  }
0x66: {  	[tilespmem:s11], [sflag:$0x1] =	stream.indirect.gather [hbm4b:s14+s10], $0x80, s3, s10, $0xb8;
	[tilespmem:$0x1B280] =	vst v63  }
0x67: {  	s31 =	rddreg [dreg:$0x17]  }
0x68: {  	[tilespmem:s12], [sflag:$0x5] =	stream.linear.gather [hbm4b:s31+s3], $0x28, $0x38;
	[tilespmem:$0x1B280] =	vst v63  }
0x69: {  	_ =	swait.ge [sflag:s8], $0x28  }
0x6a: {  	[sflag:s8] =	ssyncset.done $0x0  }
0x6b: {  	s4 =	simm.s32 $0x0;
	[sflag:s8] =	ssyncadd.s32 $0xFFFFFFD8  }
.LBB2_2:
0x6c: {  	s6 =	smul.u32 $0x50, s4;
	_ =	sdelay $0x1  }
0x6d: {  	s0 =	sadd.s32 s6, s28  }
0x6e: {  	s7 =	sshrl.u32 s0, $0x3  }
0x6f: {  	s31 =	simm.s32 $0x0;
	s26 =	sadd.s32 s15, s7  }
0x70: {  	[tilespmem:s13], [sflag:$0x5] =	stream.linear.gather [hbm4b:s26+s31], $0x28, $0x38;
	[tilespmem:$0x1B280] =	vst v63  }
0x71: {  	_ =	swait.ge [sflag:s8], $0x28  }
0x72: {  	s0 =	sshll.u32 s0, $0x4;
	[sflag:s8] =	ssyncset.done $0x0  }
0x73: {  	s0 =	sadd.s32 s5, s0;
	[sflag:s8] =	ssyncadd.s32 $0xFFFFFFD8  }
0x74: {  	[tilespmem:s17], [sflag:$0x5] =	stream.linear.gather [hbm4b:s0+s31], $0x1400, $0x38;
	[tilespmem:$0x1B280] =	vst v63  }
0x75: {  	_ =	swait.ge [sflag:s8], $0x1400  }
0x76: {  	[sflag:s8] =	ssyncset.done $0x0  }
0x77: {  	[sflag:s8] =	ssyncadd.s32 $0xFFFFEC00  }
0x78: {  	[tilespmem:s19], [sflag:$0x2] =	stream.indirect.gather [hbm4b:s14+s10], $0x80, s13, s10, $0xb8;
	[tilespmem:$0x1B280] =	vst v63  }
0x79: {  	_ =	swait.ge [sflag:s20], $0x1400  }
0x7a: {  	[sflag:s20] =	ssyncset.done $0x0  }
0x7b: {  	s31 =	simm.s32 $0x0;
	[sflag:s20] =	ssyncadd.s32 $0xFFFFEC00  }
0x7c: {  	v0 =	vld [tilespmem:s31+$0x200]  }
0x7d: {  	v1 =	vld [tilespmem:s31+$0x2A70]  }
0x7e: {  	v6 =	vld [tilespmem:s31+$0x2A00]  }
0x7f: {  	v7 =	vld [tilespmem:s31+$0x2A10]  }
0x80: {  	v8 =	vld [tilespmem:s31+$0x2A20]  }
0x81: {  	v5 =	vld [tilespmem:s31+$0x2A30]  }
0x82: {  	v3 =	vld [tilespmem:s31+$0x2A40];
	v1 =	vmul.f32 v1, v0  }
0x83: {  	v4 =	vld [tilespmem:s31+$0x2A50];
	v9 =	vmul.f32 v6, v0  }
0x84: {  	s26 =	simm.s32 $0x80;
	v2 =	vld [tilespmem:s31+$0x2A60];
	v6 =	vmul.f32 v7, v0;
	[tilespmem:s31+$0x5270] =	vst v1  }
0x85: {  	s0 =	simm.s32 $0x400;
	v7 =	vmul.f32 v8, v0;
	v1 =	vld [tilespmem:s26+$0x200];
	[tilespmem:s31+$0x5200] =	vst v9  }
.LBB2_3:
0x86: {  	p1 =	sne.s32 s0, $0x4E00;
	v8 =	vld [tilespmem:s26+$0x2A70];
	[tilespmem:s31+$0x5210] =	vst v6;
	v5 =	vmul.f32 v5, v0  }
0x87: {  	v6 =	vld [tilespmem:s26+$0x2A00];
	[tilespmem:s31+$0x5220] =	vst v7;
	v3 =	vmul.f32 v3, v0  }
0x88: {  	v7 =	vld [tilespmem:s26+$0x2A10];
	[tilespmem:s31+$0x5230] =	vst v5;
	v4 =	vmul.f32 v4, v0  }
0x89: {  	v9 =	vld [tilespmem:s26+$0x2A20];
	[tilespmem:s31+$0x5240] =	vst v3;
	v2 =	vmul.f32 v2, v0  }
.Ltmp0:
0x8a: {  	v5 =	vld [tilespmem:s26+$0x2A30];
	[tilespmem:s31+$0x5250] =	vst v4;
	v0 =	vmov v1;
	(pc) =	sbr.rel @p1 .LBB2_3-.Ltmp0, $4  }
0x8b: {  	v3 =	vld [tilespmem:s26+$0x2A40];
	v1 =	vmul.f32 v8, v0;
	[tilespmem:s31+$0x5260] =	vst v2;
	s31 =	smov.u32 s26  }
0x8c: {  	v8 =	vmul.f32 v6, v0;
	v4 =	vld [tilespmem:s31+$0x2A50]  }
0x8d: {  	s26 =	sshra.s32 s0, $0x2;
	v6 =	vmul.f32 v7, v0;
	v2 =	vld [tilespmem:s31+$0x2A60];
	[tilespmem:s31+$0x5270] =	vst v1  }
0x8e: {  	s0 =	sadd.s32 $0x200, s0;
	v1 =	vld [tilespmem:s26+$0x200];
	[tilespmem:s31+$0x5200] =	vst v8;
	v7 =	vmul.f32 v9, v0  }
0x8f: {  	v8 =	vld [tilespmem:s26+$0x2A70];
	[tilespmem:s31+$0x5210] =	vst v6;
	v5 =	vmul.f32 v5, v0  }
0x90: {  	v6 =	vld [tilespmem:s26+$0x2A00];
	[tilespmem:s31+$0x5220] =	vst v7;
	v3 =	vmul.f32 v3, v0  }
0x91: {  	v7 =	vld [tilespmem:s26+$0x2A10];
	[tilespmem:s31+$0x5230] =	vst v5;
	v4 =	vmul.f32 v4, v0  }
0x92: {  	v5 =	vld [tilespmem:s26+$0x2A20];
	[tilespmem:s31+$0x5240] =	vst v3;
	v0 =	vmul.f32 v2, v0  }
0x93: {  	v3 =	vld [tilespmem:s26+$0x2A30];
	[tilespmem:s31+$0x5250] =	vst v4  }
0x94: {  	v2 =	vld [tilespmem:s26+$0x2A40];
	[tilespmem:s31+$0x5260] =	vst v0;
	v0 =	vmul.f32 v8, v1  }
0x95: {  	v4 =	vld [tilespmem:s26+$0x2A50];
	v6 =	vmul.f32 v6, v1  }
0x96: {  	v8 =	vld [tilespmem:s26+$0x2A60];
	v7 =	vmul.f32 v7, v1;
	[tilespmem:s26+$0x5270] =	vst v0  }
0x97: {  	[tilespmem:s26+$0x5200] =	vst v6;
	v0 =	vmul.f32 v5, v1  }
0x98: {  	[tilespmem:s26+$0x5210] =	vst v7;
	v3 =	vmul.f32 v3, v1  }
0x99: {  	[tilespmem:s26+$0x5220] =	vst v0;
	v0 =	vmul.f32 v2, v1  }
0x9a: {  	[tilespmem:s26+$0x5230] =	vst v3;
	v2 =	vmul.f32 v4, v1  }
0x9b: {  	[tilespmem:s26+$0x5240] =	vst v0;
	v0 =	vmul.f32 v8, v1  }
0x9c: {  	p1 =	seq.s32 s4, $0x0;
	[tilespmem:s26+$0x5250] =	vst v2  }
0x9d: {  	s0 =	simm.s32 @!p1 $0x4;
	[tilespmem:s26+$0x5260] =	vst v0  }
0x9e: {  	_ =	swait.ge @!p1 [sflag:s0], $0x1400  }
0x9f: {  	[sflag:s0] =	ssyncset.done @!p1 $0x0  }
0xa0: {  	s26 =	sadd.s32 s1, s7;
	s7 =	simm.s32 $0x0;
	[sflag:s0] =	ssyncadd.s32 @!p1 $0xFFFFEC00  }
0xa1: {  	[tilespmem:s21], [sflag:$0x5] =	stream.linear.gather [hbm4b:s26+s7], $0x28, $0x38;
	[tilespmem:$0x1B280] =	vst v63  }
0xa2: {  	_ =	swait.ge [sflag:s8], $0x28  }
0xa3: {  	s0 =	sadd.s32 s6, s29;
	[sflag:s8] =	ssyncset.done $0x0  }
0xa4: {  	s6 =	sshrl.u32 s0, $0x3;
	[sflag:s8] =	ssyncadd.s32 $0xFFFFFFD8  }
0xa5: {  	[spmem:s2] =	stream.indirect.scatter.add.f32 [tilespmem:s22], [sflag:$0x3], $0x80, s12, s10, $0xb8;
	[tilespmem:$0x1B280] =	vst v63  }
0xa6: {  	s31 =	sadd.s32 s15, s6  }
0xa7: {  	[tilespmem:s7], [sflag:$0x5] =	stream.linear.gather [hbm4b:s31+s7], $0x28, $0x38;
	[tilespmem:$0x1B280] =	vst v63  }
0xa8: {  	_ =	swait.ge [sflag:s8], $0x28  }
0xa9: {  	s0 =	sshll.u32 s0, $0x4;
	[sflag:s8] =	ssyncset.done $0x0  }
0xaa: {  	s0 =	sadd.s32 s5, s0;
	[sflag:s8] =	ssyncadd.s32 $0xFFFFFFD8  }
0xab: {  	[tilespmem:s9], [sflag:$0x5] =	stream.linear.gather [hbm4b:s0+s7], $0x1400, $0x38;
	[tilespmem:$0x1B280] =	vst v63  }
0xac: {  	_ =	swait.ge [sflag:s8], $0x1400  }
0xad: {  	[sflag:s8] =	ssyncset.done $0x0  }
0xae: {  	[sflag:s8] =	ssyncadd.s32 $0xFFFFEC00  }
0xaf: {  	[tilespmem:s11], [sflag:$0x1] =	stream.indirect.gather [hbm4b:s14+s10], $0x80, s7, s10, $0xb8;
	[tilespmem:$0x1B280] =	vst v63  }
0xb0: {  	_ =	swait.ge [sflag:s23], $0x1400  }
0xb1: {  	[sflag:s23] =	ssyncset.done $0x0  }
0xb2: {  	s26 =	simm.s32 $0x0;
	[sflag:s23] =	ssyncadd.s32 $0xFFFFEC00  }
0xb3: {  	v0 =	vld [tilespmem:s26+$0x1600]  }
0xb4: {  	v1 =	vld [tilespmem:s26+$0x3E70]  }
0xb5: {  	v6 =	vld [tilespmem:s26+$0x3E00]  }
0xb6: {  	v7 =	vld [tilespmem:s26+$0x3E10]  }
0xb7: {  	v8 =	vld [tilespmem:s26+$0x3E20]  }
0xb8: {  	v5 =	vld [tilespmem:s26+$0x3E30]  }
0xb9: {  	v3 =	vld [tilespmem:s26+$0x3E40];
	v1 =	vmul.f32 v1, v0  }
0xba: {  	v4 =	vld [tilespmem:s26+$0x3E50];
	v9 =	vmul.f32 v6, v0  }
0xbb: {  	s7 =	simm.s32 $0x80;
	v2 =	vld [tilespmem:s26+$0x3E60];
	v6 =	vmul.f32 v7, v0;
	[tilespmem:s26+$0x6670] =	vst v1  }
0xbc: {  	s0 =	simm.s32 $0x400;
	v7 =	vmul.f32 v8, v0;
	v1 =	vld [tilespmem:s7+$0x1600];
	[tilespmem:s26+$0x6600] =	vst v9  }
.LBB2_5:
0xbd: {  	p1 =	sne.s32 s0, $0x4E00;
	v8 =	vld [tilespmem:s7+$0x3E70];
	[tilespmem:s26+$0x6610] =	vst v6;
	v5 =	vmul.f32 v5, v0  }
0xbe: {  	v6 =	vld [tilespmem:s7+$0x3E00];
	[tilespmem:s26+$0x6620] =	vst v7;
	v3 =	vmul.f32 v3, v0  }
0xbf: {  	v7 =	vld [tilespmem:s7+$0x3E10];
	[tilespmem:s26+$0x6630] =	vst v5;
	v4 =	vmul.f32 v4, v0  }
0xc0: {  	v9 =	vld [tilespmem:s7+$0x3E20];
	[tilespmem:s26+$0x6640] =	vst v3;
	v2 =	vmul.f32 v2, v0  }
.Ltmp1:
0xc1: {  	v5 =	vld [tilespmem:s7+$0x3E30];
	[tilespmem:s26+$0x6650] =	vst v4;
	v0 =	vmov v1;
	(pc) =	sbr.rel @p1 .LBB2_5-.Ltmp1, $4  }
0xc2: {  	v3 =	vld [tilespmem:s7+$0x3E40];
	v1 =	vmul.f32 v8, v0;
	[tilespmem:s26+$0x6660] =	vst v2;
	s26 =	smov.u32 s7  }
0xc3: {  	v8 =	vmul.f32 v6, v0;
	v4 =	vld [tilespmem:s26+$0x3E50]  }
0xc4: {  	s7 =	sshra.s32 s0, $0x2;
	v6 =	vmul.f32 v7, v0;
	v2 =	vld [tilespmem:s26+$0x3E60];
	[tilespmem:s26+$0x6670] =	vst v1  }
0xc5: {  	s0 =	sadd.s32 $0x200, s0;
	v1 =	vld [tilespmem:s7+$0x1600];
	[tilespmem:s26+$0x6600] =	vst v8;
	v7 =	vmul.f32 v9, v0  }
0xc6: {  	v8 =	vld [tilespmem:s7+$0x3E70];
	[tilespmem:s26+$0x6610] =	vst v6;
	v5 =	vmul.f32 v5, v0  }
0xc7: {  	v6 =	vld [tilespmem:s7+$0x3E00];
	[tilespmem:s26+$0x6620] =	vst v7;
	v3 =	vmul.f32 v3, v0  }
0xc8: {  	v7 =	vld [tilespmem:s7+$0x3E10];
	[tilespmem:s26+$0x6630] =	vst v5;
	v4 =	vmul.f32 v4, v0  }
0xc9: {  	v5 =	vld [tilespmem:s7+$0x3E20];
	[tilespmem:s26+$0x6640] =	vst v3;
	v56 =	vmul.f32 v2, v0  }
0xca: {  	v3 =	vld [tilespmem:s7+$0x3E30];
	[tilespmem:s26+$0x6650] =	vst v4  }
0xcb: {  	v57 =	vld [tilespmem:s7+$0x3E40];
	[tilespmem:s26+$0x6660] =	vst v56;
	v58 =	vmul.f32 v8, v1  }
0xcc: {  	v4 =	vld [tilespmem:s7+$0x3E50];
	v6 =	vmul.f32 v6, v1  }
0xcd: {  	v59 =	vld [tilespmem:s7+$0x3E60];
	v7 =	vmul.f32 v7, v1;
	[tilespmem:s7+$0x6670] =	vst v58  }
0xce: {  	[tilespmem:s7+$0x6600] =	vst v6;
	v60 =	vmul.f32 v5, v1  }
0xcf: {  	[tilespmem:s7+$0x6610] =	vst v7;
	v3 =	vmul.f32 v3, v1  }
0xd0: {  	[tilespmem:s7+$0x6620] =	vst v60;
	v61 =	vmul.f32 v57, v1  }
0xd1: {  	[tilespmem:s7+$0x6630] =	vst v3;
	v62 =	vmul.f32 v4, v1  }
0xd2: {  	v63 =	vmul.f32 v59, v1;
	[tilespmem:s7+$0x6640] =	vst v61  }
0xd3: {  	[tilespmem:s7+$0x6650] =	vst v62  }
0xd4: {  	[tilespmem:s7+$0x6660] =	vst v63  }
0xd5: {  	_ =	swait.ge [sflag:s24], $0x1400  }
0xd6: {  	s4 =	sadd.s32 $0x1, s4;
	[sflag:s24] =	ssyncset.done $0x0  }
0xd7: {  	s0 =	sadd.s32 s1, s6;
	p1 =	sne.s32 s4, $0xF9;
	[sflag:s24] =	ssyncadd.s32 $0xFFFFEC00  }
0xd8: {  	[tilespmem:s12], [sflag:$0x5] =	stream.linear.gather [hbm4b:s0+s3], $0x28, $0x38;
	[tilespmem:$0x1B280] =	vst v63  }
.Ltmp2:
0xd9: {  	_ = 	snop;
	(pc) =	sbr.rel @p1 .LBB2_2-.Ltmp2, $4  }
0xda: {  	_ =	swait.ge [sflag:s8], $0x28  }
0xdb: {  	[sflag:s8] =	ssyncset.done $0x0  }
0xdc: {  	[sflag:s8] =	ssyncadd.s32 $0xFFFFFFD8  }
0xdd: {  	[spmem:s2] =	stream.indirect.scatter.add.f32 [tilespmem:s25], [sflag:$0x4], $0x80, s21, s10, $0xb8;
	[tilespmem:$0x1B280] =	vst v63  }
0xde: {  	s0 =	simm.s32 $0x0;
	s4 =	rddreg [dreg:$0x1a]  }
0xdf: {  	[tilespmem:s13], [sflag:$0x5] =	stream.linear.gather [hbm4b:s4+s0], $0x28, $0x38;
	[tilespmem:$0x1B280] =	vst v63  }
0xe0: {  	_ =	swait.ge [sflag:s8], $0x28  }
0xe1: {  	[sflag:s8] =	ssyncset.done $0x0  }
0xe2: {  	s31 =	rddreg [dreg:$0x15];
	[sflag:s8] =	ssyncadd.s32 $0xFFFFFFD8  }
0xe3: {  	[tilespmem:s17], [sflag:$0x5] =	stream.linear.gather [hbm4b:s31+s0], $0x1400, $0x38;
	[tilespmem:$0x1B280] =	vst v63  }
0xe4: {  	_ =	swait.ge [sflag:s8], $0x1400  }
0xe5: {  	[sflag:s8] =	ssyncset.done $0x0  }
0xe6: {  	[sflag:s8] =	ssyncadd.s32 $0xFFFFEC00  }
0xe7: {  	[tilespmem:s19], [sflag:$0x2] =	stream.indirect.gather [hbm4b:s14+s10], $0x80, s13, s10, $0xb8;
	[tilespmem:$0x1B280] =	vst v63  }
0xe8: {  	_ =	swait.ge [sflag:s20], $0x1400  }
0xe9: {  	[sflag:s20] =	ssyncset.done $0x0  }
0xea: {  	s6 =	simm.s32 $0x0;
	[sflag:s20] =	ssyncadd.s32 $0xFFFFEC00  }
0xeb: {  	v0 =	vld [tilespmem:s6+$0x200]  }
0xec: {  	v1 =	vld [tilespmem:s6+$0x2A70]  }
0xed: {  	v6 =	vld [tilespmem:s6+$0x2A00]  }
0xee: {  	v7 =	vld [tilespmem:s6+$0x2A10]  }
0xef: {  	v8 =	vld [tilespmem:s6+$0x2A20]  }
0xf0: {  	v5 =	vld [tilespmem:s6+$0x2A30]  }
0xf1: {  	v3 =	vld [tilespmem:s6+$0x2A40];
	v1 =	vmul.f32 v1, v0  }
0xf2: {  	v4 =	vld [tilespmem:s6+$0x2A50];
	v9 =	vmul.f32 v6, v0  }
0xf3: {  	s4 =	simm.s32 $0x80;
	v2 =	vld [tilespmem:s6+$0x2A60];
	v6 =	vmul.f32 v7, v0;
	[tilespmem:s6+$0x5270] =	vst v1  }
0xf4: {  	s0 =	simm.s32 $0x400;
	v7 =	vmul.f32 v8, v0;
	v1 =	vld [tilespmem:s4+$0x200];
	[tilespmem:s6+$0x5200] =	vst v9  }
.LBB2_8:
0xf5: {  	p1 =	sne.s32 s0, $0x4E00;
	v8 =	vld [tilespmem:s4+$0x2A70];
	[tilespmem:s6+$0x5210] =	vst v6;
	v5 =	vmul.f32 v5, v0  }
0xf6: {  	v6 =	vld [tilespmem:s4+$0x2A00];
	[tilespmem:s6+$0x5220] =	vst v7;
	v3 =	vmul.f32 v3, v0  }
0xf7: {  	v7 =	vld [tilespmem:s4+$0x2A10];
	[tilespmem:s6+$0x5230] =	vst v5;
	v4 =	vmul.f32 v4, v0  }
0xf8: {  	v9 =	vld [tilespmem:s4+$0x2A20];
	[tilespmem:s6+$0x5240] =	vst v3;
	v2 =	vmul.f32 v2, v0  }
.Ltmp3:
0xf9: {  	v5 =	vld [tilespmem:s4+$0x2A30];
	[tilespmem:s6+$0x5250] =	vst v4;
	v0 =	vmov v1;
	(pc) =	sbr.rel @p1 .LBB2_8-.Ltmp3, $4  }
0xfa: {  	v3 =	vld [tilespmem:s4+$0x2A40];
	v1 =	vmul.f32 v8, v0;
	[tilespmem:s6+$0x5260] =	vst v2;
	s6 =	smov.u32 s4  }
0xfb: {  	v8 =	vmul.f32 v6, v0;
	v4 =	vld [tilespmem:s6+$0x2A50]  }
0xfc: {  	s4 =	sshra.s32 s0, $0x2;
	v6 =	vmul.f32 v7, v0;
	v2 =	vld [tilespmem:s6+$0x2A60];
	[tilespmem:s6+$0x5270] =	vst v1  }
0xfd: {  	s0 =	sadd.s32 $0x200, s0;
	v1 =	vld [tilespmem:s4+$0x200];
	[tilespmem:s6+$0x5200] =	vst v8;
	v7 =	vmul.f32 v9, v0  }
0xfe: {  	v8 =	vld [tilespmem:s4+$0x2A70];
	[tilespmem:s6+$0x5210] =	vst v6;
	v5 =	vmul.f32 v5, v0  }
0xff: {  	v6 =	vld [tilespmem:s4+$0x2A00];
	[tilespmem:s6+$0x5220] =	vst v7;
	v3 =	vmul.f32 v3, v0  }
0x100: {  	v7 =	vld [tilespmem:s4+$0x2A10];
	[tilespmem:s6+$0x5230] =	vst v5;
	v4 =	vmul.f32 v4, v0  }
0x101: {  	v5 =	vld [tilespmem:s4+$0x2A20];
	[tilespmem:s6+$0x5240] =	vst v3;
	v0 =	vmul.f32 v2, v0  }
0x102: {  	v3 =	vld [tilespmem:s4+$0x2A30];
	[tilespmem:s6+$0x5250] =	vst v4  }
0x103: {  	v2 =	vld [tilespmem:s4+$0x2A40];
	[tilespmem:s6+$0x5260] =	vst v0;
	v0 =	vmul.f32 v8, v1  }
0x104: {  	v4 =	vld [tilespmem:s4+$0x2A50];
	v6 =	vmul.f32 v6, v1  }
0x105: {  	v8 =	vld [tilespmem:s4+$0x2A60];
	v7 =	vmul.f32 v7, v1;
	[tilespmem:s4+$0x5270] =	vst v0  }
0x106: {  	[tilespmem:s4+$0x5200] =	vst v6;
	v0 =	vmul.f32 v5, v1  }
0x107: {  	[tilespmem:s4+$0x5210] =	vst v7;
	v3 =	vmul.f32 v3, v1  }
0x108: {  	[tilespmem:s4+$0x5220] =	vst v0;
	v0 =	vmul.f32 v2, v1  }
0x109: {  	[tilespmem:s4+$0x5230] =	vst v3;
	v2 =	vmul.f32 v4, v1  }
0x10a: {  	[tilespmem:s4+$0x5240] =	vst v0;
	v0 =	vmul.f32 v8, v1  }
0x10b: {  	[tilespmem:s4+$0x5250] =	vst v2  }
0x10c: {  	s7 =	simm.s32 $0x4;
	[tilespmem:s4+$0x5260] =	vst v0  }
0x10d: {  	_ =	swait.ge [sflag:s7], $0x1400  }
0x10e: {  	[sflag:s7] =	ssyncset.done $0x0  }
0x10f: {  	s0 =	simm.s32 $0x0;
	s31 =	rddreg [dreg:$0x19];
	[sflag:s7] =	ssyncadd.s32 $0xFFFFEC00  }
0x110: {  	[tilespmem:s21], [sflag:$0x5] =	stream.linear.gather [hbm4b:s31+s0], $0x28, $0x38;
	[tilespmem:$0x1B280] =	vst v63  }
0x111: {  	_ =	swait.ge [sflag:s8], $0x28  }
0x112: {  	[sflag:s8] =	ssyncset.done $0x0  }
0x113: {  	[sflag:s8] =	ssyncadd.s32 $0xFFFFFFD8  }
0x114: {  	[spmem:s2] =	stream.indirect.scatter.add.f32 [tilespmem:s22], [sflag:$0x3], $0x80, s12, s10, $0xb8;
	[tilespmem:$0x1B280] =	vst v63  }
0x115: {  	_ =	swait.ge [sflag:s23], $0x1400  }
0x116: {  	[sflag:s23] =	ssyncset.done $0x0  }
0x117: {  	s6 =	simm.s32 $0x0;
	[sflag:s23] =	ssyncadd.s32 $0xFFFFEC00  }
0x118: {  	v0 =	vld [tilespmem:s6+$0x1600]  }
0x119: {  	v1 =	vld [tilespmem:s6+$0x3E70]  }
0x11a: {  	v6 =	vld [tilespmem:s6+$0x3E00]  }
0x11b: {  	v7 =	vld [tilespmem:s6+$0x3E10]  }
0x11c: {  	v8 =	vld [tilespmem:s6+$0x3E20]  }
0x11d: {  	v5 =	vld [tilespmem:s6+$0x3E30]  }
0x11e: {  	v3 =	vld [tilespmem:s6+$0x3E40];
	v1 =	vmul.f32 v1, v0  }
0x11f: {  	v4 =	vld [tilespmem:s6+$0x3E50];
	v9 =	vmul.f32 v6, v0  }
0x120: {  	s4 =	simm.s32 $0x80;
	v2 =	vld [tilespmem:s6+$0x3E60];
	v6 =	vmul.f32 v7, v0;
	[tilespmem:s6+$0x6670] =	vst v1  }
0x121: {  	s0 =	simm.s32 $0x400;
	v7 =	vmul.f32 v8, v0;
	v1 =	vld [tilespmem:s4+$0x1600];
	[tilespmem:s6+$0x6600] =	vst v9  }
.LBB2_10:
0x122: {  	p1 =	sne.s32 s0, $0x4E00;
	v8 =	vld [tilespmem:s4+$0x3E70];
	[tilespmem:s6+$0x6610] =	vst v6;
	v5 =	vmul.f32 v5, v0  }
0x123: {  	v6 =	vld [tilespmem:s4+$0x3E00];
	[tilespmem:s6+$0x6620] =	vst v7;
	v3 =	vmul.f32 v3, v0  }
0x124: {  	v7 =	vld [tilespmem:s4+$0x3E10];
	[tilespmem:s6+$0x6630] =	vst v5;
	v4 =	vmul.f32 v4, v0  }
0x125: {  	v9 =	vld [tilespmem:s4+$0x3E20];
	[tilespmem:s6+$0x6640] =	vst v3;
	v2 =	vmul.f32 v2, v0  }
.Ltmp4:
0x126: {  	v5 =	vld [tilespmem:s4+$0x3E30];
	[tilespmem:s6+$0x6650] =	vst v4;
	v0 =	vmov v1;
	(pc) =	sbr.rel @p1 .LBB2_10-.Ltmp4, $4  }
0x127: {  	v3 =	vld [tilespmem:s4+$0x3E40];
	v1 =	vmul.f32 v8, v0;
	[tilespmem:s6+$0x6660] =	vst v2;
	s6 =	smov.u32 s4  }
0x128: {  	v8 =	vmul.f32 v6, v0;
	v4 =	vld [tilespmem:s6+$0x3E50]  }
0x129: {  	s4 =	sshra.s32 s0, $0x2;
	v6 =	vmul.f32 v7, v0;
	v2 =	vld [tilespmem:s6+$0x3E60];
	[tilespmem:s6+$0x6670] =	vst v1  }
0x12a: {  	s0 =	sadd.s32 $0x200, s0;
	v1 =	vld [tilespmem:s4+$0x1600];
	[tilespmem:s6+$0x6600] =	vst v8;
	v7 =	vmul.f32 v9, v0  }
0x12b: {  	v8 =	vld [tilespmem:s4+$0x3E70];
	[tilespmem:s6+$0x6610] =	vst v6;
	v5 =	vmul.f32 v5, v0  }
0x12c: {  	v6 =	vld [tilespmem:s4+$0x3E00];
	[tilespmem:s6+$0x6620] =	vst v7;
	v3 =	vmul.f32 v3, v0  }
0x12d: {  	v7 =	vld [tilespmem:s4+$0x3E10];
	[tilespmem:s6+$0x6630] =	vst v5;
	v4 =	vmul.f32 v4, v0  }
0x12e: {  	v5 =	vld [tilespmem:s4+$0x3E20];
	[tilespmem:s6+$0x6640] =	vst v3;
	v56 =	vmul.f32 v2, v0  }
0x12f: {  	v3 =	vld [tilespmem:s4+$0x3E30];
	[tilespmem:s6+$0x6650] =	vst v4  }
0x130: {  	v57 =	vld [tilespmem:s4+$0x3E40];
	[tilespmem:s6+$0x6660] =	vst v56;
	v58 =	vmul.f32 v8, v1  }
0x131: {  	v4 =	vld [tilespmem:s4+$0x3E50];
	v6 =	vmul.f32 v6, v1  }
0x132: {  	v59 =	vld [tilespmem:s4+$0x3E60];
	v7 =	vmul.f32 v7, v1;
	[tilespmem:s4+$0x6670] =	vst v58  }
0x133: {  	[tilespmem:s4+$0x6600] =	vst v6;
	v60 =	vmul.f32 v5, v1  }
0x134: {  	[tilespmem:s4+$0x6610] =	vst v7;
	v3 =	vmul.f32 v3, v1  }
0x135: {  	[tilespmem:s4+$0x6620] =	vst v60;
	v61 =	vmul.f32 v57, v1  }
0x136: {  	[tilespmem:s4+$0x6630] =	vst v3;
	v62 =	vmul.f32 v4, v1  }
0x137: {  	v63 =	vmul.f32 v59, v1;
	[tilespmem:s4+$0x6640] =	vst v61  }
0x138: {  	[tilespmem:s4+$0x6650] =	vst v62  }
0x139: {  	[tilespmem:s4+$0x6660] =	vst v63  }
0x13a: {  	_ =	swait.ge [sflag:s24], $0x1400  }
0x13b: {  	[sflag:s24] =	ssyncset.done $0x0  }
0x13c: {  	[sflag:s24] =	ssyncadd.s32 $0xFFFFEC00  }
0x13d: {  	[spmem:s2] =	stream.indirect.scatter.add.f32 [tilespmem:s25], [sflag:$0x4], $0x80, s21, s10, $0xb8;
	[tilespmem:$0x1B280] =	vst v63  }
0x13e: {  	_ =	swait.ge [sflag:s7], $0x1400  }
0x13f: {  	[sflag:s7] =	ssyncset.done $0x0  }
0x140: {  	[sflag:s7] =	ssyncadd.s32 $0xFFFFEC00  }
0x141: {  	[bflag:$0x0] =	sbarrier.arrive $0xFFFF  }
0x142: {  	s0 =	rddreg [dreg:$0x4]  }
0x143: {  	s31 =	rddreg [dreg:$0x1b]  }
0x144: {  	[hbm:s0], [sflag:s18] =	dma.local [spmem:s31], $0x500  }
0x145: {  	_ =	swait.ge [sflag:s8], $0x500  }
0x146: {  	[sflag:s8] =	ssyncset.done $0x0;
	s6 =	rddreg [dreg:$0x5]  }
0x147: {  	s7 =	rddreg [dreg:$0x1c];
	[sflag:s8] =	ssyncadd.s32 $0xFFFFFB00  }
0x148: {  	[hbm:s6], [sflag:s18] =	dma.local [spmem:s7], $0x500  }
0x149: {  	_ =	swait.ge [sflag:s8], $0x500  }
0x14a: {  	[sflag:s8] =	ssyncset.done $0x0;
	s26 =	rddreg [dreg:$0x6]  }
0x14b: {  	s31 =	rddreg [dreg:$0x1d];
	[sflag:s8] =	ssyncadd.s32 $0xFFFFFB00  }
0x14c: {  	[hbm:s26], [sflag:s18] =	dma.local [spmem:s31], $0x500  }
0x14d: {  	_ =	swait.ge [sflag:s8], $0x500  }
0x14e: {  	[sflag:s8] =	ssyncset.done $0x0;
	s6 =	rddreg [dreg:$0x7]  }
0x14f: {  	s7 =	rddreg [dreg:$0x1e];
	[sflag:s8] =	ssyncadd.s32 $0xFFFFFB00  }
0x150: {  	[hbm:s6], [sflag:s18] =	dma.local [spmem:s7], $0x500  }
0x151: {  	_ =	swait.ge [sflag:s8], $0x500  }
0x152: {  	[sflag:s8] =	ssyncset.done $0x0;
	s26 =	rddreg [dreg:$0x8]  }
0x153: {  	s31 =	rddreg [dreg:$0x1f];
	[sflag:s8] =	ssyncadd.s32 $0xFFFFFB00  }
0x154: {  	[hbm:s26], [sflag:s18] =	dma.local [spmem:s31], $0x500  }
0x155: {  	_ =	swait.ge [sflag:s8], $0x500  }
0x156: {  	s6 =	sld [smem:$0x7FB]  }
0x157: {  	[sflag:s8] =	ssyncset.done $0x0  }
0x158: {  	s4 =	rddreg [dreg:$0x9];
	[sflag:s8] =	ssyncadd.s32 $0xFFFFFB00  }
0x159: {  	[hbm:s4], [sflag:s18] =	dma.local [spmem:s6], $0x500  }
0x15a: {  	_ =	swait.ge [sflag:s8], $0x500  }
0x15b: {  	s26 =	sld [smem:$0x7FC]  }
0x15c: {  	[sflag:s8] =	ssyncset.done $0x0  }
0x15d: {  	s7 =	rddreg [dreg:$0xa];
	[sflag:s8] =	ssyncadd.s32 $0xFFFFFB00  }
0x15e: {  	[hbm:s7], [sflag:s18] =	dma.local [spmem:s26], $0x500  }
0x15f: {  	_ =	swait.ge [sflag:s8], $0x500  }
0x160: {  	s4 =	sld [smem:$0x7FD]  }
0x161: {  	[sflag:s8] =	ssyncset.done $0x0  }
0x162: {  	s0 =	rddreg [dreg:$0xb];
	[sflag:s8] =	ssyncadd.s32 $0xFFFFFB00  }
0x163: {  	[hbm:s0], [sflag:s18] =	dma.local @!p0 [spmem:s4], $0x500  }
0x164: {  	s0 =	simm.s32 @!p0 $0x5  }
0x165: {  	_ =	swait.ge @!p0 [sflag:s0], $0x500  }
0x166: {  	s30 =	sadd.s32 $0x1, s30;
	s31 =	rddreg [dreg:$0x16]  }
0x167: {  	p1 =	sne.s32 s30, s31  }
.Ltmp5:
0x168: {  	_ = 	snop;
	(pc) =	sbr.rel @p1 .LBB2_1-.Ltmp5, $3  }
0x169: {  	_ =	sdelay $0x1  }
0x16a: {  	[sflag:s0] =	ssyncset.done @!p0 $0x0  }
0x16b: {  	[sflag:s0] =	ssyncadd.s32 @!p0 $0xFFFFFB00  }
0x16c: {  	_ =	sfence.sel $0x180000  }
0x16d: {  	[bflag:$0x0] =	sbarrier.arrive $0xFFFF  }
0x16e: {  	_ =	strace $0x9000004A  }
0x16f: {  	s0 =	stileid.u32;
	[bflag:$0x2] =	sbarrier.arrive $0xFFFF  }
0x170: {  	p0 =	sne.s32 s0, $0x0;
	s0 =	rddreg [dreg:$0x3]  }
0x171: {  	s0 =	sadd.s32 @!p0 $0x100000, s0  }
0x172: {  	[sflag:s0] =	ssyncadd.tile.s32 @!p0 $0x1;
	_ =	shalt  }
.Lfunc_end2:
_tile_overlayer_lowered:
.L_overlay_start_2:
0x173: {  	(tag) =	ssettag $0x2  }
0x174: {  	s0 =	rddreg [dreg:$0x0];
	s2 =	stileid.u32  }
0x175: {  	s1 =	rddreg [dreg:$0x1];
	p0 =	sne.s32 s2, $0x0  }
0x176: {  	s3 =	rddreg [dreg:$0x2];
	[bflag:$0x3] =	sbarrier.arrive $0xFFFF;
	s2 =	simm.s32 @!p0 $0x1C05  }
0x177: {  	[timem:s3], [sflag:s2] =	dma.local @!p0 [hbm:s0], s1  }
0x178: {  	s0 =	simm.s32 @!p0 $0x5  }
0x179: {  	_ =	swait.ge @!p0 [sflag:s0], s1  }
0x17a: {  	s1 =	ssub.s32 @!p0 $0x0, s1;
	[sflag:s0] =	ssyncset.done @!p0 $0x0  }
0x17b: {  	[sflag:s0] =	ssyncadd.s32 @!p0 s1  }
0x17c: {  	[bflag:$0x3] =	sbarrier.arrive $0xFFFF  }
0x17d: {  	_ =	shalt  }

</sc_bundles>
